<compile_context>
chip_gen: v7x
topology: tpu7x:2x2x1
jax: 0.10.2.dev20260603
libtpu: 0.0.44.dev20260713+nightly
codegen_flags: <defaults>
</compile_context>

<pallas_src>
import functools

import jax
import jax.numpy as jnp
from jax import lax
from jax.experimental import pallas as pl
from jax.experimental.pallas import tpu as pltpu
from jax.experimental.pallas import tpu_sc as plsc

BATCH = 4096
SEQ = 200
DIM = 32
HIDDEN = 8
VOCAB = 1000000
PAD_SEQ = 208
CHUNK = PAD_SEQ // 2
LANES = 16

NC = 2
NS = 16
NW = NC * NS
RPW = BATCH // NW
RIF = 4

DT_CB = 32768
DT_Q = DT_CB // 4
DT_BLOCKS = (VOCAB + DT_CB - 1) // DT_CB
VOCAB_PAD = DT_BLOCKS * DT_CB


def _sc_pool_body(x_hbm, emb_hbm, out_hbm, idx_v, bufs_v, pool_v, *sems):
    wid = lax.axis_index("s") * NC + lax.axis_index("c")
    base = wid * RPW

    pltpu.sync_copy(x_hbm.at[pl.ds(base, RPW)], idx_v)

    for r0 in range(RIF):
        for h in range(2):
            b = r0 * 2 + h
            pltpu.async_copy(emb_hbm.at[idx_v.at[r0, h]], bufs_v.at[b], sems[b])

    neg_inf = jnp.full((LANES,), -jnp.inf, dtype=jnp.float32)

    def group_body(g, carry):
        for r_off in range(RIF):
            r = g * RIF + r_off
            nxt = lax.rem(r + RIF, RPW)
            acc_lo = neg_inf
            acc_hi = neg_inf
            for h in range(2):
                b = r_off * 2 + h
                buf = bufs_v.at[b]
                pltpu.make_async_copy(
                    emb_hbm.at[idx_v.at[r, h]], buf, sems[b]).wait()

                def red(t, acc, buf=buf):
                    lo = jnp.maximum(acc[0], buf[t, pl.ds(0, LANES)])
                    hi = jnp.maximum(acc[1], buf[t, pl.ds(LANES, LANES)])
                    return (lo, hi)

                acc_lo, acc_hi = lax.fori_loop(
                    0, CHUNK, red, (acc_lo, acc_hi), unroll=8)
                pltpu.async_copy(emb_hbm.at[idx_v.at[nxt, h]], buf, sems[b])
            pool_v[r, pl.ds(0, LANES)] = acc_lo
            pool_v[r, pl.ds(LANES, LANES)] = acc_hi
        return carry

    lax.fori_loop(0, RPW // RIF, group_body, 0)

    for r0 in range(RIF):
        for h in range(2):
            b = r0 * 2 + h
            pltpu.make_async_copy(
                emb_hbm.at[idx_v.at[r0, h]], bufs_v.at[b], sems[b]).wait()

    pltpu.sync_copy(pool_v, out_hbm.at[pl.ds(base, RPW)])


_sc_pool = functools.partial(
    pl.kernel,
    out_type=jax.ShapeDtypeStruct((BATCH, DIM), jnp.float32),
    mesh=plsc.VectorSubcoreMesh(core_axis_name="c", subcore_axis_name="s"),
    scratch_types=[
        pltpu.VMEM((RPW, 2, CHUNK), jnp.int32),
        pltpu.VMEM((2 * RIF, CHUNK, DIM), jnp.float32),
        pltpu.VMEM((RPW, DIM), jnp.float32),
    ] + [pltpu.SemaphoreType.DMA] * (2 * RIF),
    compiler_params=pltpu.CompilerParams(use_tc_tiling_on_sc=False),
)(_sc_pool_body)


def _detile_body(src_ref, out_ref):
    t = src_ref[...].T
    for a in range(4):
        out_ref[:, DIM * a:DIM * (a + 1)] = t[DT_Q * a:DT_Q * (a + 1), :]


def _detile(emb):
    embt = emb.T
    return pl.pallas_call(
        _detile_body,
        grid=(DT_BLOCKS,),
        in_specs=[pl.BlockSpec((DIM, DT_CB), lambda i: (0, i))],
        out_specs=pl.BlockSpec((DT_CB // 4, 4 * DIM), lambda i: (i, 0)),
        out_shape=jax.ShapeDtypeStruct((VOCAB_PAD * DIM // 128, 128), jnp.float32),
    )(embt)


def _permute_idx(x):
    hi = x & ~(DT_CB - 1)
    return hi + 4 * (x & (DT_Q - 1)) + ((x & (DT_CB - 1)) >> (DT_Q.bit_length() - 1))


def _mlp_body(pooled_ref, w1t_ref, b1_ref, w2t_ref, b2_ref, out_ref):
    p = pooled_ref[...]
    h = jnp.dot(p, w1t_ref[...], preferred_element_type=jnp.float32)
    h = jnp.maximum(h + b1_ref[...], 0.0)
    z = jnp.dot(h, w2t_ref[...], preferred_element_type=jnp.float32)
    z = z + b2_ref[...]
    out_ref[...] = 1.0 / (1.0 + jnp.exp(-z))


def kernel(x, emb, W1, b1, W2, b2):
    x = _permute_idx(x.astype(jnp.int32))
    x_pad = jnp.concatenate([x, x[:, :PAD_SEQ - SEQ]], axis=1)
    x_pad = x_pad.reshape(BATCH, 2, CHUNK)

    table = _detile(emb).reshape(VOCAB_PAD, DIM)
    pooled = _sc_pool(x_pad, table)

    out = pl.pallas_call(
        _mlp_body,
        out_shape=jax.ShapeDtypeStruct((BATCH, 1), jnp.float32),
    )(pooled, W1.T, b1.reshape(1, HIDDEN), W2.T, b2.reshape(1, 1))
    return out

# --- scband reference (transcript-rebuilt; emitter-appended) ---
"""Pipeline reference for scband-global-max-pool-model-84765474554137 (READ-ONLY COPY).

The authoritative reference and input builder live on the scoring server;
editing this copy changes nothing except your own understanding.
"""

import jax, jax.numpy as jnp
import numpy as np

VOCAB = 1000000
DIM = 32
HIDDEN = 8
BATCH = 4096
SEQ = 200

def setup_inputs(seed: int = 0) -> dict:
    key = jax.random.key(seed)
    k1, k2, k3, k4, k5, k6 = jax.random.split(key, 6)
    x = jax.random.randint(k1, (BATCH, SEQ), 0, VOCAB, dtype=jnp.int64 if jax.config.jax_enable_x64 else jnp.int32)
    emb = jax.random.normal(k2, (VOCAB, DIM), dtype=jnp.float32)
    W1 = jax.random.normal(k3, (HIDDEN, DIM), dtype=jnp.float32) * (1.0 / np.sqrt(DIM))
    b1 = jnp.zeros((HIDDEN,), dtype=jnp.float32)
    W2 = jax.random.normal(k4, (1, HIDDEN), dtype=jnp.float32) * (1.0 / np.sqrt(HIDDEN))
    b2 = jnp.zeros((1,), dtype=jnp.float32)
    return {"x": x, "emb": emb, "W1": W1, "b1": b1, "W2": W2, "b2": b2}

def reference(x, emb, W1, b1, W2, b2):
    # embedding lookup: [B, L] -> [B, L, D]
    e = jnp.take(emb, x, axis=0)
    # permute + AdaptiveMaxPool1d(1) == max over sequence axis
    pooled = jnp.max(e, axis=1)  # [B, D]
    h = jax.nn.relu(pooled @ W1.T + b1)  # [B, HIDDEN]
    out = jax.nn.sigmoid(h @ W2.T + b2)  # [B, 1]
    return out

if __name__ == "__main__":
    import jax
    _d = setup_inputs()
    print(jax.jit(kernel)(*tuple(_d.values())))

</pallas_src>

<mosaic_0001>
#map = affine_map<(d0, d1) -> (0, 0, 0)>
#map1 = affine_map<(d0, d1) -> (0, 0)>
module attributes {stable_mosaic.version = 14 : i64} {
  func.func @_sc_pool_body(%arg0: i32, %arg1: i32, %arg2: memref<4096x2x104xi32, #tpu.memory_space<hbm>>, %arg3: memref<1015808x32xf32, #tpu.memory_space<hbm>>, %arg4: memref<4096x32xf32, #tpu.memory_space<hbm>>, %arg5: memref<128x2x104xi32, #tpu.memory_space<vmem>>, %arg6: memref<8x104x32xf32, #tpu.memory_space<vmem>>, %arg7: memref<128x32xf32, #tpu.memory_space<vmem>>, %arg8: memref<!tpu.dma_semaphore, #tpu.memory_space<semaphore_mem>>, %arg9: memref<!tpu.dma_semaphore, #tpu.memory_space<semaphore_mem>>, %arg10: memref<!tpu.dma_semaphore, #tpu.memory_space<semaphore_mem>>, %arg11: memref<!tpu.dma_semaphore, #tpu.memory_space<semaphore_mem>>, %arg12: memref<!tpu.dma_semaphore, #tpu.memory_space<semaphore_mem>>, %arg13: memref<!tpu.dma_semaphore, #tpu.memory_space<semaphore_mem>>, %arg14: memref<!tpu.dma_semaphore, #tpu.memory_space<semaphore_mem>>, %arg15: memref<!tpu.dma_semaphore, #tpu.memory_space<semaphore_mem>>) attributes {dimension_semantics = [#tpu.dimension_semantics<core_parallel>, #tpu.dimension_semantics<subcore_parallel>], iteration_bounds = array<i64: 2, 16>, scalar_prefetch = 0 : i64, scratch_operands = 11 : i64, tpu.core_type = #tpu.core_type<sc_vector_subcore>, window_params = [{transform_indices = #map}, {transform_indices = #map1}, {transform_indices = #map1}]} {
    %mul3A = arith.constant 2 : i32
    %mul3A_0 = arith.muli %arg1, %mul3A : i32
    %add3A = arith.addi %mul3A_0, %arg0 : i32
    %mul3A_1 = arith.constant 128 : i32
    %mul3A_2 = arith.muli %add3A, %mul3A_1 : i32
    "tpu.region"() ({
      %run_scoped3A = tpu.sem_alloc : memref<!tpu.dma_semaphore, #tpu.memory_space<semaphore_mem>>
      %dma_start3A_215 = arith.constant 0 : i32
      %dma_start3A_216 = arith.constant 0 : i32
      %dma_start3A_217 = tpu.memref_slice %arg2[%mul3A_2, %dma_start3A_215, %dma_start3A_216] : memref<4096x2x104xi32, #tpu.memory_space<hbm>> -> memref<128x2x104xi32, #tpu.memory_space<hbm>>
      %dma_start3A_218 = arith.constant 0 : i32
      %dma_start3A_219 = arith.constant 0 : i32
      %dma_start3A_220 = tpu.memref_slice %arg2[%mul3A_2, %dma_start3A_218, %dma_start3A_219] : memref<4096x2x104xi32, #tpu.memory_space<hbm>> -> memref<128x2x104xi32, #tpu.memory_space<hbm>>
      tpu.enqueue_dma source(%dma_start3A_220 : memref<128x2x104xi32, #tpu.memory_space<hbm>>) target(%arg5 : memref<128x2x104xi32, #tpu.memory_space<vmem>>) target_semaphore(%run_scoped3A : memref<!tpu.dma_semaphore, #tpu.memory_space<semaphore_mem>>)
      %dma_wait3A_221 = arith.constant 0 : i32
      %dma_wait3A_222 = arith.constant 0 : i32
      %dma_wait3A_223 = tpu.memref_slice %arg2[%mul3A_2, %dma_wait3A_221, %dma_wait3A_222] : memref<4096x2x104xi32, #tpu.memory_space<hbm>> -> memref<128x2x104xi32, #tpu.memory_space<hbm>>
      %dma_wait3A_224 = arith.constant 0 : i32
      %dma_wait3A_225 = arith.constant 0 : i32
      %dma_wait3A_226 = tpu.memref_slice %arg2[%mul3A_2, %dma_wait3A_224, %dma_wait3A_225] : memref<4096x2x104xi32, #tpu.memory_space<hbm>> -> memref<128x2x104xi32, #tpu.memory_space<hbm>>
      tpu.wait_dma2 semaphore(%run_scoped3A : memref<!tpu.dma_semaphore, #tpu.memory_space<semaphore_mem>>) src(%dma_wait3A_226 : memref<128x2x104xi32, #tpu.memory_space<hbm>>) dst(%arg5 : memref<128x2x104xi32, #tpu.memory_space<vmem>>)
      tpu.yield
    }) : () -> ()
    %dma_start3A = arith.constant 0 : i32
    %dma_start3A_3 = arith.constant 0 : i32
    %dma_start3A_4 = arith.constant 0 : i32
    %dma_start3A_5 = arith.constant 0 : i32
    %dma_start3A_6 = arith.constant 0 : i32
    %dma_start3A_7 = tpu.memref_slice %arg6[%dma_start3A_4, %dma_start3A_5, %dma_start3A_6] : memref<8x104x32xf32, #tpu.memory_space<vmem>> -> memref<1x104x32xf32, #tpu.memory_space<vmem>>
    %dma_start3A_8 = tpu.memref_squeeze %dma_start3A_7 : memref<1x104x32xf32, #tpu.memory_space<vmem>> -> memref<104x32xf32, #tpu.memory_space<vmem>>
    %dma_start3A_9 = arith.constant 0 : i32
    %dma_start3A_10 = tpu.memref_slice %arg5[%dma_start3A, %dma_start3A_3, %dma_start3A_9] : memref<128x2x104xi32, #tpu.memory_space<vmem>> -> memref<1x1x104xi32, #tpu.memory_space<vmem>>
    %dma_start3A_11 = tpu.memref_squeeze %dma_start3A_10 : memref<1x1x104xi32, #tpu.memory_space<vmem>> -> memref<104xi32, #tpu.memory_space<vmem>>
    %dma_start3A_12 = arith.constant 0 : i32
    %dma_start3A_13 = arith.constant 0 : i32
    %dma_start3A_14 = tpu.memref_slice %arg3[%dma_start3A_12, %dma_start3A_13] : memref<1015808x32xf32, #tpu.memory_space<hbm>> -> memref<1015808x32xf32, #tpu.memory_space<hbm>>
    tpu.enqueue_indirect_dma source(%dma_start3A_14 : memref<1015808x32xf32, #tpu.memory_space<hbm>>) target(%dma_start3A_8 : memref<104x32xf32, #tpu.memory_space<vmem>>) offsets(%dma_start3A_11 : memref<104xi32, #tpu.memory_space<vmem>>) semaphore(%arg8 : memref<!tpu.dma_semaphore, #tpu.memory_space<semaphore_mem>>)
    %dma_start3A_15 = arith.constant 0 : i32
    %dma_start3A_16 = arith.constant 1 : i32
    %dma_start3A_17 = arith.constant 1 : i32
    %dma_start3A_18 = arith.constant 0 : i32
    %dma_start3A_19 = arith.constant 0 : i32
    %dma_start3A_20 = tpu.memref_slice %arg6[%dma_start3A_17, %dma_start3A_18, %dma_start3A_19] : memref<8x104x32xf32, #tpu.memory_space<vmem>> -> memref<1x104x32xf32, #tpu.memory_space<vmem>>
    %dma_start3A_21 = tpu.memref_squeeze %dma_start3A_20 : memref<1x104x32xf32, #tpu.memory_space<vmem>> -> memref<104x32xf32, #tpu.memory_space<vmem>>
    %dma_start3A_22 = arith.constant 0 : i32
    %dma_start3A_23 = tpu.memref_slice %arg5[%dma_start3A_15, %dma_start3A_16, %dma_start3A_22] : memref<128x2x104xi32, #tpu.memory_space<vmem>> -> memref<1x1x104xi32, #tpu.memory_space<vmem>>
    %dma_start3A_24 = tpu.memref_squeeze %dma_start3A_23 : memref<1x1x104xi32, #tpu.memory_space<vmem>> -> memref<104xi32, #tpu.memory_space<vmem>>
    %dma_start3A_25 = arith.constant 0 : i32
    %dma_start3A_26 = arith.constant 0 : i32
    %dma_start3A_27 = tpu.memref_slice %arg3[%dma_start3A_25, %dma_start3A_26] : memref<1015808x32xf32, #tpu.memory_space<hbm>> -> memref<1015808x32xf32, #tpu.memory_space<hbm>>
    tpu.enqueue_indirect_dma source(%dma_start3A_27 : memref<1015808x32xf32, #tpu.memory_space<hbm>>) target(%dma_start3A_21 : memref<104x32xf32, #tpu.memory_space<vmem>>) offsets(%dma_start3A_24 : memref<104xi32, #tpu.memory_space<vmem>>) semaphore(%arg9 : memref<!tpu.dma_semaphore, #tpu.memory_space<semaphore_mem>>)
    %dma_start3A_28 = arith.constant 1 : i32
    %dma_start3A_29 = arith.constant 0 : i32
    %dma_start3A_30 = arith.constant 2 : i32
    %dma_start3A_31 = arith.constant 0 : i32
    %dma_start3A_32 = arith.constant 0 : i32
    %dma_start3A_33 = tpu.memref_slice %arg6[%dma_start3A_30, %dma_start3A_31, %dma_start3A_32] : memref<8x104x32xf32, #tpu.memory_space<vmem>> -> memref<1x104x32xf32, #tpu.memory_space<vmem>>
    %dma_start3A_34 = tpu.memref_squeeze %dma_start3A_33 : memref<1x104x32xf32, #tpu.memory_space<vmem>> -> memref<104x32xf32, #tpu.memory_space<vmem>>
    %dma_start3A_35 = arith.constant 0 : i32
    %dma_start3A_36 = tpu.memref_slice %arg5[%dma_start3A_28, %dma_start3A_29, %dma_start3A_35] : memref<128x2x104xi32, #tpu.memory_space<vmem>> -> memref<1x1x104xi32, #tpu.memory_space<vmem>>
    %dma_start3A_37 = tpu.memref_squeeze %dma_start3A_36 : memref<1x1x104xi32, #tpu.memory_space<vmem>> -> memref<104xi32, #tpu.memory_space<vmem>>
    %dma_start3A_38 = arith.constant 0 : i32
    %dma_start3A_39 = arith.constant 0 : i32
    %dma_start3A_40 = tpu.memref_slice %arg3[%dma_start3A_38, %dma_start3A_39] : memref<1015808x32xf32, #tpu.memory_space<hbm>> -> memref<1015808x32xf32, #tpu.memory_space<hbm>>
    tpu.enqueue_indirect_dma source(%dma_start3A_40 : memref<1015808x32xf32, #tpu.memory_space<hbm>>) target(%dma_start3A_34 : memref<104x32xf32, #tpu.memory_space<vmem>>) offsets(%dma_start3A_37 : memref<104xi32, #tpu.memory_space<vmem>>) semaphore(%arg10 : memref<!tpu.dma_semaphore, #tpu.memory_space<semaphore_mem>>)
    %dma_start3A_41 = arith.constant 1 : i32
    %dma_start3A_42 = arith.constant 1 : i32
    %dma_start3A_43 = arith.constant 3 : i32
    %dma_start3A_44 = arith.constant 0 : i32
    %dma_start3A_45 = arith.constant 0 : i32
    %dma_start3A_46 = tpu.memref_slice %arg6[%dma_start3A_43, %dma_start3A_44, %dma_start3A_45] : memref<8x104x32xf32, #tpu.memory_space<vmem>> -> memref<1x104x32xf32, #tpu.memory_space<vmem>>
    %dma_start3A_47 = tpu.memref_squeeze %dma_start3A_46 : memref<1x104x32xf32, #tpu.memory_space<vmem>> -> memref<104x32xf32, #tpu.memory_space<vmem>>
    %dma_start3A_48 = arith.constant 0 : i32
    %dma_start3A_49 = tpu.memref_slice %arg5[%dma_start3A_41, %dma_start3A_42, %dma_start3A_48] : memref<128x2x104xi32, #tpu.memory_space<vmem>> -> memref<1x1x104xi32, #tpu.memory_space<vmem>>
    %dma_start3A_50 = tpu.memref_squeeze %dma_start3A_49 : memref<1x1x104xi32, #tpu.memory_space<vmem>> -> memref<104xi32, #tpu.memory_space<vmem>>
    %dma_start3A_51 = arith.constant 0 : i32
    %dma_start3A_52 = arith.constant 0 : i32
    %dma_start3A_53 = tpu.memref_slice %arg3[%dma_start3A_51, %dma_start3A_52] : memref<1015808x32xf32, #tpu.memory_space<hbm>> -> memref<1015808x32xf32, #tpu.memory_space<hbm>>
    tpu.enqueue_indirect_dma source(%dma_start3A_53 : memref<1015808x32xf32, #tpu.memory_space<hbm>>) target(%dma_start3A_47 : memref<104x32xf32, #tpu.memory_space<vmem>>) offsets(%dma_start3A_50 : memref<104xi32, #tpu.memory_space<vmem>>) semaphore(%arg11 : memref<!tpu.dma_semaphore, #tpu.memory_space<semaphore_mem>>)
    %dma_start3A_54 = arith.constant 2 : i32
    %dma_start3A_55 = arith.constant 0 : i32
    %dma_start3A_56 = arith.constant 4 : i32
    %dma_start3A_57 = arith.constant 0 : i32
    %dma_start3A_58 = arith.constant 0 : i32
    %dma_start3A_59 = tpu.memref_slice %arg6[%dma_start3A_56, %dma_start3A_57, %dma_start3A_58] : memref<8x104x32xf32, #tpu.memory_space<vmem>> -> memref<1x104x32xf32, #tpu.memory_space<vmem>>
    %dma_start3A_60 = tpu.memref_squeeze %dma_start3A_59 : memref<1x104x32xf32, #tpu.memory_space<vmem>> -> memref<104x32xf32, #tpu.memory_space<vmem>>
    %dma_start3A_61 = arith.constant 0 : i32
    %dma_start3A_62 = tpu.memref_slice %arg5[%dma_start3A_54, %dma_start3A_55, %dma_start3A_61] : memref<128x2x104xi32, #tpu.memory_space<vmem>> -> memref<1x1x104xi32, #tpu.memory_space<vmem>>
    %dma_start3A_63 = tpu.memref_squeeze %dma_start3A_62 : memref<1x1x104xi32, #tpu.memory_space<vmem>> -> memref<104xi32, #tpu.memory_space<vmem>>
    %dma_start3A_64 = arith.constant 0 : i32
    %dma_start3A_65 = arith.constant 0 : i32
    %dma_start3A_66 = tpu.memref_slice %arg3[%dma_start3A_64, %dma_start3A_65] : memref<1015808x32xf32, #tpu.memory_space<hbm>> -> memref<1015808x32xf32, #tpu.memory_space<hbm>>
    tpu.enqueue_indirect_dma source(%dma_start3A_66 : memref<1015808x32xf32, #tpu.memory_space<hbm>>) target(%dma_start3A_60 : memref<104x32xf32, #tpu.memory_space<vmem>>) offsets(%dma_start3A_63 : memref<104xi32, #tpu.memory_space<vmem>>) semaphore(%arg12 : memref<!tpu.dma_semaphore, #tpu.memory_space<semaphore_mem>>)
    %dma_start3A_67 = arith.constant 2 : i32
    %dma_start3A_68 = arith.constant 1 : i32
    %dma_start3A_69 = arith.constant 5 : i32
    %dma_start3A_70 = arith.constant 0 : i32
    %dma_start3A_71 = arith.constant 0 : i32
    %dma_start3A_72 = tpu.memref_slice %arg6[%dma_start3A_69, %dma_start3A_70, %dma_start3A_71] : memref<8x104x32xf32, #tpu.memory_space<vmem>> -> memref<1x104x32xf32, #tpu.memory_space<vmem>>
    %dma_start3A_73 = tpu.memref_squeeze %dma_start3A_72 : memref<1x104x32xf32, #tpu.memory_space<vmem>> -> memref<104x32xf32, #tpu.memory_space<vmem>>
    %dma_start3A_74 = arith.constant 0 : i32
    %dma_start3A_75 = tpu.memref_slice %arg5[%dma_start3A_67, %dma_start3A_68, %dma_start3A_74] : memref<128x2x104xi32, #tpu.memory_space<vmem>> -> memref<1x1x104xi32, #tpu.memory_space<vmem>>
    %dma_start3A_76 = tpu.memref_squeeze %dma_start3A_75 : memref<1x1x104xi32, #tpu.memory_space<vmem>> -> memref<104xi32, #tpu.memory_space<vmem>>
    %dma_start3A_77 = arith.constant 0 : i32
    %dma_start3A_78 = arith.constant 0 : i32
    %dma_start3A_79 = tpu.memref_slice %arg3[%dma_start3A_77, %dma_start3A_78] : memref<1015808x32xf32, #tpu.memory_space<hbm>> -> memref<1015808x32xf32, #tpu.memory_space<hbm>>
    tpu.enqueue_indirect_dma source(%dma_start3A_79 : memref<1015808x32xf32, #tpu.memory_space<hbm>>) target(%dma_start3A_73 : memref<104x32xf32, #tpu.memory_space<vmem>>) offsets(%dma_start3A_76 : memref<104xi32, #tpu.memory_space<vmem>>) semaphore(%arg13 : memref<!tpu.dma_semaphore, #tpu.memory_space<semaphore_mem>>)
    %dma_start3A_80 = arith.constant 3 : i32
    %dma_start3A_81 = arith.constant 0 : i32
    %dma_start3A_82 = arith.constant 6 : i32
    %dma_start3A_83 = arith.constant 0 : i32
    %dma_start3A_84 = arith.constant 0 : i32
    %dma_start3A_85 = tpu.memref_slice %arg6[%dma_start3A_82, %dma_start3A_83, %dma_start3A_84] : memref<8x104x32xf32, #tpu.memory_space<vmem>> -> memref<1x104x32xf32, #tpu.memory_space<vmem>>
    %dma_start3A_86 = tpu.memref_squeeze %dma_start3A_85 : memref<1x104x32xf32, #tpu.memory_space<vmem>> -> memref<104x32xf32, #tpu.memory_space<vmem>>
    %dma_start3A_87 = arith.constant 0 : i32
    %dma_start3A_88 = tpu.memref_slice %arg5[%dma_start3A_80, %dma_start3A_81, %dma_start3A_87] : memref<128x2x104xi32, #tpu.memory_space<vmem>> -> memref<1x1x104xi32, #tpu.memory_space<vmem>>
    %dma_start3A_89 = tpu.memref_squeeze %dma_start3A_88 : memref<1x1x104xi32, #tpu.memory_space<vmem>> -> memref<104xi32, #tpu.memory_space<vmem>>
    %dma_start3A_90 = arith.constant 0 : i32
    %dma_start3A_91 = arith.constant 0 : i32
    %dma_start3A_92 = tpu.memref_slice %arg3[%dma_start3A_90, %dma_start3A_91] : memref<1015808x32xf32, #tpu.memory_space<hbm>> -> memref<1015808x32xf32, #tpu.memory_space<hbm>>
    tpu.enqueue_indirect_dma source(%dma_start3A_92 : memref<1015808x32xf32, #tpu.memory_space<hbm>>) target(%dma_start3A_86 : memref<104x32xf32, #tpu.memory_space<vmem>>) offsets(%dma_start3A_89 : memref<104xi32, #tpu.memory_space<vmem>>) semaphore(%arg14 : memref<!tpu.dma_semaphore, #tpu.memory_space<semaphore_mem>>)
    %dma_start3A_93 = arith.constant 3 : i32
    %dma_start3A_94 = arith.constant 1 : i32
    %dma_start3A_95 = arith.constant 7 : i32
    %dma_start3A_96 = arith.constant 0 : i32
    %dma_start3A_97 = arith.constant 0 : i32
    %dma_start3A_98 = tpu.memref_slice %arg6[%dma_start3A_95, %dma_start3A_96, %dma_start3A_97] : memref<8x104x32xf32, #tpu.memory_space<vmem>> -> memref<1x104x32xf32, #tpu.memory_space<vmem>>
    %dma_start3A_99 = tpu.memref_squeeze %dma_start3A_98 : memref<1x104x32xf32, #tpu.memory_space<vmem>> -> memref<104x32xf32, #tpu.memory_space<vmem>>
    %dma_start3A_100 = arith.constant 0 : i32
    %dma_start3A_101 = tpu.memref_slice %arg5[%dma_start3A_93, %dma_start3A_94, %dma_start3A_100] : memref<128x2x104xi32, #tpu.memory_space<vmem>> -> memref<1x1x104xi32, #tpu.memory_space<vmem>>
    %dma_start3A_102 = tpu.memref_squeeze %dma_start3A_101 : memref<1x1x104xi32, #tpu.memory_space<vmem>> -> memref<104xi32, #tpu.memory_space<vmem>>
    %dma_start3A_103 = arith.constant 0 : i32
    %dma_start3A_104 = arith.constant 0 : i32
    %dma_start3A_105 = tpu.memref_slice %arg3[%dma_start3A_103, %dma_start3A_104] : memref<1015808x32xf32, #tpu.memory_space<hbm>> -> memref<1015808x32xf32, #tpu.memory_space<hbm>>
    tpu.enqueue_indirect_dma source(%dma_start3A_105 : memref<1015808x32xf32, #tpu.memory_space<hbm>>) target(%dma_start3A_99 : memref<104x32xf32, #tpu.memory_space<vmem>>) offsets(%dma_start3A_102 : memref<104xi32, #tpu.memory_space<vmem>>) semaphore(%arg15 : memref<!tpu.dma_semaphore, #tpu.memory_space<semaphore_mem>>)
    %broadcast_in_dim3A = arith.constant 0xFF800000 : f32
    %broadcast_in_dim3A_106 = vector.broadcast %broadcast_in_dim3A : f32 to vector<16xf32>
    %scan3A = arith.constant 0 : i32
    %scan3A_107 = arith.constant 0 : i32
    %scan3A_108 = arith.constant 32 : i32
    %scan3A_109 = arith.addi %scan3A_107, %scan3A_108 : i32
    %scan3A_110 = arith.constant 1 : i32
    scf.for %scan3A_215 = %scan3A_107 to %scan3A_109 step %scan3A_110  : i32 {
      %mul3A_216 = arith.constant 4 : i32
      %mul3A_217 = arith.muli %scan3A_215, %mul3A_216 : i32
      %add3A_218 = arith.constant 0 : i32
      %add3A_219 = arith.addi %mul3A_217, %add3A_218 : i32
      %add3A_220 = arith.constant 4 : i32
      %add3A_221 = arith.addi %add3A_219, %add3A_220 : i32
      %rem3A = arith.constant 128 : i32
      %rem3A_222 = arith.remsi %add3A_221, %rem3A : i32
      %dma_wait3A_223 = arith.constant 0 : i32
      %dma_wait3A_224 = arith.constant 0 : i32
      %dma_wait3A_225 = arith.constant 0 : i32
      %dma_wait3A_226 = arith.constant 0 : i32
      %dma_wait3A_227 = tpu.memref_slice %arg6[%dma_wait3A_224, %dma_wait3A_225, %dma_wait3A_226] : memref<8x104x32xf32, #tpu.memory_space<vmem>> -> memref<1x104x32xf32, #tpu.memory_space<vmem>>
      %dma_wait3A_228 = tpu.memref_squeeze %dma_wait3A_227 : memref<1x104x32xf32, #tpu.memory_space<vmem>> -> memref<104x32xf32, #tpu.memory_space<vmem>>
      %dma_wait3A_229 = arith.constant 0 : i32
      %dma_wait3A_230 = tpu.memref_slice %arg5[%add3A_219, %dma_wait3A_223, %dma_wait3A_229] : memref<128x2x104xi32, #tpu.memory_space<vmem>> -> memref<1x1x104xi32, #tpu.memory_space<vmem>>
      %dma_wait3A_231 = tpu.memref_squeeze %dma_wait3A_230 : memref<1x1x104xi32, #tpu.memory_space<vmem>> -> memref<104xi32, #tpu.memory_space<vmem>>
      %dma_wait3A_232 = arith.constant 0 : i32
      %dma_wait3A_233 = arith.constant 0 : i32
      %dma_wait3A_234 = tpu.memref_slice %arg3[%dma_wait3A_232, %dma_wait3A_233] : memref<1015808x32xf32, #tpu.memory_space<hbm>> -> memref<1015808x32xf32, #tpu.memory_space<hbm>>
      tpu.wait_indirect_dma semaphore(%arg8 : memref<!tpu.dma_semaphore, #tpu.memory_space<semaphore_mem>>) src(%dma_wait3A_234 : memref<1015808x32xf32, #tpu.memory_space<hbm>>) dst(%dma_wait3A_228 : memref<104x32xf32, #tpu.memory_space<vmem>>)
      %scan3A_235 = arith.constant 0 : i32
      %scan3A_236 = arith.constant 0 : i32
      %scan3A_237 = arith.constant 104 : i32
      %scan3A_238 = arith.addi %scan3A_236, %scan3A_237 : i32
      %scan3A_239 = arith.constant 8 : i32
      %scan3A_240:2 = scf.for %scan3A_534 = %scan3A_236 to %scan3A_238 step %scan3A_239 iter_args(%scan3A_535 = %broadcast_in_dim3A_106, %scan3A_536 = %broadcast_in_dim3A_106) -> (vector<16xf32>, vector<16xf32>)  : i32 {
        %get3A = arith.constant 0 : i32
        %get3A_537 = arith.constant 0 : i32
        %get3A_538 = tpu.memref_slice %arg6[%scan3A_235, %get3A, %get3A_537] : memref<8x104x32xf32, #tpu.memory_space<vmem>> -> memref<1x104x32xf32, #tpu.memory_space<vmem>>
        %get3A_539 = tpu.memref_squeeze %get3A_538 : memref<1x104x32xf32, #tpu.memory_space<vmem>> -> memref<104x32xf32, #tpu.memory_space<vmem>>
        %get3A_540 = arith.index_cast %scan3A_534 : i32 to index
        %get3A_541 = arith.constant 0 : index
        %get3A_542 = tpu.vector_load %get3A_539[%get3A_540, %get3A_541] {strides = array<i32>} : memref<104x32xf32, #tpu.memory_space<vmem>>, vector<1x16xf32>,
        %get3A_543 = vector.shape_cast %get3A_542 : vector<1x16xf32> to vector<16xf32>
        %max3A = arith.maximumf %scan3A_535, %get3A_543 : vector<16xf32>
        %get3A_544 = arith.constant 0 : i32
        %get3A_545 = arith.constant 0 : i32
        %get3A_546 = tpu.memref_slice %arg6[%scan3A_235, %get3A_544, %get3A_545] : memref<8x104x32xf32, #tpu.memory_space<vmem>> -> memref<1x104x32xf32, #tpu.memory_space<vmem>>
        %get3A_547 = tpu.memref_squeeze %get3A_546 : memref<1x104x32xf32, #tpu.memory_space<vmem>> -> memref<104x32xf32, #tpu.memory_space<vmem>>
        %get3A_548 = arith.index_cast %scan3A_534 : i32 to index
        %get3A_549 = arith.constant 16 : index
        %get3A_550 = tpu.vector_load %get3A_547[%get3A_548, %get3A_549] {strides = array<i32>} : memref<104x32xf32, #tpu.memory_space<vmem>>, vector<1x16xf32>,
        %get3A_551 = vector.shape_cast %get3A_550 : vector<1x16xf32> to vector<16xf32>
        %max3A_552 = arith.maximumf %scan3A_536, %get3A_551 : vector<16xf32>
        %scan3A_553 = arith.constant 1 : i32
        %scan3A_554 = arith.addi %scan3A_534, %scan3A_553 : i32
        %get3A_555 = arith.constant 0 : i32
        %get3A_556 = arith.constant 0 : i32
        %get3A_557 = tpu.memref_slice %arg6[%scan3A_235, %get3A_555, %get3A_556] : memref<8x104x32xf32, #tpu.memory_space<vmem>> -> memref<1x104x32xf32, #tpu.memory_space<vmem>>
        %get3A_558 = tpu.memref_squeeze %get3A_557 : memref<1x104x32xf32, #tpu.memory_space<vmem>> -> memref<104x32xf32, #tpu.memory_space<vmem>>
        %get3A_559 = arith.index_cast %scan3A_554 : i32 to index
        %get3A_560 = arith.constant 0 : index
        %get3A_561 = tpu.vector_load %get3A_558[%get3A_559, %get3A_560] {strides = array<i32>} : memref<104x32xf32, #tpu.memory_space<vmem>>, vector<1x16xf32>,
        %get3A_562 = vector.shape_cast %get3A_561 : vector<1x16xf32> to vector<16xf32>
        %max3A_563 = arith.maximumf %max3A, %get3A_562 : vector<16xf32>
        %get3A_564 = arith.constant 0 : i32
        %get3A_565 = arith.constant 0 : i32
        %get3A_566 = tpu.memref_slice %arg6[%scan3A_235, %get3A_564, %get3A_565] : memref<8x104x32xf32, #tpu.memory_space<vmem>> -> memref<1x104x32xf32, #tpu.memory_space<vmem>>
        %get3A_567 = tpu.memref_squeeze %get3A_566 : memref<1x104x32xf32, #tpu.memory_space<vmem>> -> memref<104x32xf32, #tpu.memory_space<vmem>>
        %get3A_568 = arith.index_cast %scan3A_554 : i32 to index
        %get3A_569 = arith.constant 16 : index
        %get3A_570 = tpu.vector_load %get3A_567[%get3A_568, %get3A_569] {strides = array<i32>} : memref<104x32xf32, #tpu.memory_space<vmem>>, vector<1x16xf32>,
        %get3A_571 = vector.shape_cast %get3A_570 : vector<1x16xf32> to vector<16xf32>
        %max3A_572 = arith.maximumf %max3A_552, %get3A_571 : vector<16xf32>
        %scan3A_573 = arith.constant 2 : i32
        %scan3A_574 = arith.addi %scan3A_534, %scan3A_573 : i32
        %get3A_575 = arith.constant 0 : i32
        %get3A_576 = arith.constant 0 : i32
        %get3A_577 = tpu.memref_slice %arg6[%scan3A_235, %get3A_575, %get3A_576] : memref<8x104x32xf32, #tpu.memory_space<vmem>> -> memref<1x104x32xf32, #tpu.memory_space<vmem>>
        %get3A_578 = tpu.memref_squeeze %get3A_577 : memref<1x104x32xf32, #tpu.memory_space<vmem>> -> memref<104x32xf32, #tpu.memory_space<vmem>>
        %get3A_579 = arith.index_cast %scan3A_574 : i32 to index
        %get3A_580 = arith.constant 0 : index
        %get3A_581 = tpu.vector_load %get3A_578[%get3A_579, %get3A_580] {strides = array<i32>} : memref<104x32xf32, #tpu.memory_space<vmem>>, vector<1x16xf32>,
        %get3A_582 = vector.shape_cast %get3A_581 : vector<1x16xf32> to vector<16xf32>
        %max3A_583 = arith.maximumf %max3A_563, %get3A_582 : vector<16xf32>
        %get3A_584 = arith.constant 0 : i32
        %get3A_585 = arith.constant 0 : i32
        %get3A_586 = tpu.memref_slice %arg6[%scan3A_235, %get3A_584, %get3A_585] : memref<8x104x32xf32, #tpu.memory_space<vmem>> -> memref<1x104x32xf32, #tpu.memory_space<vmem>>
        %get3A_587 = tpu.memref_squeeze %get3A_586 : memref<1x104x32xf32, #tpu.memory_space<vmem>> -> memref<104x32xf32, #tpu.memory_space<vmem>>
        %get3A_588 = arith.index_cast %scan3A_574 : i32 to index
        %get3A_589 = arith.constant 16 : index
        %get3A_590 = tpu.vector_load %get3A_587[%get3A_588, %get3A_589] {strides = array<i32>} : memref<104x32xf32, #tpu.memory_space<vmem>>, vector<1x16xf32>,
        %get3A_591 = vector.shape_cast %get3A_590 : vector<1x16xf32> to vector<16xf32>
        %max3A_592 = arith.maximumf %max3A_572, %get3A_591 : vector<16xf32>
        %scan3A_593 = arith.constant 3 : i32
        %scan3A_594 = arith.addi %scan3A_534, %scan3A_593 : i32
        %get3A_595 = arith.constant 0 : i32
        %get3A_596 = arith.constant 0 : i32
        %get3A_597 = tpu.memref_slice %arg6[%scan3A_235, %get3A_595, %get3A_596] : memref<8x104x32xf32, #tpu.memory_space<vmem>> -> memref<1x104x32xf32, #tpu.memory_space<vmem>>
        %get3A_598 = tpu.memref_squeeze %get3A_597 : memref<1x104x32xf32, #tpu.memory_space<vmem>> -> memref<104x32xf32, #tpu.memory_space<vmem>>
        %get3A_599 = arith.index_cast %scan3A_594 : i32 to index
        %get3A_600 = arith.constant 0 : index
        %get3A_601 = tpu.vector_load %get3A_598[%get3A_599, %get3A_600] {strides = array<i32>} : memref<104x32xf32, #tpu.memory_space<vmem>>, vector<1x16xf32>,
        %get3A_602 = vector.shape_cast %get3A_601 : vector<1x16xf32> to vector<16xf32>
        %max3A_603 = arith.maximumf %max3A_583, %get3A_602 : vector<16xf32>
        %get3A_604 = arith.constant 0 : i32
        %get3A_605 = arith.constant 0 : i32
        %get3A_606 = tpu.memref_slice %arg6[%scan3A_235, %get3A_604, %get3A_605] : memref<8x104x32xf32, #tpu.memory_space<vmem>> -> memref<1x104x32xf32, #tpu.memory_space<vmem>>
        %get3A_607 = tpu.memref_squeeze %get3A_606 : memref<1x104x32xf32, #tpu.memory_space<vmem>> -> memref<104x32xf32, #tpu.memory_space<vmem>>
        %get3A_608 = arith.index_cast %scan3A_594 : i32 to index
        %get3A_609 = arith.constant 16 : index
        %get3A_610 = tpu.vector_load %get3A_607[%get3A_608, %get3A_609] {strides = array<i32>} : memref<104x32xf32, #tpu.memory_space<vmem>>, vector<1x16xf32>,
        %get3A_611 = vector.shape_cast %get3A_610 : vector<1x16xf32> to vector<16xf32>
        %max3A_612 = arith.maximumf %max3A_592, %get3A_611 : vector<16xf32>
        %scan3A_613 = arith.constant 4 : i32
        %scan3A_614 = arith.addi %scan3A_534, %scan3A_613 : i32
        %get3A_615 = arith.constant 0 : i32
        %get3A_616 = arith.constant 0 : i32
        %get3A_617 = tpu.memref_slice %arg6[%scan3A_235, %get3A_615, %get3A_616] : memref<8x104x32xf32, #tpu.memory_space<vmem>> -> memref<1x104x32xf32, #tpu.memory_space<vmem>>
        %get3A_618 = tpu.memref_squeeze %get3A_617 : memref<1x104x32xf32, #tpu.memory_space<vmem>> -> memref<104x32xf32, #tpu.memory_space<vmem>>
        %get3A_619 = arith.index_cast %scan3A_614 : i32 to index
        %get3A_620 = arith.constant 0 : index
        %get3A_621 = tpu.vector_load %get3A_618[%get3A_619, %get3A_620] {strides = array<i32>} : memref<104x32xf32, #tpu.memory_space<vmem>>, vector<1x16xf32>,
        %get3A_622 = vector.shape_cast %get3A_621 : vector<1x16xf32> to vector<16xf32>
        %max3A_623 = arith.maximumf %max3A_603, %get3A_622 : vector<16xf32>
        %get3A_624 = arith.constant 0 : i32
        %get3A_625 = arith.constant 0 : i32
        %get3A_626 = tpu.memref_slice %arg6[%scan3A_235, %get3A_624, %get3A_625] : memref<8x104x32xf32, #tpu.memory_space<vmem>> -> memref<1x104x32xf32, #tpu.memory_space<vmem>>
        %get3A_627 = tpu.memref_squeeze %get3A_626 : memref<1x104x32xf32, #tpu.memory_space<vmem>> -> memref<104x32xf32, #tpu.memory_space<vmem>>
        %get3A_628 = arith.index_cast %scan3A_614 : i32 to index
        %get3A_629 = arith.constant 16 : index
        %get3A_630 = tpu.vector_load %get3A_627[%get3A_628, %get3A_629] {strides = array<i32>} : memref<104x32xf32, #tpu.memory_space<vmem>>, vector<1x16xf32>,
        %get3A_631 = vector.shape_cast %get3A_630 : vector<1x16xf32> to vector<16xf32>
        %max3A_632 = arith.maximumf %max3A_612, %get3A_631 : vector<16xf32>
        %scan3A_633 = arith.constant 5 : i32
        %scan3A_634 = arith.addi %scan3A_534, %scan3A_633 : i32
        %get3A_635 = arith.constant 0 : i32
        %get3A_636 = arith.constant 0 : i32
        %get3A_637 = tpu.memref_slice %arg6[%scan3A_235, %get3A_635, %get3A_636] : memref<8x104x32xf32, #tpu.memory_space<vmem>> -> memref<1x104x32xf32, #tpu.memory_space<vmem>>
        %get3A_638 = tpu.memref_squeeze %get3A_637 : memref<1x104x32xf32, #tpu.memory_space<vmem>> -> memref<104x32xf32, #tpu.memory_space<vmem>>
        %get3A_639 = arith.index_cast %scan3A_634 : i32 to index
        %get3A_640 = arith.constant 0 : index
        %get3A_641 = tpu.vector_load %get3A_638[%get3A_639, %get3A_640] {strides = array<i32>} : memref<104x32xf32, #tpu.memory_space<vmem>>, vector<1x16xf32>,
        %get3A_642 = vector.shape_cast %get3A_641 : vector<1x16xf32> to vector<16xf32>
        %max3A_643 = arith.maximumf %max3A_623, %get3A_642 : vector<16xf32>
        %get3A_644 = arith.constant 0 : i32
        %get3A_645 = arith.constant 0 : i32
        %get3A_646 = tpu.memref_slice %arg6[%scan3A_235, %get3A_644, %get3A_645] : memref<8x104x32xf32, #tpu.memory_space<vmem>> -> memref<1x104x32xf32, #tpu.memory_space<vmem>>
        %get3A_647 = tpu.memref_squeeze %get3A_646 : memref<1x104x32xf32, #tpu.memory_space<vmem>> -> memref<104x32xf32, #tpu.memory_space<vmem>>
        %get3A_648 = arith.index_cast %scan3A_634 : i32 to index
        %get3A_649 = arith.constant 16 : index
        %get3A_650 = tpu.vector_load %get3A_647[%get3A_648, %get3A_649] {strides = array<i32>} : memref<104x32xf32, #tpu.memory_space<vmem>>, vector<1x16xf32>,
        %get3A_651 = vector.shape_cast %get3A_650 : vector<1x16xf32> to vector<16xf32>
        %max3A_652 = arith.maximumf %max3A_632, %get3A_651 : vector<16xf32>
        %scan3A_653 = arith.constant 6 : i32
        %scan3A_654 = arith.addi %scan3A_534, %scan3A_653 : i32
        %get3A_655 = arith.constant 0 : i32
        %get3A_656 = arith.constant 0 : i32
        %get3A_657 = tpu.memref_slice %arg6[%scan3A_235, %get3A_655, %get3A_656] : memref<8x104x32xf32, #tpu.memory_space<vmem>> -> memref<1x104x32xf32, #tpu.memory_space<vmem>>
        %get3A_658 = tpu.memref_squeeze %get3A_657 : memref<1x104x32xf32, #tpu.memory_space<vmem>> -> memref<104x32xf32, #tpu.memory_space<vmem>>
        %get3A_659 = arith.index_cast %scan3A_654 : i32 to index
        %get3A_660 = arith.constant 0 : index
        %get3A_661 = tpu.vector_load %get3A_658[%get3A_659, %get3A_660] {strides = array<i32>} : memref<104x32xf32, #tpu.memory_space<vmem>>, vector<1x16xf32>,
        %get3A_662 = vector.shape_cast %get3A_661 : vector<1x16xf32> to vector<16xf32>
        %max3A_663 = arith.maximumf %max3A_643, %get3A_662 : vector<16xf32>
        %get3A_664 = arith.constant 0 : i32
        %get3A_665 = arith.constant 0 : i32
        %get3A_666 = tpu.memref_slice %arg6[%scan3A_235, %get3A_664, %get3A_665] : memref<8x104x32xf32, #tpu.memory_space<vmem>> -> memref<1x104x32xf32, #tpu.memory_space<vmem>>
        %get3A_667 = tpu.memref_squeeze %get3A_666 : memref<1x104x32xf32, #tpu.memory_space<vmem>> -> memref<104x32xf32, #tpu.memory_space<vmem>>
        %get3A_668 = arith.index_cast %scan3A_654 : i32 to index
        %get3A_669 = arith.constant 16 : index
        %get3A_670 = tpu.vector_load %get3A_667[%get3A_668, %get3A_669] {strides = array<i32>} : memref<104x32xf32, #tpu.memory_space<vmem>>, vector<1x16xf32>,
        %get3A_671 = vector.shape_cast %get3A_670 : vector<1x16xf32> to vector<16xf32>
        %max3A_672 = arith.maximumf %max3A_652, %get3A_671 : vector<16xf32>
        %scan3A_673 = arith.constant 7 : i32
        %scan3A_674 = arith.addi %scan3A_534, %scan3A_673 : i32
        %get3A_675 = arith.constant 0 : i32
        %get3A_676 = arith.constant 0 : i32
        %get3A_677 = tpu.memref_slice %arg6[%scan3A_235, %get3A_675, %get3A_676] : memref<8x104x32xf32, #tpu.memory_space<vmem>> -> memref<1x104x32xf32, #tpu.memory_space<vmem>>
        %get3A_678 = tpu.memref_squeeze %get3A_677 : memref<1x104x32xf32, #tpu.memory_space<vmem>> -> memref<104x32xf32, #tpu.memory_space<vmem>>
        %get3A_679 = arith.index_cast %scan3A_674 : i32 to index
        %get3A_680 = arith.constant 0 : index
        %get3A_681 = tpu.vector_load %get3A_678[%get3A_679, %get3A_680] {strides = array<i32>} : memref<104x32xf32, #tpu.memory_space<vmem>>, vector<1x16xf32>,
        %get3A_682 = vector.shape_cast %get3A_681 : vector<1x16xf32> to vector<16xf32>
        %max3A_683 = arith.maximumf %max3A_663, %get3A_682 : vector<16xf32>
        %get3A_684 = arith.constant 0 : i32
        %get3A_685 = arith.constant 0 : i32
        %get3A_686 = tpu.memref_slice %arg6[%scan3A_235, %get3A_684, %get3A_685] : memref<8x104x32xf32, #tpu.memory_space<vmem>> -> memref<1x104x32xf32, #tpu.memory_space<vmem>>
        %get3A_687 = tpu.memref_squeeze %get3A_686 : memref<1x104x32xf32, #tpu.memory_space<vmem>> -> memref<104x32xf32, #tpu.memory_space<vmem>>
        %get3A_688 = arith.index_cast %scan3A_674 : i32 to index
        %get3A_689 = arith.constant 16 : index
        %get3A_690 = tpu.vector_load %get3A_687[%get3A_688, %get3A_689] {strides = array<i32>} : memref<104x32xf32, #tpu.memory_space<vmem>>, vector<1x16xf32>,
        %get3A_691 = vector.shape_cast %get3A_690 : vector<1x16xf32> to vector<16xf32>
        %max3A_692 = arith.maximumf %max3A_672, %get3A_691 : vector<16xf32>
        scf.yield %max3A_683, %max3A_692 : vector<16xf32>, vector<16xf32>
      }
      %scan3A_241 = arith.constant 104 : i32
      %dma_start3A_242 = arith.constant 0 : i32
      %dma_start3A_243 = arith.constant 0 : i32
      %dma_start3A_244 = arith.constant 0 : i32
      %dma_start3A_245 = arith.constant 0 : i32
      %dma_start3A_246 = tpu.memref_slice %arg6[%dma_start3A_243, %dma_start3A_244, %dma_start3A_245] : memref<8x104x32xf32, #tpu.memory_space<vmem>> -> memref<1x104x32xf32, #tpu.memory_space<vmem>>
      %dma_start3A_247 = tpu.memref_squeeze %dma_start3A_246 : memref<1x104x32xf32, #tpu.memory_space<vmem>> -> memref<104x32xf32, #tpu.memory_space<vmem>>
      %dma_start3A_248 = arith.constant 0 : i32
      %dma_start3A_249 = tpu.memref_slice %arg5[%rem3A_222, %dma_start3A_242, %dma_start3A_248] : memref<128x2x104xi32, #tpu.memory_space<vmem>> -> memref<1x1x104xi32, #tpu.memory_space<vmem>>
      %dma_start3A_250 = tpu.memref_squeeze %dma_start3A_249 : memref<1x1x104xi32, #tpu.memory_space<vmem>> -> memref<104xi32, #tpu.memory_space<vmem>>
      %dma_start3A_251 = arith.constant 0 : i32
      %dma_start3A_252 = arith.constant 0 : i32
      %dma_start3A_253 = tpu.memref_slice %arg3[%dma_start3A_251, %dma_start3A_252] : memref<1015808x32xf32, #tpu.memory_space<hbm>> -> memref<1015808x32xf32, #tpu.memory_space<hbm>>
      tpu.enqueue_indirect_dma source(%dma_start3A_253 : memref<1015808x32xf32, #tpu.memory_space<hbm>>) target(%dma_start3A_247 : memref<104x32xf32, #tpu.memory_space<vmem>>) offsets(%dma_start3A_250 : memref<104xi32, #tpu.memory_space<vmem>>) semaphore(%arg8 : memref<!tpu.dma_semaphore, #tpu.memory_space<semaphore_mem>>)
      %dma_wait3A_254 = arith.constant 1 : i32
      %dma_wait3A_255 = arith.constant 1 : i32
      %dma_wait3A_256 = arith.constant 0 : i32
      %dma_wait3A_257 = arith.constant 0 : i32
      %dma_wait3A_258 = tpu.memref_slice %arg6[%dma_wait3A_255, %dma_wait3A_256, %dma_wait3A_257] : memref<8x104x32xf32, #tpu.memory_space<vmem>> -> memref<1x104x32xf32, #tpu.memory_space<vmem>>
      %dma_wait3A_259 = tpu.memref_squeeze %dma_wait3A_258 : memref<1x104x32xf32, #tpu.memory_space<vmem>> -> memref<104x32xf32, #tpu.memory_space<vmem>>
      %dma_wait3A_260 = arith.constant 0 : i32
      %dma_wait3A_261 = tpu.memref_slice %arg5[%add3A_219, %dma_wait3A_254, %dma_wait3A_260] : memref<128x2x104xi32, #tpu.memory_space<vmem>> -> memref<1x1x104xi32, #tpu.memory_space<vmem>>
      %dma_wait3A_262 = tpu.memref_squeeze %dma_wait3A_261 : memref<1x1x104xi32, #tpu.memory_space<vmem>> -> memref<104xi32, #tpu.memory_space<vmem>>
      %dma_wait3A_263 = arith.constant 0 : i32
      %dma_wait3A_264 = arith.constant 0 : i32
      %dma_wait3A_265 = tpu.memref_slice %arg3[%dma_wait3A_263, %dma_wait3A_264] : memref<1015808x32xf32, #tpu.memory_space<hbm>> -> memref<1015808x32xf32, #tpu.memory_space<hbm>>
      tpu.wait_indirect_dma semaphore(%arg9 : memref<!tpu.dma_semaphore, #tpu.memory_space<semaphore_mem>>) src(%dma_wait3A_265 : memref<1015808x32xf32, #tpu.memory_space<hbm>>) dst(%dma_wait3A_259 : memref<104x32xf32, #tpu.memory_space<vmem>>)
      %scan3A_266 = arith.constant 1 : i32
      %scan3A_267 = arith.constant 0 : i32
      %scan3A_268 = arith.constant 104 : i32
      %scan3A_269 = arith.addi %scan3A_267, %scan3A_268 : i32
      %scan3A_270 = arith.constant 8 : i32
      %scan3A_271:2 = scf.for %scan3A_534 = %scan3A_267 to %scan3A_269 step %scan3A_270 iter_args(%scan3A_535 = %scan3A_240#0, %scan3A_536 = %scan3A_240#1) -> (vector<16xf32>, vector<16xf32>)  : i32 {
        %get3A = arith.constant 0 : i32
        %get3A_537 = arith.constant 0 : i32
        %get3A_538 = tpu.memref_slice %arg6[%scan3A_266, %get3A, %get3A_537] : memref<8x104x32xf32, #tpu.memory_space<vmem>> -> memref<1x104x32xf32, #tpu.memory_space<vmem>>
        %get3A_539 = tpu.memref_squeeze %get3A_538 : memref<1x104x32xf32, #tpu.memory_space<vmem>> -> memref<104x32xf32, #tpu.memory_space<vmem>>
        %get3A_540 = arith.index_cast %scan3A_534 : i32 to index
        %get3A_541 = arith.constant 0 : index
        %get3A_542 = tpu.vector_load %get3A_539[%get3A_540, %get3A_541] {strides = array<i32>} : memref<104x32xf32, #tpu.memory_space<vmem>>, vector<1x16xf32>,
        %get3A_543 = vector.shape_cast %get3A_542 : vector<1x16xf32> to vector<16xf32>
        %max3A = arith.maximumf %scan3A_535, %get3A_543 : vector<16xf32>
        %get3A_544 = arith.constant 0 : i32
        %get3A_545 = arith.constant 0 : i32
        %get3A_546 = tpu.memref_slice %arg6[%scan3A_266, %get3A_544, %get3A_545] : memref<8x104x32xf32, #tpu.memory_space<vmem>> -> memref<1x104x32xf32, #tpu.memory_space<vmem>>
        %get3A_547 = tpu.memref_squeeze %get3A_546 : memref<1x104x32xf32, #tpu.memory_space<vmem>> -> memref<104x32xf32, #tpu.memory_space<vmem>>
        %get3A_548 = arith.index_cast %scan3A_534 : i32 to index
        %get3A_549 = arith.constant 16 : index
        %get3A_550 = tpu.vector_load %get3A_547[%get3A_548, %get3A_549] {strides = array<i32>} : memref<104x32xf32, #tpu.memory_space<vmem>>, vector<1x16xf32>,
        %get3A_551 = vector.shape_cast %get3A_550 : vector<1x16xf32> to vector<16xf32>
        %max3A_552 = arith.maximumf %scan3A_536, %get3A_551 : vector<16xf32>
        %scan3A_553 = arith.constant 1 : i32
        %scan3A_554 = arith.addi %scan3A_534, %scan3A_553 : i32
        %get3A_555 = arith.constant 0 : i32
        %get3A_556 = arith.constant 0 : i32
        %get3A_557 = tpu.memref_slice %arg6[%scan3A_266, %get3A_555, %get3A_556] : memref<8x104x32xf32, #tpu.memory_space<vmem>> -> memref<1x104x32xf32, #tpu.memory_space<vmem>>
        %get3A_558 = tpu.memref_squeeze %get3A_557 : memref<1x104x32xf32, #tpu.memory_space<vmem>> -> memref<104x32xf32, #tpu.memory_space<vmem>>
        %get3A_559 = arith.index_cast %scan3A_554 : i32 to index
        %get3A_560 = arith.constant 0 : index
        %get3A_561 = tpu.vector_load %get3A_558[%get3A_559, %get3A_560] {strides = array<i32>} : memref<104x32xf32, #tpu.memory_space<vmem>>, vector<1x16xf32>,
        %get3A_562 = vector.shape_cast %get3A_561 : vector<1x16xf32> to vector<16xf32>
        %max3A_563 = arith.maximumf %max3A, %get3A_562 : vector<16xf32>
        %get3A_564 = arith.constant 0 : i32
        %get3A_565 = arith.constant 0 : i32
        %get3A_566 = tpu.memref_slice %arg6[%scan3A_266, %get3A_564, %get3A_565] : memref<8x104x32xf32, #tpu.memory_space<vmem>> -> memref<1x104x32xf32, #tpu.memory_space<vmem>>
        %get3A_567 = tpu.memref_squeeze %get3A_566 : memref<1x104x32xf32, #tpu.memory_space<vmem>> -> memref<104x32xf32, #tpu.memory_space<vmem>>
        %get3A_568 = arith.index_cast %scan3A_554 : i32 to index
        %get3A_569 = arith.constant 16 : index
        %get3A_570 = tpu.vector_load %get3A_567[%get3A_568, %get3A_569] {strides = array<i32>} : memref<104x32xf32, #tpu.memory_space<vmem>>, vector<1x16xf32>,
        %get3A_571 = vector.shape_cast %get3A_570 : vector<1x16xf32> to vector<16xf32>
        %max3A_572 = arith.maximumf %max3A_552, %get3A_571 : vector<16xf32>
        %scan3A_573 = arith.constant 2 : i32
        %scan3A_574 = arith.addi %scan3A_534, %scan3A_573 : i32
        %get3A_575 = arith.constant 0 : i32
        %get3A_576 = arith.constant 0 : i32
        %get3A_577 = tpu.memref_slice %arg6[%scan3A_266, %get3A_575, %get3A_576] : memref<8x104x32xf32, #tpu.memory_space<vmem>> -> memref<1x104x32xf32, #tpu.memory_space<vmem>>
        %get3A_578 = tpu.memref_squeeze %get3A_577 : memref<1x104x32xf32, #tpu.memory_space<vmem>> -> memref<104x32xf32, #tpu.memory_space<vmem>>
        %get3A_579 = arith.index_cast %scan3A_574 : i32 to index
        %get3A_580 = arith.constant 0 : index
        %get3A_581 = tpu.vector_load %get3A_578[%get3A_579, %get3A_580] {strides = array<i32>} : memref<104x32xf32, #tpu.memory_space<vmem>>, vector<1x16xf32>,
        %get3A_582 = vector.shape_cast %get3A_581 : vector<1x16xf32> to vector<16xf32>
        %max3A_583 = arith.maximumf %max3A_563, %get3A_582 : vector<16xf32>
        %get3A_584 = arith.constant 0 : i32
        %get3A_585 = arith.constant 0 : i32
        %get3A_586 = tpu.memref_slice %arg6[%scan3A_266, %get3A_584, %get3A_585] : memref<8x104x32xf32, #tpu.memory_space<vmem>> -> memref<1x104x32xf32, #tpu.memory_space<vmem>>
        %get3A_587 = tpu.memref_squeeze %get3A_586 : memref<1x104x32xf32, #tpu.memory_space<vmem>> -> memref<104x32xf32, #tpu.memory_space<vmem>>
        %get3A_588 = arith.index_cast %scan3A_574 : i32 to index
        %get3A_589 = arith.constant 16 : index
        %get3A_590 = tpu.vector_load %get3A_587[%get3A_588, %get3A_589] {strides = array<i32>} : memref<104x32xf32, #tpu.memory_space<vmem>>, vector<1x16xf32>,
        %get3A_591 = vector.shape_cast %get3A_590 : vector<1x16xf32> to vector<16xf32>
        %max3A_592 = arith.maximumf %max3A_572, %get3A_591 : vector<16xf32>
        %scan3A_593 = arith.constant 3 : i32
        %scan3A_594 = arith.addi %scan3A_534, %scan3A_593 : i32
        %get3A_595 = arith.constant 0 : i32
        %get3A_596 = arith.constant 0 : i32
        %get3A_597 = tpu.memref_slice %arg6[%scan3A_266, %get3A_595, %get3A_596] : memref<8x104x32xf32, #tpu.memory_space<vmem>> -> memref<1x104x32xf32, #tpu.memory_space<vmem>>
        %get3A_598 = tpu.memref_squeeze %get3A_597 : memref<1x104x32xf32, #tpu.memory_space<vmem>> -> memref<104x32xf32, #tpu.memory_space<vmem>>
        %get3A_599 = arith.index_cast %scan3A_594 : i32 to index
        %get3A_600 = arith.constant 0 : index
        %get3A_601 = tpu.vector_load %get3A_598[%get3A_599, %get3A_600] {strides = array<i32>} : memref<104x32xf32, #tpu.memory_space<vmem>>, vector<1x16xf32>,
        %get3A_602 = vector.shape_cast %get3A_601 : vector<1x16xf32> to vector<16xf32>
        %max3A_603 = arith.maximumf %max3A_583, %get3A_602 : vector<16xf32>
        %get3A_604 = arith.constant 0 : i32
        %get3A_605 = arith.constant 0 : i32
        %get3A_606 = tpu.memref_slice %arg6[%scan3A_266, %get3A_604, %get3A_605] : memref<8x104x32xf32, #tpu.memory_space<vmem>> -> memref<1x104x32xf32, #tpu.memory_space<vmem>>
        %get3A_607 = tpu.memref_squeeze %get3A_606 : memref<1x104x32xf32, #tpu.memory_space<vmem>> -> memref<104x32xf32, #tpu.memory_space<vmem>>
        %get3A_608 = arith.index_cast %scan3A_594 : i32 to index
        %get3A_609 = arith.constant 16 : index
        %get3A_610 = tpu.vector_load %get3A_607[%get3A_608, %get3A_609] {strides = array<i32>} : memref<104x32xf32, #tpu.memory_space<vmem>>, vector<1x16xf32>,
        %get3A_611 = vector.shape_cast %get3A_610 : vector<1x16xf32> to vector<16xf32>
        %max3A_612 = arith.maximumf %max3A_592, %get3A_611 : vector<16xf32>
        %scan3A_613 = arith.constant 4 : i32
        %scan3A_614 = arith.addi %scan3A_534, %scan3A_613 : i32
        %get3A_615 = arith.constant 0 : i32
        %get3A_616 = arith.constant 0 : i32
        %get3A_617 = tpu.memref_slice %arg6[%scan3A_266, %get3A_615, %get3A_616] : memref<8x104x32xf32, #tpu.memory_space<vmem>> -> memref<1x104x32xf32, #tpu.memory_space<vmem>>
        %get3A_618 = tpu.memref_squeeze %get3A_617 : memref<1x104x32xf32, #tpu.memory_space<vmem>> -> memref<104x32xf32, #tpu.memory_space<vmem>>
        %get3A_619 = arith.index_cast %scan3A_614 : i32 to index
        %get3A_620 = arith.constant 0 : index
        %get3A_621 = tpu.vector_load %get3A_618[%get3A_619, %get3A_620] {strides = array<i32>} : memref<104x32xf32, #tpu.memory_space<vmem>>, vector<1x16xf32>,
        %get3A_622 = vector.shape_cast %get3A_621 : vector<1x16xf32> to vector<16xf32>
        %max3A_623 = arith.maximumf %max3A_603, %get3A_622 : vector<16xf32>
        %get3A_624 = arith.constant 0 : i32
        %get3A_625 = arith.constant 0 : i32
        %get3A_626 = tpu.memref_slice %arg6[%scan3A_266, %get3A_624, %get3A_625] : memref<8x104x32xf32, #tpu.memory_space<vmem>> -> memref<1x104x32xf32, #tpu.memory_space<vmem>>
        %get3A_627 = tpu.memref_squeeze %get3A_626 : memref<1x104x32xf32, #tpu.memory_space<vmem>> -> memref<104x32xf32, #tpu.memory_space<vmem>>
        %get3A_628 = arith.index_cast %scan3A_614 : i32 to index
        %get3A_629 = arith.constant 16 : index
        %get3A_630 = tpu.vector_load %get3A_627[%get3A_628, %get3A_629] {strides = array<i32>} : memref<104x32xf32, #tpu.memory_space<vmem>>, vector<1x16xf32>,
        %get3A_631 = vector.shape_cast %get3A_630 : vector<1x16xf32> to vector<16xf32>
        %max3A_632 = arith.maximumf %max3A_612, %get3A_631 : vector<16xf32>
        %scan3A_633 = arith.constant 5 : i32
        %scan3A_634 = arith.addi %scan3A_534, %scan3A_633 : i32
        %get3A_635 = arith.constant 0 : i32
        %get3A_636 = arith.constant 0 : i32
        %get3A_637 = tpu.memref_slice %arg6[%scan3A_266, %get3A_635, %get3A_636] : memref<8x104x32xf32, #tpu.memory_space<vmem>> -> memref<1x104x32xf32, #tpu.memory_space<vmem>>
        %get3A_638 = tpu.memref_squeeze %get3A_637 : memref<1x104x32xf32, #tpu.memory_space<vmem>> -> memref<104x32xf32, #tpu.memory_space<vmem>>
        %get3A_639 = arith.index_cast %scan3A_634 : i32 to index
        %get3A_640 = arith.constant 0 : index
        %get3A_641 = tpu.vector_load %get3A_638[%get3A_639, %get3A_640] {strides = array<i32>} : memref<104x32xf32, #tpu.memory_space<vmem>>, vector<1x16xf32>,
        %get3A_642 = vector.shape_cast %get3A_641 : vector<1x16xf32> to vector<16xf32>
        %max3A_643 = arith.maximumf %max3A_623, %get3A_642 : vector<16xf32>
        %get3A_644 = arith.constant 0 : i32
        %get3A_645 = arith.constant 0 : i32
        %get3A_646 = tpu.memref_slice %arg6[%scan3A_266, %get3A_644, %get3A_645] : memref<8x104x32xf32, #tpu.memory_space<vmem>> -> memref<1x104x32xf32, #tpu.memory_space<vmem>>
        %get3A_647 = tpu.memref_squeeze %get3A_646 : memref<1x104x32xf32, #tpu.memory_space<vmem>> -> memref<104x32xf32, #tpu.memory_space<vmem>>
        %get3A_648 = arith.index_cast %scan3A_634 : i32 to index
        %get3A_649 = arith.constant 16 : index
        %get3A_650 = tpu.vector_load %get3A_647[%get3A_648, %get3A_649] {strides = array<i32>} : memref<104x32xf32, #tpu.memory_space<vmem>>, vector<1x16xf32>,
        %get3A_651 = vector.shape_cast %get3A_650 : vector<1x16xf32> to vector<16xf32>
        %max3A_652 = arith.maximumf %max3A_632, %get3A_651 : vector<16xf32>
        %scan3A_653 = arith.constant 6 : i32
        %scan3A_654 = arith.addi %scan3A_534, %scan3A_653 : i32
        %get3A_655 = arith.constant 0 : i32
        %get3A_656 = arith.constant 0 : i32
        %get3A_657 = tpu.memref_slice %arg6[%scan3A_266, %get3A_655, %get3A_656] : memref<8x104x32xf32, #tpu.memory_space<vmem>> -> memref<1x104x32xf32, #tpu.memory_space<vmem>>
        %get3A_658 = tpu.memref_squeeze %get3A_657 : memref<1x104x32xf32, #tpu.memory_space<vmem>> -> memref<104x32xf32, #tpu.memory_space<vmem>>
        %get3A_659 = arith.index_cast %scan3A_654 : i32 to index
        %get3A_660 = arith.constant 0 : index
        %get3A_661 = tpu.vector_load %get3A_658[%get3A_659, %get3A_660] {strides = array<i32>} : memref<104x32xf32, #tpu.memory_space<vmem>>, vector<1x16xf32>,
        %get3A_662 = vector.shape_cast %get3A_661 : vector<1x16xf32> to vector<16xf32>
        %max3A_663 = arith.maximumf %max3A_643, %get3A_662 : vector<16xf32>
        %get3A_664 = arith.constant 0 : i32
        %get3A_665 = arith.constant 0 : i32
        %get3A_666 = tpu.memref_slice %arg6[%scan3A_266, %get3A_664, %get3A_665] : memref<8x104x32xf32, #tpu.memory_space<vmem>> -> memref<1x104x32xf32, #tpu.memory_space<vmem>>
        %get3A_667 = tpu.memref_squeeze %get3A_666 : memref<1x104x32xf32, #tpu.memory_space<vmem>> -> memref<104x32xf32, #tpu.memory_space<vmem>>
        %get3A_668 = arith.index_cast %scan3A_654 : i32 to index
        %get3A_669 = arith.constant 16 : index
        %get3A_670 = tpu.vector_load %get3A_667[%get3A_668, %get3A_669] {strides = array<i32>} : memref<104x32xf32, #tpu.memory_space<vmem>>, vector<1x16xf32>,
        %get3A_671 = vector.shape_cast %get3A_670 : vector<1x16xf32> to vector<16xf32>
        %max3A_672 = arith.maximumf %max3A_652, %get3A_671 : vector<16xf32>
        %scan3A_673 = arith.constant 7 : i32
        %scan3A_674 = arith.addi %scan3A_534, %scan3A_673 : i32
        %get3A_675 = arith.constant 0 : i32
        %get3A_676 = arith.constant 0 : i32
        %get3A_677 = tpu.memref_slice %arg6[%scan3A_266, %get3A_675, %get3A_676] : memref<8x104x32xf32, #tpu.memory_space<vmem>> -> memref<1x104x32xf32, #tpu.memory_space<vmem>>
        %get3A_678 = tpu.memref_squeeze %get3A_677 : memref<1x104x32xf32, #tpu.memory_space<vmem>> -> memref<104x32xf32, #tpu.memory_space<vmem>>
        %get3A_679 = arith.index_cast %scan3A_674 : i32 to index
        %get3A_680 = arith.constant 0 : index
        %get3A_681 = tpu.vector_load %get3A_678[%get3A_679, %get3A_680] {strides = array<i32>} : memref<104x32xf32, #tpu.memory_space<vmem>>, vector<1x16xf32>,
        %get3A_682 = vector.shape_cast %get3A_681 : vector<1x16xf32> to vector<16xf32>
        %max3A_683 = arith.maximumf %max3A_663, %get3A_682 : vector<16xf32>
        %get3A_684 = arith.constant 0 : i32
        %get3A_685 = arith.constant 0 : i32
        %get3A_686 = tpu.memref_slice %arg6[%scan3A_266, %get3A_684, %get3A_685] : memref<8x104x32xf32, #tpu.memory_space<vmem>> -> memref<1x104x32xf32, #tpu.memory_space<vmem>>
        %get3A_687 = tpu.memref_squeeze %get3A_686 : memref<1x104x32xf32, #tpu.memory_space<vmem>> -> memref<104x32xf32, #tpu.memory_space<vmem>>
        %get3A_688 = arith.index_cast %scan3A_674 : i32 to index
        %get3A_689 = arith.constant 16 : index
        %get3A_690 = tpu.vector_load %get3A_687[%get3A_688, %get3A_689] {strides = array<i32>} : memref<104x32xf32, #tpu.memory_space<vmem>>, vector<1x16xf32>,
        %get3A_691 = vector.shape_cast %get3A_690 : vector<1x16xf32> to vector<16xf32>
        %max3A_692 = arith.maximumf %max3A_672, %get3A_691 : vector<16xf32>
        scf.yield %max3A_683, %max3A_692 : vector<16xf32>, vector<16xf32>
      }
      %scan3A_272 = arith.constant 104 : i32
      %dma_start3A_273 = arith.constant 1 : i32
      %dma_start3A_274 = arith.constant 1 : i32
      %dma_start3A_275 = arith.constant 0 : i32
      %dma_start3A_276 = arith.constant 0 : i32
      %dma_start3A_277 = tpu.memref_slice %arg6[%dma_start3A_274, %dma_start3A_275, %dma_start3A_276] : memref<8x104x32xf32, #tpu.memory_space<vmem>> -> memref<1x104x32xf32, #tpu.memory_space<vmem>>
      %dma_start3A_278 = tpu.memref_squeeze %dma_start3A_277 : memref<1x104x32xf32, #tpu.memory_space<vmem>> -> memref<104x32xf32, #tpu.memory_space<vmem>>
      %dma_start3A_279 = arith.constant 0 : i32
      %dma_start3A_280 = tpu.memref_slice %arg5[%rem3A_222, %dma_start3A_273, %dma_start3A_279] : memref<128x2x104xi32, #tpu.memory_space<vmem>> -> memref<1x1x104xi32, #tpu.memory_space<vmem>>
      %dma_start3A_281 = tpu.memref_squeeze %dma_start3A_280 : memref<1x1x104xi32, #tpu.memory_space<vmem>> -> memref<104xi32, #tpu.memory_space<vmem>>
      %dma_start3A_282 = arith.constant 0 : i32
      %dma_start3A_283 = arith.constant 0 : i32
      %dma_start3A_284 = tpu.memref_slice %arg3[%dma_start3A_282, %dma_start3A_283] : memref<1015808x32xf32, #tpu.memory_space<hbm>> -> memref<1015808x32xf32, #tpu.memory_space<hbm>>
      tpu.enqueue_indirect_dma source(%dma_start3A_284 : memref<1015808x32xf32, #tpu.memory_space<hbm>>) target(%dma_start3A_278 : memref<104x32xf32, #tpu.memory_space<vmem>>) offsets(%dma_start3A_281 : memref<104xi32, #tpu.memory_space<vmem>>) semaphore(%arg9 : memref<!tpu.dma_semaphore, #tpu.memory_space<semaphore_mem>>)
      %swap3A = arith.index_cast %add3A_219 : i32 to index
      %swap3A_285 = arith.constant 0 : index
      %swap3A_286 = tpu.vector_load %arg7[%swap3A, %swap3A_285] {strides = array<i32>} : memref<128x32xf32, #tpu.memory_space<vmem>>, vector<1x16xf32>,
      %swap3A_287 = vector.shape_cast %swap3A_286 : vector<1x16xf32> to vector<16xf32>
      %swap3A_288 = vector.shape_cast %scan3A_271#0 : vector<16xf32> to vector<1x16xf32>
      tpu.vector_store %arg7[%swap3A, %swap3A_285], %swap3A_288 {strides = array<i32>} : memref<128x32xf32, #tpu.memory_space<vmem>>, vector<1x16xf32>,
      %swap3A_289 = arith.index_cast %add3A_219 : i32 to index
      %swap3A_290 = arith.constant 16 : index
      %swap3A_291 = tpu.vector_load %arg7[%swap3A_289, %swap3A_290] {strides = array<i32>} : memref<128x32xf32, #tpu.memory_space<vmem>>, vector<1x16xf32>,
      %swap3A_292 = vector.shape_cast %swap3A_291 : vector<1x16xf32> to vector<16xf32>
      %swap3A_293 = vector.shape_cast %scan3A_271#1 : vector<16xf32> to vector<1x16xf32>
      tpu.vector_store %arg7[%swap3A_289, %swap3A_290], %swap3A_293 {strides = array<i32>} : memref<128x32xf32, #tpu.memory_space<vmem>>, vector<1x16xf32>,
      %mul3A_294 = arith.constant 4 : i32
      %mul3A_295 = arith.muli %scan3A_215, %mul3A_294 : i32
      %add3A_296 = arith.constant 1 : i32
      %add3A_297 = arith.addi %mul3A_295, %add3A_296 : i32
      %add3A_298 = arith.constant 4 : i32
      %add3A_299 = arith.addi %add3A_297, %add3A_298 : i32
      %rem3A_300 = arith.constant 128 : i32
      %rem3A_301 = arith.remsi %add3A_299, %rem3A_300 : i32
      %dma_wait3A_302 = arith.constant 0 : i32
      %dma_wait3A_303 = arith.constant 2 : i32
      %dma_wait3A_304 = arith.constant 0 : i32
      %dma_wait3A_305 = arith.constant 0 : i32
      %dma_wait3A_306 = tpu.memref_slice %arg6[%dma_wait3A_303, %dma_wait3A_304, %dma_wait3A_305] : memref<8x104x32xf32, #tpu.memory_space<vmem>> -> memref<1x104x32xf32, #tpu.memory_space<vmem>>
      %dma_wait3A_307 = tpu.memref_squeeze %dma_wait3A_306 : memref<1x104x32xf32, #tpu.memory_space<vmem>> -> memref<104x32xf32, #tpu.memory_space<vmem>>
      %dma_wait3A_308 = arith.constant 0 : i32
      %dma_wait3A_309 = tpu.memref_slice %arg5[%add3A_297, %dma_wait3A_302, %dma_wait3A_308] : memref<128x2x104xi32, #tpu.memory_space<vmem>> -> memref<1x1x104xi32, #tpu.memory_space<vmem>>
      %dma_wait3A_310 = tpu.memref_squeeze %dma_wait3A_309 : memref<1x1x104xi32, #tpu.memory_space<vmem>> -> memref<104xi32, #tpu.memory_space<vmem>>
      %dma_wait3A_311 = arith.constant 0 : i32
      %dma_wait3A_312 = arith.constant 0 : i32
      %dma_wait3A_313 = tpu.memref_slice %arg3[%dma_wait3A_311, %dma_wait3A_312] : memref<1015808x32xf32, #tpu.memory_space<hbm>> -> memref<1015808x32xf32, #tpu.memory_space<hbm>>
      tpu.wait_indirect_dma semaphore(%arg10 : memref<!tpu.dma_semaphore, #tpu.memory_space<semaphore_mem>>) src(%dma_wait3A_313 : memref<1015808x32xf32, #tpu.memory_space<hbm>>) dst(%dma_wait3A_307 : memref<104x32xf32, #tpu.memory_space<vmem>>)
      %scan3A_314 = arith.constant 2 : i32
      %scan3A_315 = arith.constant 0 : i32
      %scan3A_316 = arith.constant 104 : i32
      %scan3A_317 = arith.addi %scan3A_315, %scan3A_316 : i32
      %scan3A_318 = arith.constant 8 : i32
      %scan3A_319:2 = scf.for %scan3A_534 = %scan3A_315 to %scan3A_317 step %scan3A_318 iter_args(%scan3A_535 = %broadcast_in_dim3A_106, %scan3A_536 = %broadcast_in_dim3A_106) -> (vector<16xf32>, vector<16xf32>)  : i32 {
        %get3A = arith.constant 0 : i32
        %get3A_537 = arith.constant 0 : i32
        %get3A_538 = tpu.memref_slice %arg6[%scan3A_314, %get3A, %get3A_537] : memref<8x104x32xf32, #tpu.memory_space<vmem>> -> memref<1x104x32xf32, #tpu.memory_space<vmem>>
        %get3A_539 = tpu.memref_squeeze %get3A_538 : memref<1x104x32xf32, #tpu.memory_space<vmem>> -> memref<104x32xf32, #tpu.memory_space<vmem>>
        %get3A_540 = arith.index_cast %scan3A_534 : i32 to index
        %get3A_541 = arith.constant 0 : index
        %get3A_542 = tpu.vector_load %get3A_539[%get3A_540, %get3A_541] {strides = array<i32>} : memref<104x32xf32, #tpu.memory_space<vmem>>, vector<1x16xf32>,
        %get3A_543 = vector.shape_cast %get3A_542 : vector<1x16xf32> to vector<16xf32>
        %max3A = arith.maximumf %scan3A_535, %get3A_543 : vector<16xf32>
        %get3A_544 = arith.constant 0 : i32
        %get3A_545 = arith.constant 0 : i32
        %get3A_546 = tpu.memref_slice %arg6[%scan3A_314, %get3A_544, %get3A_545] : memref<8x104x32xf32, #tpu.memory_space<vmem>> -> memref<1x104x32xf32, #tpu.memory_space<vmem>>
        %get3A_547 = tpu.memref_squeeze %get3A_546 : memref<1x104x32xf32, #tpu.memory_space<vmem>> -> memref<104x32xf32, #tpu.memory_space<vmem>>
        %get3A_548 = arith.index_cast %scan3A_534 : i32 to index
        %get3A_549 = arith.constant 16 : index
        %get3A_550 = tpu.vector_load %get3A_547[%get3A_548, %get3A_549] {strides = array<i32>} : memref<104x32xf32, #tpu.memory_space<vmem>>, vector<1x16xf32>,
        %get3A_551 = vector.shape_cast %get3A_550 : vector<1x16xf32> to vector<16xf32>
        %max3A_552 = arith.maximumf %scan3A_536, %get3A_551 : vector<16xf32>
        %scan3A_553 = arith.constant 1 : i32
        %scan3A_554 = arith.addi %scan3A_534, %scan3A_553 : i32
        %get3A_555 = arith.constant 0 : i32
        %get3A_556 = arith.constant 0 : i32
        %get3A_557 = tpu.memref_slice %arg6[%scan3A_314, %get3A_555, %get3A_556] : memref<8x104x32xf32, #tpu.memory_space<vmem>> -> memref<1x104x32xf32, #tpu.memory_space<vmem>>
        %get3A_558 = tpu.memref_squeeze %get3A_557 : memref<1x104x32xf32, #tpu.memory_space<vmem>> -> memref<104x32xf32, #tpu.memory_space<vmem>>
        %get3A_559 = arith.index_cast %scan3A_554 : i32 to index
        %get3A_560 = arith.constant 0 : index
        %get3A_561 = tpu.vector_load %get3A_558[%get3A_559, %get3A_560] {strides = array<i32>} : memref<104x32xf32, #tpu.memory_space<vmem>>, vector<1x16xf32>,
        %get3A_562 = vector.shape_cast %get3A_561 : vector<1x16xf32> to vector<16xf32>
        %max3A_563 = arith.maximumf %max3A, %get3A_562 : vector<16xf32>
        %get3A_564 = arith.constant 0 : i32
        %get3A_565 = arith.constant 0 : i32
        %get3A_566 = tpu.memref_slice %arg6[%scan3A_314, %get3A_564, %get3A_565] : memref<8x104x32xf32, #tpu.memory_space<vmem>> -> memref<1x104x32xf32, #tpu.memory_space<vmem>>
        %get3A_567 = tpu.memref_squeeze %get3A_566 : memref<1x104x32xf32, #tpu.memory_space<vmem>> -> memref<104x32xf32, #tpu.memory_space<vmem>>
        %get3A_568 = arith.index_cast %scan3A_554 : i32 to index
        %get3A_569 = arith.constant 16 : index
        %get3A_570 = tpu.vector_load %get3A_567[%get3A_568, %get3A_569] {strides = array<i32>} : memref<104x32xf32, #tpu.memory_space<vmem>>, vector<1x16xf32>,
        %get3A_571 = vector.shape_cast %get3A_570 : vector<1x16xf32> to vector<16xf32>
        %max3A_572 = arith.maximumf %max3A_552, %get3A_571 : vector<16xf32>
        %scan3A_573 = arith.constant 2 : i32
        %scan3A_574 = arith.addi %scan3A_534, %scan3A_573 : i32
        %get3A_575 = arith.constant 0 : i32
        %get3A_576 = arith.constant 0 : i32
        %get3A_577 = tpu.memref_slice %arg6[%scan3A_314, %get3A_575, %get3A_576] : memref<8x104x32xf32, #tpu.memory_space<vmem>> -> memref<1x104x32xf32, #tpu.memory_space<vmem>>
        %get3A_578 = tpu.memref_squeeze %get3A_577 : memref<1x104x32xf32, #tpu.memory_space<vmem>> -> memref<104x32xf32, #tpu.memory_space<vmem>>
        %get3A_579 = arith.index_cast %scan3A_574 : i32 to index
        %get3A_580 = arith.constant 0 : index
        %get3A_581 = tpu.vector_load %get3A_578[%get3A_579, %get3A_580] {strides = array<i32>} : memref<104x32xf32, #tpu.memory_space<vmem>>, vector<1x16xf32>,
        %get3A_582 = vector.shape_cast %get3A_581 : vector<1x16xf32> to vector<16xf32>
        %max3A_583 = arith.maximumf %max3A_563, %get3A_582 : vector<16xf32>
        %get3A_584 = arith.constant 0 : i32
        %get3A_585 = arith.constant 0 : i32
        %get3A_586 = tpu.memref_slice %arg6[%scan3A_314, %get3A_584, %get3A_585] : memref<8x104x32xf32, #tpu.memory_space<vmem>> -> memref<1x104x32xf32, #tpu.memory_space<vmem>>
        %get3A_587 = tpu.memref_squeeze %get3A_586 : memref<1x104x32xf32, #tpu.memory_space<vmem>> -> memref<104x32xf32, #tpu.memory_space<vmem>>
        %get3A_588 = arith.index_cast %scan3A_574 : i32 to index
        %get3A_589 = arith.constant 16 : index
        %get3A_590 = tpu.vector_load %get3A_587[%get3A_588, %get3A_589] {strides = array<i32>} : memref<104x32xf32, #tpu.memory_space<vmem>>, vector<1x16xf32>,
        %get3A_591 = vector.shape_cast %get3A_590 : vector<1x16xf32> to vector<16xf32>
        %max3A_592 = arith.maximumf %max3A_572, %get3A_591 : vector<16xf32>
        %scan3A_593 = arith.constant 3 : i32
        %scan3A_594 = arith.addi %scan3A_534, %scan3A_593 : i32
        %get3A_595 = arith.constant 0 : i32
        %get3A_596 = arith.constant 0 : i32
        %get3A_597 = tpu.memref_slice %arg6[%scan3A_314, %get3A_595, %get3A_596] : memref<8x104x32xf32, #tpu.memory_space<vmem>> -> memref<1x104x32xf32, #tpu.memory_space<vmem>>
        %get3A_598 = tpu.memref_squeeze %get3A_597 : memref<1x104x32xf32, #tpu.memory_space<vmem>> -> memref<104x32xf32, #tpu.memory_space<vmem>>
        %get3A_599 = arith.index_cast %scan3A_594 : i32 to index
        %get3A_600 = arith.constant 0 : index
        %get3A_601 = tpu.vector_load %get3A_598[%get3A_599, %get3A_600] {strides = array<i32>} : memref<104x32xf32, #tpu.memory_space<vmem>>, vector<1x16xf32>,
        %get3A_602 = vector.shape_cast %get3A_601 : vector<1x16xf32> to vector<16xf32>
        %max3A_603 = arith.maximumf %max3A_583, %get3A_602 : vector<16xf32>
        %get3A_604 = arith.constant 0 : i32
        %get3A_605 = arith.constant 0 : i32
        %get3A_606 = tpu.memref_slice %arg6[%scan3A_314, %get3A_604, %get3A_605] : memref<8x104x32xf32, #tpu.memory_space<vmem>> -> memref<1x104x32xf32, #tpu.memory_space<vmem>>
        %get3A_607 = tpu.memref_squeeze %get3A_606 : memref<1x104x32xf32, #tpu.memory_space<vmem>> -> memref<104x32xf32, #tpu.memory_space<vmem>>
        %get3A_608 = arith.index_cast %scan3A_594 : i32 to index
        %get3A_609 = arith.constant 16 : index
        %get3A_610 = tpu.vector_load %get3A_607[%get3A_608, %get3A_609] {strides = array<i32>} : memref<104x32xf32, #tpu.memory_space<vmem>>, vector<1x16xf32>,
        %get3A_611 = vector.shape_cast %get3A_610 : vector<1x16xf32> to vector<16xf32>
        %max3A_612 = arith.maximumf %max3A_592, %get3A_611 : vector<16xf32>
        %scan3A_613 = arith.constant 4 : i32
        %scan3A_614 = arith.addi %scan3A_534, %scan3A_613 : i32
        %get3A_615 = arith.constant 0 : i32
        %get3A_616 = arith.constant 0 : i32
        %get3A_617 = tpu.memref_slice %arg6[%scan3A_314, %get3A_615, %get3A_616] : memref<8x104x32xf32, #tpu.memory_space<vmem>> -> memref<1x104x32xf32, #tpu.memory_space<vmem>>
        %get3A_618 = tpu.memref_squeeze %get3A_617 : memref<1x104x32xf32, #tpu.memory_space<vmem>> -> memref<104x32xf32, #tpu.memory_space<vmem>>
        %get3A_619 = arith.index_cast %scan3A_614 : i32 to index
        %get3A_620 = arith.constant 0 : index
        %get3A_621 = tpu.vector_load %get3A_618[%get3A_619, %get3A_620] {strides = array<i32>} : memref<104x32xf32, #tpu.memory_space<vmem>>, vector<1x16xf32>,
        %get3A_622 = vector.shape_cast %get3A_621 : vector<1x16xf32> to vector<16xf32>
        %max3A_623 = arith.maximumf %max3A_603, %get3A_622 : vector<16xf32>
        %get3A_624 = arith.constant 0 : i32
        %get3A_625 = arith.constant 0 : i32
        %get3A_626 = tpu.memref_slice %arg6[%scan3A_314, %get3A_624, %get3A_625] : memref<8x104x32xf32, #tpu.memory_space<vmem>> -> memref<1x104x32xf32, #tpu.memory_space<vmem>>
        %get3A_627 = tpu.memref_squeeze %get3A_626 : memref<1x104x32xf32, #tpu.memory_space<vmem>> -> memref<104x32xf32, #tpu.memory_space<vmem>>
        %get3A_628 = arith.index_cast %scan3A_614 : i32 to index
        %get3A_629 = arith.constant 16 : index
        %get3A_630 = tpu.vector_load %get3A_627[%get3A_628, %get3A_629] {strides = array<i32>} : memref<104x32xf32, #tpu.memory_space<vmem>>, vector<1x16xf32>,
        %get3A_631 = vector.shape_cast %get3A_630 : vector<1x16xf32> to vector<16xf32>
        %max3A_632 = arith.maximumf %max3A_612, %get3A_631 : vector<16xf32>
        %scan3A_633 = arith.constant 5 : i32
        %scan3A_634 = arith.addi %scan3A_534, %scan3A_633 : i32
        %get3A_635 = arith.constant 0 : i32
        %get3A_636 = arith.constant 0 : i32
        %get3A_637 = tpu.memref_slice %arg6[%scan3A_314, %get3A_635, %get3A_636] : memref<8x104x32xf32, #tpu.memory_space<vmem>> -> memref<1x104x32xf32, #tpu.memory_space<vmem>>
        %get3A_638 = tpu.memref_squeeze %get3A_637 : memref<1x104x32xf32, #tpu.memory_space<vmem>> -> memref<104x32xf32, #tpu.memory_space<vmem>>
        %get3A_639 = arith.index_cast %scan3A_634 : i32 to index
        %get3A_640 = arith.constant 0 : index
        %get3A_641 = tpu.vector_load %get3A_638[%get3A_639, %get3A_640] {strides = array<i32>} : memref<104x32xf32, #tpu.memory_space<vmem>>, vector<1x16xf32>,
        %get3A_642 = vector.shape_cast %get3A_641 : vector<1x16xf32> to vector<16xf32>
        %max3A_643 = arith.maximumf %max3A_623, %get3A_642 : vector<16xf32>
        %get3A_644 = arith.constant 0 : i32
        %get3A_645 = arith.constant 0 : i32
        %get3A_646 = tpu.memref_slice %arg6[%scan3A_314, %get3A_644, %get3A_645] : memref<8x104x32xf32, #tpu.memory_space<vmem>> -> memref<1x104x32xf32, #tpu.memory_space<vmem>>
        %get3A_647 = tpu.memref_squeeze %get3A_646 : memref<1x104x32xf32, #tpu.memory_space<vmem>> -> memref<104x32xf32, #tpu.memory_space<vmem>>
        %get3A_648 = arith.index_cast %scan3A_634 : i32 to index
        %get3A_649 = arith.constant 16 : index
        %get3A_650 = tpu.vector_load %get3A_647[%get3A_648, %get3A_649] {strides = array<i32>} : memref<104x32xf32, #tpu.memory_space<vmem>>, vector<1x16xf32>,
        %get3A_651 = vector.shape_cast %get3A_650 : vector<1x16xf32> to vector<16xf32>
        %max3A_652 = arith.maximumf %max3A_632, %get3A_651 : vector<16xf32>
        %scan3A_653 = arith.constant 6 : i32
        %scan3A_654 = arith.addi %scan3A_534, %scan3A_653 : i32
        %get3A_655 = arith.constant 0 : i32
        %get3A_656 = arith.constant 0 : i32
        %get3A_657 = tpu.memref_slice %arg6[%scan3A_314, %get3A_655, %get3A_656] : memref<8x104x32xf32, #tpu.memory_space<vmem>> -> memref<1x104x32xf32, #tpu.memory_space<vmem>>
        %get3A_658 = tpu.memref_squeeze %get3A_657 : memref<1x104x32xf32, #tpu.memory_space<vmem>> -> memref<104x32xf32, #tpu.memory_space<vmem>>
        %get3A_659 = arith.index_cast %scan3A_654 : i32 to index
        %get3A_660 = arith.constant 0 : index
        %get3A_661 = tpu.vector_load %get3A_658[%get3A_659, %get3A_660] {strides = array<i32>} : memref<104x32xf32, #tpu.memory_space<vmem>>, vector<1x16xf32>,
        %get3A_662 = vector.shape_cast %get3A_661 : vector<1x16xf32> to vector<16xf32>
        %max3A_663 = arith.maximumf %max3A_643, %get3A_662 : vector<16xf32>
        %get3A_664 = arith.constant 0 : i32
        %get3A_665 = arith.constant 0 : i32
        %get3A_666 = tpu.memref_slice %arg6[%scan3A_314, %get3A_664, %get3A_665] : memref<8x104x32xf32, #tpu.memory_space<vmem>> -> memref<1x104x32xf32, #tpu.memory_space<vmem>>
        %get3A_667 = tpu.memref_squeeze %get3A_666 : memref<1x104x32xf32, #tpu.memory_space<vmem>> -> memref<104x32xf32, #tpu.memory_space<vmem>>
        %get3A_668 = arith.index_cast %scan3A_654 : i32 to index
        %get3A_669 = arith.constant 16 : index
        %get3A_670 = tpu.vector_load %get3A_667[%get3A_668, %get3A_669] {strides = array<i32>} : memref<104x32xf32, #tpu.memory_space<vmem>>, vector<1x16xf32>,
        %get3A_671 = vector.shape_cast %get3A_670 : vector<1x16xf32> to vector<16xf32>
        %max3A_672 = arith.maximumf %max3A_652, %get3A_671 : vector<16xf32>
        %scan3A_673 = arith.constant 7 : i32
        %scan3A_674 = arith.addi %scan3A_534, %scan3A_673 : i32
        %get3A_675 = arith.constant 0 : i32
        %get3A_676 = arith.constant 0 : i32
        %get3A_677 = tpu.memref_slice %arg6[%scan3A_314, %get3A_675, %get3A_676] : memref<8x104x32xf32, #tpu.memory_space<vmem>> -> memref<1x104x32xf32, #tpu.memory_space<vmem>>
        %get3A_678 = tpu.memref_squeeze %get3A_677 : memref<1x104x32xf32, #tpu.memory_space<vmem>> -> memref<104x32xf32, #tpu.memory_space<vmem>>
        %get3A_679 = arith.index_cast %scan3A_674 : i32 to index
        %get3A_680 = arith.constant 0 : index
        %get3A_681 = tpu.vector_load %get3A_678[%get3A_679, %get3A_680] {strides = array<i32>} : memref<104x32xf32, #tpu.memory_space<vmem>>, vector<1x16xf32>,
        %get3A_682 = vector.shape_cast %get3A_681 : vector<1x16xf32> to vector<16xf32>
        %max3A_683 = arith.maximumf %max3A_663, %get3A_682 : vector<16xf32>
        %get3A_684 = arith.constant 0 : i32
        %get3A_685 = arith.constant 0 : i32
        %get3A_686 = tpu.memref_slice %arg6[%scan3A_314, %get3A_684, %get3A_685] : memref<8x104x32xf32, #tpu.memory_space<vmem>> -> memref<1x104x32xf32, #tpu.memory_space<vmem>>
        %get3A_687 = tpu.memref_squeeze %get3A_686 : memref<1x104x32xf32, #tpu.memory_space<vmem>> -> memref<104x32xf32, #tpu.memory_space<vmem>>
        %get3A_688 = arith.index_cast %scan3A_674 : i32 to index
        %get3A_689 = arith.constant 16 : index
        %get3A_690 = tpu.vector_load %get3A_687[%get3A_688, %get3A_689] {strides = array<i32>} : memref<104x32xf32, #tpu.memory_space<vmem>>, vector<1x16xf32>,
        %get3A_691 = vector.shape_cast %get3A_690 : vector<1x16xf32> to vector<16xf32>
        %max3A_692 = arith.maximumf %max3A_672, %get3A_691 : vector<16xf32>
        scf.yield %max3A_683, %max3A_692 : vector<16xf32>, vector<16xf32>
      }
      %scan3A_320 = arith.constant 104 : i32
      %dma_start3A_321 = arith.constant 0 : i32
      %dma_start3A_322 = arith.constant 2 : i32
      %dma_start3A_323 = arith.constant 0 : i32
      %dma_start3A_324 = arith.constant 0 : i32
      %dma_start3A_325 = tpu.memref_slice %arg6[%dma_start3A_322, %dma_start3A_323, %dma_start3A_324] : memref<8x104x32xf32, #tpu.memory_space<vmem>> -> memref<1x104x32xf32, #tpu.memory_space<vmem>>
      %dma_start3A_326 = tpu.memref_squeeze %dma_start3A_325 : memref<1x104x32xf32, #tpu.memory_space<vmem>> -> memref<104x32xf32, #tpu.memory_space<vmem>>
      %dma_start3A_327 = arith.constant 0 : i32
      %dma_start3A_328 = tpu.memref_slice %arg5[%rem3A_301, %dma_start3A_321, %dma_start3A_327] : memref<128x2x104xi32, #tpu.memory_space<vmem>> -> memref<1x1x104xi32, #tpu.memory_space<vmem>>
      %dma_start3A_329 = tpu.memref_squeeze %dma_start3A_328 : memref<1x1x104xi32, #tpu.memory_space<vmem>> -> memref<104xi32, #tpu.memory_space<vmem>>
      %dma_start3A_330 = arith.constant 0 : i32
      %dma_start3A_331 = arith.constant 0 : i32
      %dma_start3A_332 = tpu.memref_slice %arg3[%dma_start3A_330, %dma_start3A_331] : memref<1015808x32xf32, #tpu.memory_space<hbm>> -> memref<1015808x32xf32, #tpu.memory_space<hbm>>
      tpu.enqueue_indirect_dma source(%dma_start3A_332 : memref<1015808x32xf32, #tpu.memory_space<hbm>>) target(%dma_start3A_326 : memref<104x32xf32, #tpu.memory_space<vmem>>) offsets(%dma_start3A_329 : memref<104xi32, #tpu.memory_space<vmem>>) semaphore(%arg10 : memref<!tpu.dma_semaphore, #tpu.memory_space<semaphore_mem>>)
      %dma_wait3A_333 = arith.constant 1 : i32
      %dma_wait3A_334 = arith.constant 3 : i32
      %dma_wait3A_335 = arith.constant 0 : i32
      %dma_wait3A_336 = arith.constant 0 : i32
      %dma_wait3A_337 = tpu.memref_slice %arg6[%dma_wait3A_334, %dma_wait3A_335, %dma_wait3A_336] : memref<8x104x32xf32, #tpu.memory_space<vmem>> -> memref<1x104x32xf32, #tpu.memory_space<vmem>>
      %dma_wait3A_338 = tpu.memref_squeeze %dma_wait3A_337 : memref<1x104x32xf32, #tpu.memory_space<vmem>> -> memref<104x32xf32, #tpu.memory_space<vmem>>
      %dma_wait3A_339 = arith.constant 0 : i32
      %dma_wait3A_340 = tpu.memref_slice %arg5[%add3A_297, %dma_wait3A_333, %dma_wait3A_339] : memref<128x2x104xi32, #tpu.memory_space<vmem>> -> memref<1x1x104xi32, #tpu.memory_space<vmem>>
      %dma_wait3A_341 = tpu.memref_squeeze %dma_wait3A_340 : memref<1x1x104xi32, #tpu.memory_space<vmem>> -> memref<104xi32, #tpu.memory_space<vmem>>
      %dma_wait3A_342 = arith.constant 0 : i32
      %dma_wait3A_343 = arith.constant 0 : i32
      %dma_wait3A_344 = tpu.memref_slice %arg3[%dma_wait3A_342, %dma_wait3A_343] : memref<1015808x32xf32, #tpu.memory_space<hbm>> -> memref<1015808x32xf32, #tpu.memory_space<hbm>>
      tpu.wait_indirect_dma semaphore(%arg11 : memref<!tpu.dma_semaphore, #tpu.memory_space<semaphore_mem>>) src(%dma_wait3A_344 : memref<1015808x32xf32, #tpu.memory_space<hbm>>) dst(%dma_wait3A_338 : memref<104x32xf32, #tpu.memory_space<vmem>>)
      %scan3A_345 = arith.constant 3 : i32
      %scan3A_346 = arith.constant 0 : i32
      %scan3A_347 = arith.constant 104 : i32
      %scan3A_348 = arith.addi %scan3A_346, %scan3A_347 : i32
      %scan3A_349 = arith.constant 8 : i32
      %scan3A_350:2 = scf.for %scan3A_534 = %scan3A_346 to %scan3A_348 step %scan3A_349 iter_args(%scan3A_535 = %scan3A_319#0, %scan3A_536 = %scan3A_319#1) -> (vector<16xf32>, vector<16xf32>)  : i32 {
        %get3A = arith.constant 0 : i32
        %get3A_537 = arith.constant 0 : i32
        %get3A_538 = tpu.memref_slice %arg6[%scan3A_345, %get3A, %get3A_537] : memref<8x104x32xf32, #tpu.memory_space<vmem>> -> memref<1x104x32xf32, #tpu.memory_space<vmem>>
        %get3A_539 = tpu.memref_squeeze %get3A_538 : memref<1x104x32xf32, #tpu.memory_space<vmem>> -> memref<104x32xf32, #tpu.memory_space<vmem>>
        %get3A_540 = arith.index_cast %scan3A_534 : i32 to index
        %get3A_541 = arith.constant 0 : index
        %get3A_542 = tpu.vector_load %get3A_539[%get3A_540, %get3A_541] {strides = array<i32>} : memref<104x32xf32, #tpu.memory_space<vmem>>, vector<1x16xf32>,
        %get3A_543 = vector.shape_cast %get3A_542 : vector<1x16xf32> to vector<16xf32>
        %max3A = arith.maximumf %scan3A_535, %get3A_543 : vector<16xf32>
        %get3A_544 = arith.constant 0 : i32
        %get3A_545 = arith.constant 0 : i32
        %get3A_546 = tpu.memref_slice %arg6[%scan3A_345, %get3A_544, %get3A_545] : memref<8x104x32xf32, #tpu.memory_space<vmem>> -> memref<1x104x32xf32, #tpu.memory_space<vmem>>
        %get3A_547 = tpu.memref_squeeze %get3A_546 : memref<1x104x32xf32, #tpu.memory_space<vmem>> -> memref<104x32xf32, #tpu.memory_space<vmem>>
        %get3A_548 = arith.index_cast %scan3A_534 : i32 to index
        %get3A_549 = arith.constant 16 : index
        %get3A_550 = tpu.vector_load %get3A_547[%get3A_548, %get3A_549] {strides = array<i32>} : memref<104x32xf32, #tpu.memory_space<vmem>>, vector<1x16xf32>,
        %get3A_551 = vector.shape_cast %get3A_550 : vector<1x16xf32> to vector<16xf32>
        %max3A_552 = arith.maximumf %scan3A_536, %get3A_551 : vector<16xf32>
        %scan3A_553 = arith.constant 1 : i32
        %scan3A_554 = arith.addi %scan3A_534, %scan3A_553 : i32
        %get3A_555 = arith.constant 0 : i32
        %get3A_556 = arith.constant 0 : i32
        %get3A_557 = tpu.memref_slice %arg6[%scan3A_345, %get3A_555, %get3A_556] : memref<8x104x32xf32, #tpu.memory_space<vmem>> -> memref<1x104x32xf32, #tpu.memory_space<vmem>>
        %get3A_558 = tpu.memref_squeeze %get3A_557 : memref<1x104x32xf32, #tpu.memory_space<vmem>> -> memref<104x32xf32, #tpu.memory_space<vmem>>
        %get3A_559 = arith.index_cast %scan3A_554 : i32 to index
        %get3A_560 = arith.constant 0 : index
        %get3A_561 = tpu.vector_load %get3A_558[%get3A_559, %get3A_560] {strides = array<i32>} : memref<104x32xf32, #tpu.memory_space<vmem>>, vector<1x16xf32>,
        %get3A_562 = vector.shape_cast %get3A_561 : vector<1x16xf32> to vector<16xf32>
        %max3A_563 = arith.maximumf %max3A, %get3A_562 : vector<16xf32>
        %get3A_564 = arith.constant 0 : i32
        %get3A_565 = arith.constant 0 : i32
        %get3A_566 = tpu.memref_slice %arg6[%scan3A_345, %get3A_564, %get3A_565] : memref<8x104x32xf32, #tpu.memory_space<vmem>> -> memref<1x104x32xf32, #tpu.memory_space<vmem>>
        %get3A_567 = tpu.memref_squeeze %get3A_566 : memref<1x104x32xf32, #tpu.memory_space<vmem>> -> memref<104x32xf32, #tpu.memory_space<vmem>>
        %get3A_568 = arith.index_cast %scan3A_554 : i32 to index
        %get3A_569 = arith.constant 16 : index
        %get3A_570 = tpu.vector_load %get3A_567[%get3A_568, %get3A_569] {strides = array<i32>} : memref<104x32xf32, #tpu.memory_space<vmem>>, vector<1x16xf32>,
        %get3A_571 = vector.shape_cast %get3A_570 : vector<1x16xf32> to vector<16xf32>
        %max3A_572 = arith.maximumf %max3A_552, %get3A_571 : vector<16xf32>
        %scan3A_573 = arith.constant 2 : i32
        %scan3A_574 = arith.addi %scan3A_534, %scan3A_573 : i32
        %get3A_575 = arith.constant 0 : i32
        %get3A_576 = arith.constant 0 : i32
        %get3A_577 = tpu.memref_slice %arg6[%scan3A_345, %get3A_575, %get3A_576] : memref<8x104x32xf32, #tpu.memory_space<vmem>> -> memref<1x104x32xf32, #tpu.memory_space<vmem>>
        %get3A_578 = tpu.memref_squeeze %get3A_577 : memref<1x104x32xf32, #tpu.memory_space<vmem>> -> memref<104x32xf32, #tpu.memory_space<vmem>>
        %get3A_579 = arith.index_cast %scan3A_574 : i32 to index
        %get3A_580 = arith.constant 0 : index
        %get3A_581 = tpu.vector_load %get3A_578[%get3A_579, %get3A_580] {strides = array<i32>} : memref<104x32xf32, #tpu.memory_space<vmem>>, vector<1x16xf32>,
        %get3A_582 = vector.shape_cast %get3A_581 : vector<1x16xf32> to vector<16xf32>
        %max3A_583 = arith.maximumf %max3A_563, %get3A_582 : vector<16xf32>
        %get3A_584 = arith.constant 0 : i32
        %get3A_585 = arith.constant 0 : i32
        %get3A_586 = tpu.memref_slice %arg6[%scan3A_345, %get3A_584, %get3A_585] : memref<8x104x32xf32, #tpu.memory_space<vmem>> -> memref<1x104x32xf32, #tpu.memory_space<vmem>>
        %get3A_587 = tpu.memref_squeeze %get3A_586 : memref<1x104x32xf32, #tpu.memory_space<vmem>> -> memref<104x32xf32, #tpu.memory_space<vmem>>
        %get3A_588 = arith.index_cast %scan3A_574 : i32 to index
        %get3A_589 = arith.constant 16 : index
        %get3A_590 = tpu.vector_load %get3A_587[%get3A_588, %get3A_589] {strides = array<i32>} : memref<104x32xf32, #tpu.memory_space<vmem>>, vector<1x16xf32>,
        %get3A_591 = vector.shape_cast %get3A_590 : vector<1x16xf32> to vector<16xf32>
        %max3A_592 = arith.maximumf %max3A_572, %get3A_591 : vector<16xf32>
        %scan3A_593 = arith.constant 3 : i32
        %scan3A_594 = arith.addi %scan3A_534, %scan3A_593 : i32
        %get3A_595 = arith.constant 0 : i32
        %get3A_596 = arith.constant 0 : i32
        %get3A_597 = tpu.memref_slice %arg6[%scan3A_345, %get3A_595, %get3A_596] : memref<8x104x32xf32, #tpu.memory_space<vmem>> -> memref<1x104x32xf32, #tpu.memory_space<vmem>>
        %get3A_598 = tpu.memref_squeeze %get3A_597 : memref<1x104x32xf32, #tpu.memory_space<vmem>> -> memref<104x32xf32, #tpu.memory_space<vmem>>
        %get3A_599 = arith.index_cast %scan3A_594 : i32 to index
        %get3A_600 = arith.constant 0 : index
        %get3A_601 = tpu.vector_load %get3A_598[%get3A_599, %get3A_600] {strides = array<i32>} : memref<104x32xf32, #tpu.memory_space<vmem>>, vector<1x16xf32>,
        %get3A_602 = vector.shape_cast %get3A_601 : vector<1x16xf32> to vector<16xf32>
        %max3A_603 = arith.maximumf %max3A_583, %get3A_602 : vector<16xf32>
        %get3A_604 = arith.constant 0 : i32
        %get3A_605 = arith.constant 0 : i32
        %get3A_606 = tpu.memref_slice %arg6[%scan3A_345, %get3A_604, %get3A_605] : memref<8x104x32xf32, #tpu.memory_space<vmem>> -> memref<1x104x32xf32, #tpu.memory_space<vmem>>
        %get3A_607 = tpu.memref_squeeze %get3A_606 : memref<1x104x32xf32, #tpu.memory_space<vmem>> -> memref<104x32xf32, #tpu.memory_space<vmem>>
        %get3A_608 = arith.index_cast %scan3A_594 : i32 to index
        %get3A_609 = arith.constant 16 : index
        %get3A_610 = tpu.vector_load %get3A_607[%get3A_608, %get3A_609] {strides = array<i32>} : memref<104x32xf32, #tpu.memory_space<vmem>>, vector<1x16xf32>,
        %get3A_611 = vector.shape_cast %get3A_610 : vector<1x16xf32> to vector<16xf32>
        %max3A_612 = arith.maximumf %max3A_592, %get3A_611 : vector<16xf32>
        %scan3A_613 = arith.constant 4 : i32
        %scan3A_614 = arith.addi %scan3A_534, %scan3A_613 : i32
        %get3A_615 = arith.constant 0 : i32
        %get3A_616 = arith.constant 0 : i32
        %get3A_617 = tpu.memref_slice %arg6[%scan3A_345, %get3A_615, %get3A_616] : memref<8x104x32xf32, #tpu.memory_space<vmem>> -> memref<1x104x32xf32, #tpu.memory_space<vmem>>
        %get3A_618 = tpu.memref_squeeze %get3A_617 : memref<1x104x32xf32, #tpu.memory_space<vmem>> -> memref<104x32xf32, #tpu.memory_space<vmem>>
        %get3A_619 = arith.index_cast %scan3A_614 : i32 to index
        %get3A_620 = arith.constant 0 : index
        %get3A_621 = tpu.vector_load %get3A_618[%get3A_619, %get3A_620] {strides = array<i32>} : memref<104x32xf32, #tpu.memory_space<vmem>>, vector<1x16xf32>,
        %get3A_622 = vector.shape_cast %get3A_621 : vector<1x16xf32> to vector<16xf32>
        %max3A_623 = arith.maximumf %max3A_603, %get3A_622 : vector<16xf32>
        %get3A_624 = arith.constant 0 : i32
        %get3A_625 = arith.constant 0 : i32
        %get3A_626 = tpu.memref_slice %arg6[%scan3A_345, %get3A_624, %get3A_625] : memref<8x104x32xf32, #tpu.memory_space<vmem>> -> memref<1x104x32xf32, #tpu.memory_space<vmem>>
        %get3A_627 = tpu.memref_squeeze %get3A_626 : memref<1x104x32xf32, #tpu.memory_space<vmem>> -> memref<104x32xf32, #tpu.memory_space<vmem>>
        %get3A_628 = arith.index_cast %scan3A_614 : i32 to index
        %get3A_629 = arith.constant 16 : index
        %get3A_630 = tpu.vector_load %get3A_627[%get3A_628, %get3A_629] {strides = array<i32>} : memref<104x32xf32, #tpu.memory_space<vmem>>, vector<1x16xf32>,
        %get3A_631 = vector.shape_cast %get3A_630 : vector<1x16xf32> to vector<16xf32>
        %max3A_632 = arith.maximumf %max3A_612, %get3A_631 : vector<16xf32>
        %scan3A_633 = arith.constant 5 : i32
        %scan3A_634 = arith.addi %scan3A_534, %scan3A_633 : i32
        %get3A_635 = arith.constant 0 : i32
        %get3A_636 = arith.constant 0 : i32
        %get3A_637 = tpu.memref_slice %arg6[%scan3A_345, %get3A_635, %get3A_636] : memref<8x104x32xf32, #tpu.memory_space<vmem>> -> memref<1x104x32xf32, #tpu.memory_space<vmem>>
        %get3A_638 = tpu.memref_squeeze %get3A_637 : memref<1x104x32xf32, #tpu.memory_space<vmem>> -> memref<104x32xf32, #tpu.memory_space<vmem>>
        %get3A_639 = arith.index_cast %scan3A_634 : i32 to index
        %get3A_640 = arith.constant 0 : index
        %get3A_641 = tpu.vector_load %get3A_638[%get3A_639, %get3A_640] {strides = array<i32>} : memref<104x32xf32, #tpu.memory_space<vmem>>, vector<1x16xf32>,
        %get3A_642 = vector.shape_cast %get3A_641 : vector<1x16xf32> to vector<16xf32>
        %max3A_643 = arith.maximumf %max3A_623, %get3A_642 : vector<16xf32>
        %get3A_644 = arith.constant 0 : i32
        %get3A_645 = arith.constant 0 : i32
        %get3A_646 = tpu.memref_slice %arg6[%scan3A_345, %get3A_644, %get3A_645] : memref<8x104x32xf32, #tpu.memory_space<vmem>> -> memref<1x104x32xf32, #tpu.memory_space<vmem>>
        %get3A_647 = tpu.memref_squeeze %get3A_646 : memref<1x104x32xf32, #tpu.memory_space<vmem>> -> memref<104x32xf32, #tpu.memory_space<vmem>>
        %get3A_648 = arith.index_cast %scan3A_634 : i32 to index
        %get3A_649 = arith.constant 16 : index
        %get3A_650 = tpu.vector_load %get3A_647[%get3A_648, %get3A_649] {strides = array<i32>} : memref<104x32xf32, #tpu.memory_space<vmem>>, vector<1x16xf32>,
        %get3A_651 = vector.shape_cast %get3A_650 : vector<1x16xf32> to vector<16xf32>
        %max3A_652 = arith.maximumf %max3A_632, %get3A_651 : vector<16xf32>
        %scan3A_653 = arith.constant 6 : i32
        %scan3A_654 = arith.addi %scan3A_534, %scan3A_653 : i32
        %get3A_655 = arith.constant 0 : i32
        %get3A_656 = arith.constant 0 : i32
        %get3A_657 = tpu.memref_slice %arg6[%scan3A_345, %get3A_655, %get3A_656] : memref<8x104x32xf32, #tpu.memory_space<vmem>> -> memref<1x104x32xf32, #tpu.memory_space<vmem>>
        %get3A_658 = tpu.memref_squeeze %get3A_657 : memref<1x104x32xf32, #tpu.memory_space<vmem>> -> memref<104x32xf32, #tpu.memory_space<vmem>>
        %get3A_659 = arith.index_cast %scan3A_654 : i32 to index
        %get3A_660 = arith.constant 0 : index
        %get3A_661 = tpu.vector_load %get3A_658[%get3A_659, %get3A_660] {strides = array<i32>} : memref<104x32xf32, #tpu.memory_space<vmem>>, vector<1x16xf32>,
        %get3A_662 = vector.shape_cast %get3A_661 : vector<1x16xf32> to vector<16xf32>
        %max3A_663 = arith.maximumf %max3A_643, %get3A_662 : vector<16xf32>
        %get3A_664 = arith.constant 0 : i32
        %get3A_665 = arith.constant 0 : i32
        %get3A_666 = tpu.memref_slice %arg6[%scan3A_345, %get3A_664, %get3A_665] : memref<8x104x32xf32, #tpu.memory_space<vmem>> -> memref<1x104x32xf32, #tpu.memory_space<vmem>>
        %get3A_667 = tpu.memref_squeeze %get3A_666 : memref<1x104x32xf32, #tpu.memory_space<vmem>> -> memref<104x32xf32, #tpu.memory_space<vmem>>
        %get3A_668 = arith.index_cast %scan3A_654 : i32 to index
        %get3A_669 = arith.constant 16 : index
        %get3A_670 = tpu.vector_load %get3A_667[%get3A_668, %get3A_669] {strides = array<i32>} : memref<104x32xf32, #tpu.memory_space<vmem>>, vector<1x16xf32>,
        %get3A_671 = vector.shape_cast %get3A_670 : vector<1x16xf32> to vector<16xf32>
        %max3A_672 = arith.maximumf %max3A_652, %get3A_671 : vector<16xf32>
        %scan3A_673 = arith.constant 7 : i32
        %scan3A_674 = arith.addi %scan3A_534, %scan3A_673 : i32
        %get3A_675 = arith.constant 0 : i32
        %get3A_676 = arith.constant 0 : i32
        %get3A_677 = tpu.memref_slice %arg6[%scan3A_345, %get3A_675, %get3A_676] : memref<8x104x32xf32, #tpu.memory_space<vmem>> -> memref<1x104x32xf32, #tpu.memory_space<vmem>>
        %get3A_678 = tpu.memref_squeeze %get3A_677 : memref<1x104x32xf32, #tpu.memory_space<vmem>> -> memref<104x32xf32, #tpu.memory_space<vmem>>
        %get3A_679 = arith.index_cast %scan3A_674 : i32 to index
        %get3A_680 = arith.constant 0 : index
        %get3A_681 = tpu.vector_load %get3A_678[%get3A_679, %get3A_680] {strides = array<i32>} : memref<104x32xf32, #tpu.memory_space<vmem>>, vector<1x16xf32>,
        %get3A_682 = vector.shape_cast %get3A_681 : vector<1x16xf32> to vector<16xf32>
        %max3A_683 = arith.maximumf %max3A_663, %get3A_682 : vector<16xf32>
        %get3A_684 = arith.constant 0 : i32
        %get3A_685 = arith.constant 0 : i32
        %get3A_686 = tpu.memref_slice %arg6[%scan3A_345, %get3A_684, %get3A_685] : memref<8x104x32xf32, #tpu.memory_space<vmem>> -> memref<1x104x32xf32, #tpu.memory_space<vmem>>
        %get3A_687 = tpu.memref_squeeze %get3A_686 : memref<1x104x32xf32, #tpu.memory_space<vmem>> -> memref<104x32xf32, #tpu.memory_space<vmem>>
        %get3A_688 = arith.index_cast %scan3A_674 : i32 to index
        %get3A_689 = arith.constant 16 : index
        %get3A_690 = tpu.vector_load %get3A_687[%get3A_688, %get3A_689] {strides = array<i32>} : memref<104x32xf32, #tpu.memory_space<vmem>>, vector<1x16xf32>,
        %get3A_691 = vector.shape_cast %get3A_690 : vector<1x16xf32> to vector<16xf32>
        %max3A_692 = arith.maximumf %max3A_672, %get3A_691 : vector<16xf32>
        scf.yield %max3A_683, %max3A_692 : vector<16xf32>, vector<16xf32>
      }
      %scan3A_351 = arith.constant 104 : i32
      %dma_start3A_352 = arith.constant 1 : i32
      %dma_start3A_353 = arith.constant 3 : i32
      %dma_start3A_354 = arith.constant 0 : i32
      %dma_start3A_355 = arith.constant 0 : i32
      %dma_start3A_356 = tpu.memref_slice %arg6[%dma_start3A_353, %dma_start3A_354, %dma_start3A_355] : memref<8x104x32xf32, #tpu.memory_space<vmem>> -> memref<1x104x32xf32, #tpu.memory_space<vmem>>
      %dma_start3A_357 = tpu.memref_squeeze %dma_start3A_356 : memref<1x104x32xf32, #tpu.memory_space<vmem>> -> memref<104x32xf32, #tpu.memory_space<vmem>>
      %dma_start3A_358 = arith.constant 0 : i32
      %dma_start3A_359 = tpu.memref_slice %arg5[%rem3A_301, %dma_start3A_352, %dma_start3A_358] : memref<128x2x104xi32, #tpu.memory_space<vmem>> -> memref<1x1x104xi32, #tpu.memory_space<vmem>>
      %dma_start3A_360 = tpu.memref_squeeze %dma_start3A_359 : memref<1x1x104xi32, #tpu.memory_space<vmem>> -> memref<104xi32, #tpu.memory_space<vmem>>
      %dma_start3A_361 = arith.constant 0 : i32
      %dma_start3A_362 = arith.constant 0 : i32
      %dma_start3A_363 = tpu.memref_slice %arg3[%dma_start3A_361, %dma_start3A_362] : memref<1015808x32xf32, #tpu.memory_space<hbm>> -> memref<1015808x32xf32, #tpu.memory_space<hbm>>
      tpu.enqueue_indirect_dma source(%dma_start3A_363 : memref<1015808x32xf32, #tpu.memory_space<hbm>>) target(%dma_start3A_357 : memref<104x32xf32, #tpu.memory_space<vmem>>) offsets(%dma_start3A_360 : memref<104xi32, #tpu.memory_space<vmem>>) semaphore(%arg11 : memref<!tpu.dma_semaphore, #tpu.memory_space<semaphore_mem>>)
      %swap3A_364 = arith.index_cast %add3A_297 : i32 to index
      %swap3A_365 = arith.constant 0 : index
      %swap3A_366 = tpu.vector_load %arg7[%swap3A_364, %swap3A_365] {strides = array<i32>} : memref<128x32xf32, #tpu.memory_space<vmem>>, vector<1x16xf32>,
      %swap3A_367 = vector.shape_cast %swap3A_366 : vector<1x16xf32> to vector<16xf32>
      %swap3A_368 = vector.shape_cast %scan3A_350#0 : vector<16xf32> to vector<1x16xf32>
      tpu.vector_store %arg7[%swap3A_364, %swap3A_365], %swap3A_368 {strides = array<i32>} : memref<128x32xf32, #tpu.memory_space<vmem>>, vector<1x16xf32>,
      %swap3A_369 = arith.index_cast %add3A_297 : i32 to index
      %swap3A_370 = arith.constant 16 : index
      %swap3A_371 = tpu.vector_load %arg7[%swap3A_369, %swap3A_370] {strides = array<i32>} : memref<128x32xf32, #tpu.memory_space<vmem>>, vector<1x16xf32>,
      %swap3A_372 = vector.shape_cast %swap3A_371 : vector<1x16xf32> to vector<16xf32>
      %swap3A_373 = vector.shape_cast %scan3A_350#1 : vector<16xf32> to vector<1x16xf32>
      tpu.vector_store %arg7[%swap3A_369, %swap3A_370], %swap3A_373 {strides = array<i32>} : memref<128x32xf32, #tpu.memory_space<vmem>>, vector<1x16xf32>,
      %mul3A_374 = arith.constant 4 : i32
      %mul3A_375 = arith.muli %scan3A_215, %mul3A_374 : i32
      %add3A_376 = arith.constant 2 : i32
      %add3A_377 = arith.addi %mul3A_375, %add3A_376 : i32
      %add3A_378 = arith.constant 4 : i32
      %add3A_379 = arith.addi %add3A_377, %add3A_378 : i32
      %rem3A_380 = arith.constant 128 : i32
      %rem3A_381 = arith.remsi %add3A_379, %rem3A_380 : i32
      %dma_wait3A_382 = arith.constant 0 : i32
      %dma_wait3A_383 = arith.constant 4 : i32
      %dma_wait3A_384 = arith.constant 0 : i32
      %dma_wait3A_385 = arith.constant 0 : i32
      %dma_wait3A_386 = tpu.memref_slice %arg6[%dma_wait3A_383, %dma_wait3A_384, %dma_wait3A_385] : memref<8x104x32xf32, #tpu.memory_space<vmem>> -> memref<1x104x32xf32, #tpu.memory_space<vmem>>
      %dma_wait3A_387 = tpu.memref_squeeze %dma_wait3A_386 : memref<1x104x32xf32, #tpu.memory_space<vmem>> -> memref<104x32xf32, #tpu.memory_space<vmem>>
      %dma_wait3A_388 = arith.constant 0 : i32
      %dma_wait3A_389 = tpu.memref_slice %arg5[%add3A_377, %dma_wait3A_382, %dma_wait3A_388] : memref<128x2x104xi32, #tpu.memory_space<vmem>> -> memref<1x1x104xi32, #tpu.memory_space<vmem>>
      %dma_wait3A_390 = tpu.memref_squeeze %dma_wait3A_389 : memref<1x1x104xi32, #tpu.memory_space<vmem>> -> memref<104xi32, #tpu.memory_space<vmem>>
      %dma_wait3A_391 = arith.constant 0 : i32
      %dma_wait3A_392 = arith.constant 0 : i32
      %dma_wait3A_393 = tpu.memref_slice %arg3[%dma_wait3A_391, %dma_wait3A_392] : memref<1015808x32xf32, #tpu.memory_space<hbm>> -> memref<1015808x32xf32, #tpu.memory_space<hbm>>
      tpu.wait_indirect_dma semaphore(%arg12 : memref<!tpu.dma_semaphore, #tpu.memory_space<semaphore_mem>>) src(%dma_wait3A_393 : memref<1015808x32xf32, #tpu.memory_space<hbm>>) dst(%dma_wait3A_387 : memref<104x32xf32, #tpu.memory_space<vmem>>)
      %scan3A_394 = arith.constant 4 : i32
      %scan3A_395 = arith.constant 0 : i32
      %scan3A_396 = arith.constant 104 : i32
      %scan3A_397 = arith.addi %scan3A_395, %scan3A_396 : i32
      %scan3A_398 = arith.constant 8 : i32
      %scan3A_399:2 = scf.for %scan3A_534 = %scan3A_395 to %scan3A_397 step %scan3A_398 iter_args(%scan3A_535 = %broadcast_in_dim3A_106, %scan3A_536 = %broadcast_in_dim3A_106) -> (vector<16xf32>, vector<16xf32>)  : i32 {
        %get3A = arith.constant 0 : i32
        %get3A_537 = arith.constant 0 : i32
        %get3A_538 = tpu.memref_slice %arg6[%scan3A_394, %get3A, %get3A_537] : memref<8x104x32xf32, #tpu.memory_space<vmem>> -> memref<1x104x32xf32, #tpu.memory_space<vmem>>
        %get3A_539 = tpu.memref_squeeze %get3A_538 : memref<1x104x32xf32, #tpu.memory_space<vmem>> -> memref<104x32xf32, #tpu.memory_space<vmem>>
        %get3A_540 = arith.index_cast %scan3A_534 : i32 to index
        %get3A_541 = arith.constant 0 : index
        %get3A_542 = tpu.vector_load %get3A_539[%get3A_540, %get3A_541] {strides = array<i32>} : memref<104x32xf32, #tpu.memory_space<vmem>>, vector<1x16xf32>,
        %get3A_543 = vector.shape_cast %get3A_542 : vector<1x16xf32> to vector<16xf32>
        %max3A = arith.maximumf %scan3A_535, %get3A_543 : vector<16xf32>
        %get3A_544 = arith.constant 0 : i32
        %get3A_545 = arith.constant 0 : i32
        %get3A_546 = tpu.memref_slice %arg6[%scan3A_394, %get3A_544, %get3A_545] : memref<8x104x32xf32, #tpu.memory_space<vmem>> -> memref<1x104x32xf32, #tpu.memory_space<vmem>>
        %get3A_547 = tpu.memref_squeeze %get3A_546 : memref<1x104x32xf32, #tpu.memory_space<vmem>> -> memref<104x32xf32, #tpu.memory_space<vmem>>
        %get3A_548 = arith.index_cast %scan3A_534 : i32 to index
        %get3A_549 = arith.constant 16 : index
        %get3A_550 = tpu.vector_load %get3A_547[%get3A_548, %get3A_549] {strides = array<i32>} : memref<104x32xf32, #tpu.memory_space<vmem>>, vector<1x16xf32>,
        %get3A_551 = vector.shape_cast %get3A_550 : vector<1x16xf32> to vector<16xf32>
        %max3A_552 = arith.maximumf %scan3A_536, %get3A_551 : vector<16xf32>
        %scan3A_553 = arith.constant 1 : i32
        %scan3A_554 = arith.addi %scan3A_534, %scan3A_553 : i32
        %get3A_555 = arith.constant 0 : i32
        %get3A_556 = arith.constant 0 : i32
        %get3A_557 = tpu.memref_slice %arg6[%scan3A_394, %get3A_555, %get3A_556] : memref<8x104x32xf32, #tpu.memory_space<vmem>> -> memref<1x104x32xf32, #tpu.memory_space<vmem>>
        %get3A_558 = tpu.memref_squeeze %get3A_557 : memref<1x104x32xf32, #tpu.memory_space<vmem>> -> memref<104x32xf32, #tpu.memory_space<vmem>>
        %get3A_559 = arith.index_cast %scan3A_554 : i32 to index
        %get3A_560 = arith.constant 0 : index
        %get3A_561 = tpu.vector_load %get3A_558[%get3A_559, %get3A_560] {strides = array<i32>} : memref<104x32xf32, #tpu.memory_space<vmem>>, vector<1x16xf32>,
        %get3A_562 = vector.shape_cast %get3A_561 : vector<1x16xf32> to vector<16xf32>
        %max3A_563 = arith.maximumf %max3A, %get3A_562 : vector<16xf32>
        %get3A_564 = arith.constant 0 : i32
        %get3A_565 = arith.constant 0 : i32
        %get3A_566 = tpu.memref_slice %arg6[%scan3A_394, %get3A_564, %get3A_565] : memref<8x104x32xf32, #tpu.memory_space<vmem>> -> memref<1x104x32xf32, #tpu.memory_space<vmem>>
        %get3A_567 = tpu.memref_squeeze %get3A_566 : memref<1x104x32xf32, #tpu.memory_space<vmem>> -> memref<104x32xf32, #tpu.memory_space<vmem>>
        %get3A_568 = arith.index_cast %scan3A_554 : i32 to index
        %get3A_569 = arith.constant 16 : index
        %get3A_570 = tpu.vector_load %get3A_567[%get3A_568, %get3A_569] {strides = array<i32>} : memref<104x32xf32, #tpu.memory_space<vmem>>, vector<1x16xf32>,
        %get3A_571 = vector.shape_cast %get3A_570 : vector<1x16xf32> to vector<16xf32>
        %max3A_572 = arith.maximumf %max3A_552, %get3A_571 : vector<16xf32>
        %scan3A_573 = arith.constant 2 : i32
        %scan3A_574 = arith.addi %scan3A_534, %scan3A_573 : i32
        %get3A_575 = arith.constant 0 : i32
        %get3A_576 = arith.constant 0 : i32
        %get3A_577 = tpu.memref_slice %arg6[%scan3A_394, %get3A_575, %get3A_576] : memref<8x104x32xf32, #tpu.memory_space<vmem>> -> memref<1x104x32xf32, #tpu.memory_space<vmem>>
        %get3A_578 = tpu.memref_squeeze %get3A_577 : memref<1x104x32xf32, #tpu.memory_space<vmem>> -> memref<104x32xf32, #tpu.memory_space<vmem>>
        %get3A_579 = arith.index_cast %scan3A_574 : i32 to index
        %get3A_580 = arith.constant 0 : index
        %get3A_581 = tpu.vector_load %get3A_578[%get3A_579, %get3A_580] {strides = array<i32>} : memref<104x32xf32, #tpu.memory_space<vmem>>, vector<1x16xf32>,
        %get3A_582 = vector.shape_cast %get3A_581 : vector<1x16xf32> to vector<16xf32>
        %max3A_583 = arith.maximumf %max3A_563, %get3A_582 : vector<16xf32>
        %get3A_584 = arith.constant 0 : i32
        %get3A_585 = arith.constant 0 : i32
        %get3A_586 = tpu.memref_slice %arg6[%scan3A_394, %get3A_584, %get3A_585] : memref<8x104x32xf32, #tpu.memory_space<vmem>> -> memref<1x104x32xf32, #tpu.memory_space<vmem>>
        %get3A_587 = tpu.memref_squeeze %get3A_586 : memref<1x104x32xf32, #tpu.memory_space<vmem>> -> memref<104x32xf32, #tpu.memory_space<vmem>>
        %get3A_588 = arith.index_cast %scan3A_574 : i32 to index
        %get3A_589 = arith.constant 16 : index
        %get3A_590 = tpu.vector_load %get3A_587[%get3A_588, %get3A_589] {strides = array<i32>} : memref<104x32xf32, #tpu.memory_space<vmem>>, vector<1x16xf32>,
        %get3A_591 = vector.shape_cast %get3A_590 : vector<1x16xf32> to vector<16xf32>
        %max3A_592 = arith.maximumf %max3A_572, %get3A_591 : vector<16xf32>
        %scan3A_593 = arith.constant 3 : i32
        %scan3A_594 = arith.addi %scan3A_534, %scan3A_593 : i32
        %get3A_595 = arith.constant 0 : i32
        %get3A_596 = arith.constant 0 : i32
        %get3A_597 = tpu.memref_slice %arg6[%scan3A_394, %get3A_595, %get3A_596] : memref<8x104x32xf32, #tpu.memory_space<vmem>> -> memref<1x104x32xf32, #tpu.memory_space<vmem>>
        %get3A_598 = tpu.memref_squeeze %get3A_597 : memref<1x104x32xf32, #tpu.memory_space<vmem>> -> memref<104x32xf32, #tpu.memory_space<vmem>>
        %get3A_599 = arith.index_cast %scan3A_594 : i32 to index
        %get3A_600 = arith.constant 0 : index
        %get3A_601 = tpu.vector_load %get3A_598[%get3A_599, %get3A_600] {strides = array<i32>} : memref<104x32xf32, #tpu.memory_space<vmem>>, vector<1x16xf32>,
        %get3A_602 = vector.shape_cast %get3A_601 : vector<1x16xf32> to vector<16xf32>
        %max3A_603 = arith.maximumf %max3A_583, %get3A_602 : vector<16xf32>
        %get3A_604 = arith.constant 0 : i32
        %get3A_605 = arith.constant 0 : i32
        %get3A_606 = tpu.memref_slice %arg6[%scan3A_394, %get3A_604, %get3A_605] : memref<8x104x32xf32, #tpu.memory_space<vmem>> -> memref<1x104x32xf32, #tpu.memory_space<vmem>>
        %get3A_607 = tpu.memref_squeeze %get3A_606 : memref<1x104x32xf32, #tpu.memory_space<vmem>> -> memref<104x32xf32, #tpu.memory_space<vmem>>
        %get3A_608 = arith.index_cast %scan3A_594 : i32 to index
        %get3A_609 = arith.constant 16 : index
        %get3A_610 = tpu.vector_load %get3A_607[%get3A_608, %get3A_609] {strides = array<i32>} : memref<104x32xf32, #tpu.memory_space<vmem>>, vector<1x16xf32>,
        %get3A_611 = vector.shape_cast %get3A_610 : vector<1x16xf32> to vector<16xf32>
        %max3A_612 = arith.maximumf %max3A_592, %get3A_611 : vector<16xf32>
        %scan3A_613 = arith.constant 4 : i32
        %scan3A_614 = arith.addi %scan3A_534, %scan3A_613 : i32
        %get3A_615 = arith.constant 0 : i32
        %get3A_616 = arith.constant 0 : i32
        %get3A_617 = tpu.memref_slice %arg6[%scan3A_394, %get3A_615, %get3A_616] : memref<8x104x32xf32, #tpu.memory_space<vmem>> -> memref<1x104x32xf32, #tpu.memory_space<vmem>>
        %get3A_618 = tpu.memref_squeeze %get3A_617 : memref<1x104x32xf32, #tpu.memory_space<vmem>> -> memref<104x32xf32, #tpu.memory_space<vmem>>
        %get3A_619 = arith.index_cast %scan3A_614 : i32 to index
        %get3A_620 = arith.constant 0 : index
        %get3A_621 = tpu.vector_load %get3A_618[%get3A_619, %get3A_620] {strides = array<i32>} : memref<104x32xf32, #tpu.memory_space<vmem>>, vector<1x16xf32>,
        %get3A_622 = vector.shape_cast %get3A_621 : vector<1x16xf32> to vector<16xf32>
        %max3A_623 = arith.maximumf %max3A_603, %get3A_622 : vector<16xf32>
        %get3A_624 = arith.constant 0 : i32
        %get3A_625 = arith.constant 0 : i32
        %get3A_626 = tpu.memref_slice %arg6[%scan3A_394, %get3A_624, %get3A_625] : memref<8x104x32xf32, #tpu.memory_space<vmem>> -> memref<1x104x32xf32, #tpu.memory_space<vmem>>
        %get3A_627 = tpu.memref_squeeze %get3A_626 : memref<1x104x32xf32, #tpu.memory_space<vmem>> -> memref<104x32xf32, #tpu.memory_space<vmem>>
        %get3A_628 = arith.index_cast %scan3A_614 : i32 to index
        %get3A_629 = arith.constant 16 : index
        %get3A_630 = tpu.vector_load %get3A_627[%get3A_628, %get3A_629] {strides = array<i32>} : memref<104x32xf32, #tpu.memory_space<vmem>>, vector<1x16xf32>,
        %get3A_631 = vector.shape_cast %get3A_630 : vector<1x16xf32> to vector<16xf32>
        %max3A_632 = arith.maximumf %max3A_612, %get3A_631 : vector<16xf32>
        %scan3A_633 = arith.constant 5 : i32
        %scan3A_634 = arith.addi %scan3A_534, %scan3A_633 : i32
        %get3A_635 = arith.constant 0 : i32
        %get3A_636 = arith.constant 0 : i32
        %get3A_637 = tpu.memref_slice %arg6[%scan3A_394, %get3A_635, %get3A_636] : memref<8x104x32xf32, #tpu.memory_space<vmem>> -> memref<1x104x32xf32, #tpu.memory_space<vmem>>
        %get3A_638 = tpu.memref_squeeze %get3A_637 : memref<1x104x32xf32, #tpu.memory_space<vmem>> -> memref<104x32xf32, #tpu.memory_space<vmem>>
        %get3A_639 = arith.index_cast %scan3A_634 : i32 to index
        %get3A_640 = arith.constant 0 : index
        %get3A_641 = tpu.vector_load %get3A_638[%get3A_639, %get3A_640] {strides = array<i32>} : memref<104x32xf32, #tpu.memory_space<vmem>>, vector<1x16xf32>,
        %get3A_642 = vector.shape_cast %get3A_641 : vector<1x16xf32> to vector<16xf32>
        %max3A_643 = arith.maximumf %max3A_623, %get3A_642 : vector<16xf32>
        %get3A_644 = arith.constant 0 : i32
        %get3A_645 = arith.constant 0 : i32
        %get3A_646 = tpu.memref_slice %arg6[%scan3A_394, %get3A_644, %get3A_645] : memref<8x104x32xf32, #tpu.memory_space<vmem>> -> memref<1x104x32xf32, #tpu.memory_space<vmem>>
        %get3A_647 = tpu.memref_squeeze %get3A_646 : memref<1x104x32xf32, #tpu.memory_space<vmem>> -> memref<104x32xf32, #tpu.memory_space<vmem>>
        %get3A_648 = arith.index_cast %scan3A_634 : i32 to index
        %get3A_649 = arith.constant 16 : index
        %get3A_650 = tpu.vector_load %get3A_647[%get3A_648, %get3A_649] {strides = array<i32>} : memref<104x32xf32, #tpu.memory_space<vmem>>, vector<1x16xf32>,
        %get3A_651 = vector.shape_cast %get3A_650 : vector<1x16xf32> to vector<16xf32>
        %max3A_652 = arith.maximumf %max3A_632, %get3A_651 : vector<16xf32>
        %scan3A_653 = arith.constant 6 : i32
        %scan3A_654 = arith.addi %scan3A_534, %scan3A_653 : i32
        %get3A_655 = arith.constant 0 : i32
        %get3A_656 = arith.constant 0 : i32
        %get3A_657 = tpu.memref_slice %arg6[%scan3A_394, %get3A_655, %get3A_656] : memref<8x104x32xf32, #tpu.memory_space<vmem>> -> memref<1x104x32xf32, #tpu.memory_space<vmem>>
        %get3A_658 = tpu.memref_squeeze %get3A_657 : memref<1x104x32xf32, #tpu.memory_space<vmem>> -> memref<104x32xf32, #tpu.memory_space<vmem>>
        %get3A_659 = arith.index_cast %scan3A_654 : i32 to index
        %get3A_660 = arith.constant 0 : index
        %get3A_661 = tpu.vector_load %get3A_658[%get3A_659, %get3A_660] {strides = array<i32>} : memref<104x32xf32, #tpu.memory_space<vmem>>, vector<1x16xf32>,
        %get3A_662 = vector.shape_cast %get3A_661 : vector<1x16xf32> to vector<16xf32>
        %max3A_663 = arith.maximumf %max3A_643, %get3A_662 : vector<16xf32>
        %get3A_664 = arith.constant 0 : i32
        %get3A_665 = arith.constant 0 : i32
        %get3A_666 = tpu.memref_slice %arg6[%scan3A_394, %get3A_664, %get3A_665] : memref<8x104x32xf32, #tpu.memory_space<vmem>> -> memref<1x104x32xf32, #tpu.memory_space<vmem>>
        %get3A_667 = tpu.memref_squeeze %get3A_666 : memref<1x104x32xf32, #tpu.memory_space<vmem>> -> memref<104x32xf32, #tpu.memory_space<vmem>>
        %get3A_668 = arith.index_cast %scan3A_654 : i32 to index
        %get3A_669 = arith.constant 16 : index
        %get3A_670 = tpu.vector_load %get3A_667[%get3A_668, %get3A_669] {strides = array<i32>} : memref<104x32xf32, #tpu.memory_space<vmem>>, vector<1x16xf32>,
        %get3A_671 = vector.shape_cast %get3A_670 : vector<1x16xf32> to vector<16xf32>
        %max3A_672 = arith.maximumf %max3A_652, %get3A_671 : vector<16xf32>
        %scan3A_673 = arith.constant 7 : i32
        %scan3A_674 = arith.addi %scan3A_534, %scan3A_673 : i32
        %get3A_675 = arith.constant 0 : i32
        %get3A_676 = arith.constant 0 : i32
        %get3A_677 = tpu.memref_slice %arg6[%scan3A_394, %get3A_675, %get3A_676] : memref<8x104x32xf32, #tpu.memory_space<vmem>> -> memref<1x104x32xf32, #tpu.memory_space<vmem>>
        %get3A_678 = tpu.memref_squeeze %get3A_677 : memref<1x104x32xf32, #tpu.memory_space<vmem>> -> memref<104x32xf32, #tpu.memory_space<vmem>>
        %get3A_679 = arith.index_cast %scan3A_674 : i32 to index
        %get3A_680 = arith.constant 0 : index
        %get3A_681 = tpu.vector_load %get3A_678[%get3A_679, %get3A_680] {strides = array<i32>} : memref<104x32xf32, #tpu.memory_space<vmem>>, vector<1x16xf32>,
        %get3A_682 = vector.shape_cast %get3A_681 : vector<1x16xf32> to vector<16xf32>
        %max3A_683 = arith.maximumf %max3A_663, %get3A_682 : vector<16xf32>
        %get3A_684 = arith.constant 0 : i32
        %get3A_685 = arith.constant 0 : i32
        %get3A_686 = tpu.memref_slice %arg6[%scan3A_394, %get3A_684, %get3A_685] : memref<8x104x32xf32, #tpu.memory_space<vmem>> -> memref<1x104x32xf32, #tpu.memory_space<vmem>>
        %get3A_687 = tpu.memref_squeeze %get3A_686 : memref<1x104x32xf32, #tpu.memory_space<vmem>> -> memref<104x32xf32, #tpu.memory_space<vmem>>
        %get3A_688 = arith.index_cast %scan3A_674 : i32 to index
        %get3A_689 = arith.constant 16 : index
        %get3A_690 = tpu.vector_load %get3A_687[%get3A_688, %get3A_689] {strides = array<i32>} : memref<104x32xf32, #tpu.memory_space<vmem>>, vector<1x16xf32>,
        %get3A_691 = vector.shape_cast %get3A_690 : vector<1x16xf32> to vector<16xf32>
        %max3A_692 = arith.maximumf %max3A_672, %get3A_691 : vector<16xf32>
        scf.yield %max3A_683, %max3A_692 : vector<16xf32>, vector<16xf32>
      }
      %scan3A_400 = arith.constant 104 : i32
      %dma_start3A_401 = arith.constant 0 : i32
      %dma_start3A_402 = arith.constant 4 : i32
      %dma_start3A_403 = arith.constant 0 : i32
      %dma_start3A_404 = arith.constant 0 : i32
      %dma_start3A_405 = tpu.memref_slice %arg6[%dma_start3A_402, %dma_start3A_403, %dma_start3A_404] : memref<8x104x32xf32, #tpu.memory_space<vmem>> -> memref<1x104x32xf32, #tpu.memory_space<vmem>>
      %dma_start3A_406 = tpu.memref_squeeze %dma_start3A_405 : memref<1x104x32xf32, #tpu.memory_space<vmem>> -> memref<104x32xf32, #tpu.memory_space<vmem>>
      %dma_start3A_407 = arith.constant 0 : i32
      %dma_start3A_408 = tpu.memref_slice %arg5[%rem3A_381, %dma_start3A_401, %dma_start3A_407] : memref<128x2x104xi32, #tpu.memory_space<vmem>> -> memref<1x1x104xi32, #tpu.memory_space<vmem>>
      %dma_start3A_409 = tpu.memref_squeeze %dma_start3A_408 : memref<1x1x104xi32, #tpu.memory_space<vmem>> -> memref<104xi32, #tpu.memory_space<vmem>>
      %dma_start3A_410 = arith.constant 0 : i32
      %dma_start3A_411 = arith.constant 0 : i32
      %dma_start3A_412 = tpu.memref_slice %arg3[%dma_start3A_410, %dma_start3A_411] : memref<1015808x32xf32, #tpu.memory_space<hbm>> -> memref<1015808x32xf32, #tpu.memory_space<hbm>>
      tpu.enqueue_indirect_dma source(%dma_start3A_412 : memref<1015808x32xf32, #tpu.memory_space<hbm>>) target(%dma_start3A_406 : memref<104x32xf32, #tpu.memory_space<vmem>>) offsets(%dma_start3A_409 : memref<104xi32, #tpu.memory_space<vmem>>) semaphore(%arg12 : memref<!tpu.dma_semaphore, #tpu.memory_space<semaphore_mem>>)
      %dma_wait3A_413 = arith.constant 1 : i32
      %dma_wait3A_414 = arith.constant 5 : i32
      %dma_wait3A_415 = arith.constant 0 : i32
      %dma_wait3A_416 = arith.constant 0 : i32
      %dma_wait3A_417 = tpu.memref_slice %arg6[%dma_wait3A_414, %dma_wait3A_415, %dma_wait3A_416] : memref<8x104x32xf32, #tpu.memory_space<vmem>> -> memref<1x104x32xf32, #tpu.memory_space<vmem>>
      %dma_wait3A_418 = tpu.memref_squeeze %dma_wait3A_417 : memref<1x104x32xf32, #tpu.memory_space<vmem>> -> memref<104x32xf32, #tpu.memory_space<vmem>>
      %dma_wait3A_419 = arith.constant 0 : i32
      %dma_wait3A_420 = tpu.memref_slice %arg5[%add3A_377, %dma_wait3A_413, %dma_wait3A_419] : memref<128x2x104xi32, #tpu.memory_space<vmem>> -> memref<1x1x104xi32, #tpu.memory_space<vmem>>
      %dma_wait3A_421 = tpu.memref_squeeze %dma_wait3A_420 : memref<1x1x104xi32, #tpu.memory_space<vmem>> -> memref<104xi32, #tpu.memory_space<vmem>>
      %dma_wait3A_422 = arith.constant 0 : i32
      %dma_wait3A_423 = arith.constant 0 : i32
      %dma_wait3A_424 = tpu.memref_slice %arg3[%dma_wait3A_422, %dma_wait3A_423] : memref<1015808x32xf32, #tpu.memory_space<hbm>> -> memref<1015808x32xf32, #tpu.memory_space<hbm>>
      tpu.wait_indirect_dma semaphore(%arg13 : memref<!tpu.dma_semaphore, #tpu.memory_space<semaphore_mem>>) src(%dma_wait3A_424 : memref<1015808x32xf32, #tpu.memory_space<hbm>>) dst(%dma_wait3A_418 : memref<104x32xf32, #tpu.memory_space<vmem>>)
      %scan3A_425 = arith.constant 5 : i32
      %scan3A_426 = arith.constant 0 : i32
      %scan3A_427 = arith.constant 104 : i32
      %scan3A_428 = arith.addi %scan3A_426, %scan3A_427 : i32
      %scan3A_429 = arith.constant 8 : i32
      %scan3A_430:2 = scf.for %scan3A_534 = %scan3A_426 to %scan3A_428 step %scan3A_429 iter_args(%scan3A_535 = %scan3A_399#0, %scan3A_536 = %scan3A_399#1) -> (vector<16xf32>, vector<16xf32>)  : i32 {
        %get3A = arith.constant 0 : i32
        %get3A_537 = arith.constant 0 : i32
        %get3A_538 = tpu.memref_slice %arg6[%scan3A_425, %get3A, %get3A_537] : memref<8x104x32xf32, #tpu.memory_space<vmem>> -> memref<1x104x32xf32, #tpu.memory_space<vmem>>
        %get3A_539 = tpu.memref_squeeze %get3A_538 : memref<1x104x32xf32, #tpu.memory_space<vmem>> -> memref<104x32xf32, #tpu.memory_space<vmem>>
        %get3A_540 = arith.index_cast %scan3A_534 : i32 to index
        %get3A_541 = arith.constant 0 : index
        %get3A_542 = tpu.vector_load %get3A_539[%get3A_540, %get3A_541] {strides = array<i32>} : memref<104x32xf32, #tpu.memory_space<vmem>>, vector<1x16xf32>,
        %get3A_543 = vector.shape_cast %get3A_542 : vector<1x16xf32> to vector<16xf32>
        %max3A = arith.maximumf %scan3A_535, %get3A_543 : vector<16xf32>
        %get3A_544 = arith.constant 0 : i32
        %get3A_545 = arith.constant 0 : i32
        %get3A_546 = tpu.memref_slice %arg6[%scan3A_425, %get3A_544, %get3A_545] : memref<8x104x32xf32, #tpu.memory_space<vmem>> -> memref<1x104x32xf32, #tpu.memory_space<vmem>>
        %get3A_547 = tpu.memref_squeeze %get3A_546 : memref<1x104x32xf32, #tpu.memory_space<vmem>> -> memref<104x32xf32, #tpu.memory_space<vmem>>
        %get3A_548 = arith.index_cast %scan3A_534 : i32 to index
        %get3A_549 = arith.constant 16 : index
        %get3A_550 = tpu.vector_load %get3A_547[%get3A_548, %get3A_549] {strides = array<i32>} : memref<104x32xf32, #tpu.memory_space<vmem>>, vector<1x16xf32>,
        %get3A_551 = vector.shape_cast %get3A_550 : vector<1x16xf32> to vector<16xf32>
        %max3A_552 = arith.maximumf %scan3A_536, %get3A_551 : vector<16xf32>
        %scan3A_553 = arith.constant 1 : i32
        %scan3A_554 = arith.addi %scan3A_534, %scan3A_553 : i32
        %get3A_555 = arith.constant 0 : i32
        %get3A_556 = arith.constant 0 : i32
        %get3A_557 = tpu.memref_slice %arg6[%scan3A_425, %get3A_555, %get3A_556] : memref<8x104x32xf32, #tpu.memory_space<vmem>> -> memref<1x104x32xf32, #tpu.memory_space<vmem>>
        %get3A_558 = tpu.memref_squeeze %get3A_557 : memref<1x104x32xf32, #tpu.memory_space<vmem>> -> memref<104x32xf32, #tpu.memory_space<vmem>>
        %get3A_559 = arith.index_cast %scan3A_554 : i32 to index
        %get3A_560 = arith.constant 0 : index
        %get3A_561 = tpu.vector_load %get3A_558[%get3A_559, %get3A_560] {strides = array<i32>} : memref<104x32xf32, #tpu.memory_space<vmem>>, vector<1x16xf32>,
        %get3A_562 = vector.shape_cast %get3A_561 : vector<1x16xf32> to vector<16xf32>
        %max3A_563 = arith.maximumf %max3A, %get3A_562 : vector<16xf32>
        %get3A_564 = arith.constant 0 : i32
        %get3A_565 = arith.constant 0 : i32
        %get3A_566 = tpu.memref_slice %arg6[%scan3A_425, %get3A_564, %get3A_565] : memref<8x104x32xf32, #tpu.memory_space<vmem>> -> memref<1x104x32xf32, #tpu.memory_space<vmem>>
        %get3A_567 = tpu.memref_squeeze %get3A_566 : memref<1x104x32xf32, #tpu.memory_space<vmem>> -> memref<104x32xf32, #tpu.memory_space<vmem>>
        %get3A_568 = arith.index_cast %scan3A_554 : i32 to index
        %get3A_569 = arith.constant 16 : index
        %get3A_570 = tpu.vector_load %get3A_567[%get3A_568, %get3A_569] {strides = array<i32>} : memref<104x32xf32, #tpu.memory_space<vmem>>, vector<1x16xf32>,
        %get3A_571 = vector.shape_cast %get3A_570 : vector<1x16xf32> to vector<16xf32>
        %max3A_572 = arith.maximumf %max3A_552, %get3A_571 : vector<16xf32>
        %scan3A_573 = arith.constant 2 : i32
        %scan3A_574 = arith.addi %scan3A_534, %scan3A_573 : i32
        %get3A_575 = arith.constant 0 : i32
        %get3A_576 = arith.constant 0 : i32
        %get3A_577 = tpu.memref_slice %arg6[%scan3A_425, %get3A_575, %get3A_576] : memref<8x104x32xf32, #tpu.memory_space<vmem>> -> memref<1x104x32xf32, #tpu.memory_space<vmem>>
        %get3A_578 = tpu.memref_squeeze %get3A_577 : memref<1x104x32xf32, #tpu.memory_space<vmem>> -> memref<104x32xf32, #tpu.memory_space<vmem>>
        %get3A_579 = arith.index_cast %scan3A_574 : i32 to index
        %get3A_580 = arith.constant 0 : index
        %get3A_581 = tpu.vector_load %get3A_578[%get3A_579, %get3A_580] {strides = array<i32>} : memref<104x32xf32, #tpu.memory_space<vmem>>, vector<1x16xf32>,
        %get3A_582 = vector.shape_cast %get3A_581 : vector<1x16xf32> to vector<16xf32>
        %max3A_583 = arith.maximumf %max3A_563, %get3A_582 : vector<16xf32>
        %get3A_584 = arith.constant 0 : i32
        %get3A_585 = arith.constant 0 : i32
        %get3A_586 = tpu.memref_slice %arg6[%scan3A_425, %get3A_584, %get3A_585] : memref<8x104x32xf32, #tpu.memory_space<vmem>> -> memref<1x104x32xf32, #tpu.memory_space<vmem>>
        %get3A_587 = tpu.memref_squeeze %get3A_586 : memref<1x104x32xf32, #tpu.memory_space<vmem>> -> memref<104x32xf32, #tpu.memory_space<vmem>>
        %get3A_588 = arith.index_cast %scan3A_574 : i32 to index
        %get3A_589 = arith.constant 16 : index
        %get3A_590 = tpu.vector_load %get3A_587[%get3A_588, %get3A_589] {strides = array<i32>} : memref<104x32xf32, #tpu.memory_space<vmem>>, vector<1x16xf32>,
        %get3A_591 = vector.shape_cast %get3A_590 : vector<1x16xf32> to vector<16xf32>
        %max3A_592 = arith.maximumf %max3A_572, %get3A_591 : vector<16xf32>
        %scan3A_593 = arith.constant 3 : i32
        %scan3A_594 = arith.addi %scan3A_534, %scan3A_593 : i32
        %get3A_595 = arith.constant 0 : i32
        %get3A_596 = arith.constant 0 : i32
        %get3A_597 = tpu.memref_slice %arg6[%scan3A_425, %get3A_595, %get3A_596] : memref<8x104x32xf32, #tpu.memory_space<vmem>> -> memref<1x104x32xf32, #tpu.memory_space<vmem>>
        %get3A_598 = tpu.memref_squeeze %get3A_597 : memref<1x104x32xf32, #tpu.memory_space<vmem>> -> memref<104x32xf32, #tpu.memory_space<vmem>>
        %get3A_599 = arith.index_cast %scan3A_594 : i32 to index
        %get3A_600 = arith.constant 0 : index
        %get3A_601 = tpu.vector_load %get3A_598[%get3A_599, %get3A_600] {strides = array<i32>} : memref<104x32xf32, #tpu.memory_space<vmem>>, vector<1x16xf32>,
        %get3A_602 = vector.shape_cast %get3A_601 : vector<1x16xf32> to vector<16xf32>
        %max3A_603 = arith.maximumf %max3A_583, %get3A_602 : vector<16xf32>
        %get3A_604 = arith.constant 0 : i32
        %get3A_605 = arith.constant 0 : i32
        %get3A_606 = tpu.memref_slice %arg6[%scan3A_425, %get3A_604, %get3A_605] : memref<8x104x32xf32, #tpu.memory_space<vmem>> -> memref<1x104x32xf32, #tpu.memory_space<vmem>>
        %get3A_607 = tpu.memref_squeeze %get3A_606 : memref<1x104x32xf32, #tpu.memory_space<vmem>> -> memref<104x32xf32, #tpu.memory_space<vmem>>
        %get3A_608 = arith.index_cast %scan3A_594 : i32 to index
        %get3A_609 = arith.constant 16 : index
        %get3A_610 = tpu.vector_load %get3A_607[%get3A_608, %get3A_609] {strides = array<i32>} : memref<104x32xf32, #tpu.memory_space<vmem>>, vector<1x16xf32>,
        %get3A_611 = vector.shape_cast %get3A_610 : vector<1x16xf32> to vector<16xf32>
        %max3A_612 = arith.maximumf %max3A_592, %get3A_611 : vector<16xf32>
        %scan3A_613 = arith.constant 4 : i32
        %scan3A_614 = arith.addi %scan3A_534, %scan3A_613 : i32
        %get3A_615 = arith.constant 0 : i32
        %get3A_616 = arith.constant 0 : i32
        %get3A_617 = tpu.memref_slice %arg6[%scan3A_425, %get3A_615, %get3A_616] : memref<8x104x32xf32, #tpu.memory_space<vmem>> -> memref<1x104x32xf32, #tpu.memory_space<vmem>>
        %get3A_618 = tpu.memref_squeeze %get3A_617 : memref<1x104x32xf32, #tpu.memory_space<vmem>> -> memref<104x32xf32, #tpu.memory_space<vmem>>
        %get3A_619 = arith.index_cast %scan3A_614 : i32 to index
        %get3A_620 = arith.constant 0 : index
        %get3A_621 = tpu.vector_load %get3A_618[%get3A_619, %get3A_620] {strides = array<i32>} : memref<104x32xf32, #tpu.memory_space<vmem>>, vector<1x16xf32>,
        %get3A_622 = vector.shape_cast %get3A_621 : vector<1x16xf32> to vector<16xf32>
        %max3A_623 = arith.maximumf %max3A_603, %get3A_622 : vector<16xf32>
        %get3A_624 = arith.constant 0 : i32
        %get3A_625 = arith.constant 0 : i32
        %get3A_626 = tpu.memref_slice %arg6[%scan3A_425, %get3A_624, %get3A_625] : memref<8x104x32xf32, #tpu.memory_space<vmem>> -> memref<1x104x32xf32, #tpu.memory_space<vmem>>
        %get3A_627 = tpu.memref_squeeze %get3A_626 : memref<1x104x32xf32, #tpu.memory_space<vmem>> -> memref<104x32xf32, #tpu.memory_space<vmem>>
        %get3A_628 = arith.index_cast %scan3A_614 : i32 to index
        %get3A_629 = arith.constant 16 : index
        %get3A_630 = tpu.vector_load %get3A_627[%get3A_628, %get3A_629] {strides = array<i32>} : memref<104x32xf32, #tpu.memory_space<vmem>>, vector<1x16xf32>,
        %get3A_631 = vector.shape_cast %get3A_630 : vector<1x16xf32> to vector<16xf32>
        %max3A_632 = arith.maximumf %max3A_612, %get3A_631 : vector<16xf32>
        %scan3A_633 = arith.constant 5 : i32
        %scan3A_634 = arith.addi %scan3A_534, %scan3A_633 : i32
        %get3A_635 = arith.constant 0 : i32
        %get3A_636 = arith.constant 0 : i32
        %get3A_637 = tpu.memref_slice %arg6[%scan3A_425, %get3A_635, %get3A_636] : memref<8x104x32xf32, #tpu.memory_space<vmem>> -> memref<1x104x32xf32, #tpu.memory_space<vmem>>
        %get3A_638 = tpu.memref_squeeze %get3A_637 : memref<1x104x32xf32, #tpu.memory_space<vmem>> -> memref<104x32xf32, #tpu.memory_space<vmem>>
        %get3A_639 = arith.index_cast %scan3A_634 : i32 to index
        %get3A_640 = arith.constant 0 : index
        %get3A_641 = tpu.vector_load %get3A_638[%get3A_639, %get3A_640] {strides = array<i32>} : memref<104x32xf32, #tpu.memory_space<vmem>>, vector<1x16xf32>,
        %get3A_642 = vector.shape_cast %get3A_641 : vector<1x16xf32> to vector<16xf32>
        %max3A_643 = arith.maximumf %max3A_623, %get3A_642 : vector<16xf32>
        %get3A_644 = arith.constant 0 : i32
        %get3A_645 = arith.constant 0 : i32
        %get3A_646 = tpu.memref_slice %arg6[%scan3A_425, %get3A_644, %get3A_645] : memref<8x104x32xf32, #tpu.memory_space<vmem>> -> memref<1x104x32xf32, #tpu.memory_space<vmem>>
        %get3A_647 = tpu.memref_squeeze %get3A_646 : memref<1x104x32xf32, #tpu.memory_space<vmem>> -> memref<104x32xf32, #tpu.memory_space<vmem>>
        %get3A_648 = arith.index_cast %scan3A_634 : i32 to index
        %get3A_649 = arith.constant 16 : index
        %get3A_650 = tpu.vector_load %get3A_647[%get3A_648, %get3A_649] {strides = array<i32>} : memref<104x32xf32, #tpu.memory_space<vmem>>, vector<1x16xf32>,
        %get3A_651 = vector.shape_cast %get3A_650 : vector<1x16xf32> to vector<16xf32>
        %max3A_652 = arith.maximumf %max3A_632, %get3A_651 : vector<16xf32>
        %scan3A_653 = arith.constant 6 : i32
        %scan3A_654 = arith.addi %scan3A_534, %scan3A_653 : i32
        %get3A_655 = arith.constant 0 : i32
        %get3A_656 = arith.constant 0 : i32
        %get3A_657 = tpu.memref_slice %arg6[%scan3A_425, %get3A_655, %get3A_656] : memref<8x104x32xf32, #tpu.memory_space<vmem>> -> memref<1x104x32xf32, #tpu.memory_space<vmem>>
        %get3A_658 = tpu.memref_squeeze %get3A_657 : memref<1x104x32xf32, #tpu.memory_space<vmem>> -> memref<104x32xf32, #tpu.memory_space<vmem>>
        %get3A_659 = arith.index_cast %scan3A_654 : i32 to index
        %get3A_660 = arith.constant 0 : index
        %get3A_661 = tpu.vector_load %get3A_658[%get3A_659, %get3A_660] {strides = array<i32>} : memref<104x32xf32, #tpu.memory_space<vmem>>, vector<1x16xf32>,
        %get3A_662 = vector.shape_cast %get3A_661 : vector<1x16xf32> to vector<16xf32>
        %max3A_663 = arith.maximumf %max3A_643, %get3A_662 : vector<16xf32>
        %get3A_664 = arith.constant 0 : i32
        %get3A_665 = arith.constant 0 : i32
        %get3A_666 = tpu.memref_slice %arg6[%scan3A_425, %get3A_664, %get3A_665] : memref<8x104x32xf32, #tpu.memory_space<vmem>> -> memref<1x104x32xf32, #tpu.memory_space<vmem>>
        %get3A_667 = tpu.memref_squeeze %get3A_666 : memref<1x104x32xf32, #tpu.memory_space<vmem>> -> memref<104x32xf32, #tpu.memory_space<vmem>>
        %get3A_668 = arith.index_cast %scan3A_654 : i32 to index
        %get3A_669 = arith.constant 16 : index
        %get3A_670 = tpu.vector_load %get3A_667[%get3A_668, %get3A_669] {strides = array<i32>} : memref<104x32xf32, #tpu.memory_space<vmem>>, vector<1x16xf32>,
        %get3A_671 = vector.shape_cast %get3A_670 : vector<1x16xf32> to vector<16xf32>
        %max3A_672 = arith.maximumf %max3A_652, %get3A_671 : vector<16xf32>
        %scan3A_673 = arith.constant 7 : i32
        %scan3A_674 = arith.addi %scan3A_534, %scan3A_673 : i32
        %get3A_675 = arith.constant 0 : i32
        %get3A_676 = arith.constant 0 : i32
        %get3A_677 = tpu.memref_slice %arg6[%scan3A_425, %get3A_675, %get3A_676] : memref<8x104x32xf32, #tpu.memory_space<vmem>> -> memref<1x104x32xf32, #tpu.memory_space<vmem>>
        %get3A_678 = tpu.memref_squeeze %get3A_677 : memref<1x104x32xf32, #tpu.memory_space<vmem>> -> memref<104x32xf32, #tpu.memory_space<vmem>>
        %get3A_679 = arith.index_cast %scan3A_674 : i32 to index
        %get3A_680 = arith.constant 0 : index
        %get3A_681 = tpu.vector_load %get3A_678[%get3A_679, %get3A_680] {strides = array<i32>} : memref<104x32xf32, #tpu.memory_space<vmem>>, vector<1x16xf32>,
        %get3A_682 = vector.shape_cast %get3A_681 : vector<1x16xf32> to vector<16xf32>
        %max3A_683 = arith.maximumf %max3A_663, %get3A_682 : vector<16xf32>
        %get3A_684 = arith.constant 0 : i32
        %get3A_685 = arith.constant 0 : i32
        %get3A_686 = tpu.memref_slice %arg6[%scan3A_425, %get3A_684, %get3A_685] : memref<8x104x32xf32, #tpu.memory_space<vmem>> -> memref<1x104x32xf32, #tpu.memory_space<vmem>>
        %get3A_687 = tpu.memref_squeeze %get3A_686 : memref<1x104x32xf32, #tpu.memory_space<vmem>> -> memref<104x32xf32, #tpu.memory_space<vmem>>
        %get3A_688 = arith.index_cast %scan3A_674 : i32 to index
        %get3A_689 = arith.constant 16 : index
        %get3A_690 = tpu.vector_load %get3A_687[%get3A_688, %get3A_689] {strides = array<i32>} : memref<104x32xf32, #tpu.memory_space<vmem>>, vector<1x16xf32>,
        %get3A_691 = vector.shape_cast %get3A_690 : vector<1x16xf32> to vector<16xf32>
        %max3A_692 = arith.maximumf %max3A_672, %get3A_691 : vector<16xf32>
        scf.yield %max3A_683, %max3A_692 : vector<16xf32>, vector<16xf32>
      }
      %scan3A_431 = arith.constant 104 : i32
      %dma_start3A_432 = arith.constant 1 : i32
      %dma_start3A_433 = arith.constant 5 : i32
      %dma_start3A_434 = arith.constant 0 : i32
      %dma_start3A_435 = arith.constant 0 : i32
      %dma_start3A_436 = tpu.memref_slice %arg6[%dma_start3A_433, %dma_start3A_434, %dma_start3A_435] : memref<8x104x32xf32, #tpu.memory_space<vmem>> -> memref<1x104x32xf32, #tpu.memory_space<vmem>>
      %dma_start3A_437 = tpu.memref_squeeze %dma_start3A_436 : memref<1x104x32xf32, #tpu.memory_space<vmem>> -> memref<104x32xf32, #tpu.memory_space<vmem>>
      %dma_start3A_438 = arith.constant 0 : i32
      %dma_start3A_439 = tpu.memref_slice %arg5[%rem3A_381, %dma_start3A_432, %dma_start3A_438] : memref<128x2x104xi32, #tpu.memory_space<vmem>> -> memref<1x1x104xi32, #tpu.memory_space<vmem>>
      %dma_start3A_440 = tpu.memref_squeeze %dma_start3A_439 : memref<1x1x104xi32, #tpu.memory_space<vmem>> -> memref<104xi32, #tpu.memory_space<vmem>>
      %dma_start3A_441 = arith.constant 0 : i32
      %dma_start3A_442 = arith.constant 0 : i32
      %dma_start3A_443 = tpu.memref_slice %arg3[%dma_start3A_441, %dma_start3A_442] : memref<1015808x32xf32, #tpu.memory_space<hbm>> -> memref<1015808x32xf32, #tpu.memory_space<hbm>>
      tpu.enqueue_indirect_dma source(%dma_start3A_443 : memref<1015808x32xf32, #tpu.memory_space<hbm>>) target(%dma_start3A_437 : memref<104x32xf32, #tpu.memory_space<vmem>>) offsets(%dma_start3A_440 : memref<104xi32, #tpu.memory_space<vmem>>) semaphore(%arg13 : memref<!tpu.dma_semaphore, #tpu.memory_space<semaphore_mem>>)
      %swap3A_444 = arith.index_cast %add3A_377 : i32 to index
      %swap3A_445 = arith.constant 0 : index
      %swap3A_446 = tpu.vector_load %arg7[%swap3A_444, %swap3A_445] {strides = array<i32>} : memref<128x32xf32, #tpu.memory_space<vmem>>, vector<1x16xf32>,
      %swap3A_447 = vector.shape_cast %swap3A_446 : vector<1x16xf32> to vector<16xf32>
      %swap3A_448 = vector.shape_cast %scan3A_430#0 : vector<16xf32> to vector<1x16xf32>
      tpu.vector_store %arg7[%swap3A_444, %swap3A_445], %swap3A_448 {strides = array<i32>} : memref<128x32xf32, #tpu.memory_space<vmem>>, vector<1x16xf32>,
      %swap3A_449 = arith.index_cast %add3A_377 : i32 to index
      %swap3A_450 = arith.constant 16 : index
      %swap3A_451 = tpu.vector_load %arg7[%swap3A_449, %swap3A_450] {strides = array<i32>} : memref<128x32xf32, #tpu.memory_space<vmem>>, vector<1x16xf32>,
      %swap3A_452 = vector.shape_cast %swap3A_451 : vector<1x16xf32> to vector<16xf32>
      %swap3A_453 = vector.shape_cast %scan3A_430#1 : vector<16xf32> to vector<1x16xf32>
      tpu.vector_store %arg7[%swap3A_449, %swap3A_450], %swap3A_453 {strides = array<i32>} : memref<128x32xf32, #tpu.memory_space<vmem>>, vector<1x16xf32>,
      %mul3A_454 = arith.constant 4 : i32
      %mul3A_455 = arith.muli %scan3A_215, %mul3A_454 : i32
      %add3A_456 = arith.constant 3 : i32
      %add3A_457 = arith.addi %mul3A_455, %add3A_456 : i32
      %add3A_458 = arith.constant 4 : i32
      %add3A_459 = arith.addi %add3A_457, %add3A_458 : i32
      %rem3A_460 = arith.constant 128 : i32
      %rem3A_461 = arith.remsi %add3A_459, %rem3A_460 : i32
      %dma_wait3A_462 = arith.constant 0 : i32
      %dma_wait3A_463 = arith.constant 6 : i32
      %dma_wait3A_464 = arith.constant 0 : i32
      %dma_wait3A_465 = arith.constant 0 : i32
      %dma_wait3A_466 = tpu.memref_slice %arg6[%dma_wait3A_463, %dma_wait3A_464, %dma_wait3A_465] : memref<8x104x32xf32, #tpu.memory_space<vmem>> -> memref<1x104x32xf32, #tpu.memory_space<vmem>>
      %dma_wait3A_467 = tpu.memref_squeeze %dma_wait3A_466 : memref<1x104x32xf32, #tpu.memory_space<vmem>> -> memref<104x32xf32, #tpu.memory_space<vmem>>
      %dma_wait3A_468 = arith.constant 0 : i32
      %dma_wait3A_469 = tpu.memref_slice %arg5[%add3A_457, %dma_wait3A_462, %dma_wait3A_468] : memref<128x2x104xi32, #tpu.memory_space<vmem>> -> memref<1x1x104xi32, #tpu.memory_space<vmem>>
      %dma_wait3A_470 = tpu.memref_squeeze %dma_wait3A_469 : memref<1x1x104xi32, #tpu.memory_space<vmem>> -> memref<104xi32, #tpu.memory_space<vmem>>
      %dma_wait3A_471 = arith.constant 0 : i32
      %dma_wait3A_472 = arith.constant 0 : i32
      %dma_wait3A_473 = tpu.memref_slice %arg3[%dma_wait3A_471, %dma_wait3A_472] : memref<1015808x32xf32, #tpu.memory_space<hbm>> -> memref<1015808x32xf32, #tpu.memory_space<hbm>>
      tpu.wait_indirect_dma semaphore(%arg14 : memref<!tpu.dma_semaphore, #tpu.memory_space<semaphore_mem>>) src(%dma_wait3A_473 : memref<1015808x32xf32, #tpu.memory_space<hbm>>) dst(%dma_wait3A_467 : memref<104x32xf32, #tpu.memory_space<vmem>>)
      %scan3A_474 = arith.constant 6 : i32
      %scan3A_475 = arith.constant 0 : i32
      %scan3A_476 = arith.constant 104 : i32
      %scan3A_477 = arith.addi %scan3A_475, %scan3A_476 : i32
      %scan3A_478 = arith.constant 8 : i32
      %scan3A_479:2 = scf.for %scan3A_534 = %scan3A_475 to %scan3A_477 step %scan3A_478 iter_args(%scan3A_535 = %broadcast_in_dim3A_106, %scan3A_536 = %broadcast_in_dim3A_106) -> (vector<16xf32>, vector<16xf32>)  : i32 {
        %get3A = arith.constant 0 : i32
        %get3A_537 = arith.constant 0 : i32
        %get3A_538 = tpu.memref_slice %arg6[%scan3A_474, %get3A, %get3A_537] : memref<8x104x32xf32, #tpu.memory_space<vmem>> -> memref<1x104x32xf32, #tpu.memory_space<vmem>>
        %get3A_539 = tpu.memref_squeeze %get3A_538 : memref<1x104x32xf32, #tpu.memory_space<vmem>> -> memref<104x32xf32, #tpu.memory_space<vmem>>
        %get3A_540 = arith.index_cast %scan3A_534 : i32 to index
        %get3A_541 = arith.constant 0 : index
        %get3A_542 = tpu.vector_load %get3A_539[%get3A_540, %get3A_541] {strides = array<i32>} : memref<104x32xf32, #tpu.memory_space<vmem>>, vector<1x16xf32>,
        %get3A_543 = vector.shape_cast %get3A_542 : vector<1x16xf32> to vector<16xf32>
        %max3A = arith.maximumf %scan3A_535, %get3A_543 : vector<16xf32>
        %get3A_544 = arith.constant 0 : i32
        %get3A_545 = arith.constant 0 : i32
        %get3A_546 = tpu.memref_slice %arg6[%scan3A_474, %get3A_544, %get3A_545] : memref<8x104x32xf32, #tpu.memory_space<vmem>> -> memref<1x104x32xf32, #tpu.memory_space<vmem>>
        %get3A_547 = tpu.memref_squeeze %get3A_546 : memref<1x104x32xf32, #tpu.memory_space<vmem>> -> memref<104x32xf32, #tpu.memory_space<vmem>>
        %get3A_548 = arith.index_cast %scan3A_534 : i32 to index
        %get3A_549 = arith.constant 16 : index
        %get3A_550 = tpu.vector_load %get3A_547[%get3A_548, %get3A_549] {strides = array<i32>} : memref<104x32xf32, #tpu.memory_space<vmem>>, vector<1x16xf32>,
        %get3A_551 = vector.shape_cast %get3A_550 : vector<1x16xf32> to vector<16xf32>
        %max3A_552 = arith.maximumf %scan3A_536, %get3A_551 : vector<16xf32>
        %scan3A_553 = arith.constant 1 : i32
        %scan3A_554 = arith.addi %scan3A_534, %scan3A_553 : i32
        %get3A_555 = arith.constant 0 : i32
        %get3A_556 = arith.constant 0 : i32
        %get3A_557 = tpu.memref_slice %arg6[%scan3A_474, %get3A_555, %get3A_556] : memref<8x104x32xf32, #tpu.memory_space<vmem>> -> memref<1x104x32xf32, #tpu.memory_space<vmem>>
        %get3A_558 = tpu.memref_squeeze %get3A_557 : memref<1x104x32xf32, #tpu.memory_space<vmem>> -> memref<104x32xf32, #tpu.memory_space<vmem>>
        %get3A_559 = arith.index_cast %scan3A_554 : i32 to index
        %get3A_560 = arith.constant 0 : index
        %get3A_561 = tpu.vector_load %get3A_558[%get3A_559, %get3A_560] {strides = array<i32>} : memref<104x32xf32, #tpu.memory_space<vmem>>, vector<1x16xf32>,
        %get3A_562 = vector.shape_cast %get3A_561 : vector<1x16xf32> to vector<16xf32>
        %max3A_563 = arith.maximumf %max3A, %get3A_562 : vector<16xf32>
        %get3A_564 = arith.constant 0 : i32
        %get3A_565 = arith.constant 0 : i32
        %get3A_566 = tpu.memref_slice %arg6[%scan3A_474, %get3A_564, %get3A_565] : memref<8x104x32xf32, #tpu.memory_space<vmem>> -> memref<1x104x32xf32, #tpu.memory_space<vmem>>
        %get3A_567 = tpu.memref_squeeze %get3A_566 : memref<1x104x32xf32, #tpu.memory_space<vmem>> -> memref<104x32xf32, #tpu.memory_space<vmem>>
        %get3A_568 = arith.index_cast %scan3A_554 : i32 to index
        %get3A_569 = arith.constant 16 : index
        %get3A_570 = tpu.vector_load %get3A_567[%get3A_568, %get3A_569] {strides = array<i32>} : memref<104x32xf32, #tpu.memory_space<vmem>>, vector<1x16xf32>,
        %get3A_571 = vector.shape_cast %get3A_570 : vector<1x16xf32> to vector<16xf32>
        %max3A_572 = arith.maximumf %max3A_552, %get3A_571 : vector<16xf32>
        %scan3A_573 = arith.constant 2 : i32
        %scan3A_574 = arith.addi %scan3A_534, %scan3A_573 : i32
        %get3A_575 = arith.constant 0 : i32
        %get3A_576 = arith.constant 0 : i32
        %get3A_577 = tpu.memref_slice %arg6[%scan3A_474, %get3A_575, %get3A_576] : memref<8x104x32xf32, #tpu.memory_space<vmem>> -> memref<1x104x32xf32, #tpu.memory_space<vmem>>
        %get3A_578 = tpu.memref_squeeze %get3A_577 : memref<1x104x32xf32, #tpu.memory_space<vmem>> -> memref<104x32xf32, #tpu.memory_space<vmem>>
        %get3A_579 = arith.index_cast %scan3A_574 : i32 to index
        %get3A_580 = arith.constant 0 : index
        %get3A_581 = tpu.vector_load %get3A_578[%get3A_579, %get3A_580] {strides = array<i32>} : memref<104x32xf32, #tpu.memory_space<vmem>>, vector<1x16xf32>,
        %get3A_582 = vector.shape_cast %get3A_581 : vector<1x16xf32> to vector<16xf32>
        %max3A_583 = arith.maximumf %max3A_563, %get3A_582 : vector<16xf32>
        %get3A_584 = arith.constant 0 : i32
        %get3A_585 = arith.constant 0 : i32
        %get3A_586 = tpu.memref_slice %arg6[%scan3A_474, %get3A_584, %get3A_585] : memref<8x104x32xf32, #tpu.memory_space<vmem>> -> memref<1x104x32xf32, #tpu.memory_space<vmem>>
        %get3A_587 = tpu.memref_squeeze %get3A_586 : memref<1x104x32xf32, #tpu.memory_space<vmem>> -> memref<104x32xf32, #tpu.memory_space<vmem>>
        %get3A_588 = arith.index_cast %scan3A_574 : i32 to index
        %get3A_589 = arith.constant 16 : index
        %get3A_590 = tpu.vector_load %get3A_587[%get3A_588, %get3A_589] {strides = array<i32>} : memref<104x32xf32, #tpu.memory_space<vmem>>, vector<1x16xf32>,
        %get3A_591 = vector.shape_cast %get3A_590 : vector<1x16xf32> to vector<16xf32>
        %max3A_592 = arith.maximumf %max3A_572, %get3A_591 : vector<16xf32>
        %scan3A_593 = arith.constant 3 : i32
        %scan3A_594 = arith.addi %scan3A_534, %scan3A_593 : i32
        %get3A_595 = arith.constant 0 : i32
        %get3A_596 = arith.constant 0 : i32
        %get3A_597 = tpu.memref_slice %arg6[%scan3A_474, %get3A_595, %get3A_596] : memref<8x104x32xf32, #tpu.memory_space<vmem>> -> memref<1x104x32xf32, #tpu.memory_space<vmem>>
        %get3A_598 = tpu.memref_squeeze %get3A_597 : memref<1x104x32xf32, #tpu.memory_space<vmem>> -> memref<104x32xf32, #tpu.memory_space<vmem>>
        %get3A_599 = arith.index_cast %scan3A_594 : i32 to index
        %get3A_600 = arith.constant 0 : index
        %get3A_601 = tpu.vector_load %get3A_598[%get3A_599, %get3A_600] {strides = array<i32>} : memref<104x32xf32, #tpu.memory_space<vmem>>, vector<1x16xf32>,
        %get3A_602 = vector.shape_cast %get3A_601 : vector<1x16xf32> to vector<16xf32>
        %max3A_603 = arith.maximumf %max3A_583, %get3A_602 : vector<16xf32>
        %get3A_604 = arith.constant 0 : i32
        %get3A_605 = arith.constant 0 : i32
        %get3A_606 = tpu.memref_slice %arg6[%scan3A_474, %get3A_604, %get3A_605] : memref<8x104x32xf32, #tpu.memory_space<vmem>> -> memref<1x104x32xf32, #tpu.memory_space<vmem>>
        %get3A_607 = tpu.memref_squeeze %get3A_606 : memref<1x104x32xf32, #tpu.memory_space<vmem>> -> memref<104x32xf32, #tpu.memory_space<vmem>>
        %get3A_608 = arith.index_cast %scan3A_594 : i32 to index
        %get3A_609 = arith.constant 16 : index
        %get3A_610 = tpu.vector_load %get3A_607[%get3A_608, %get3A_609] {strides = array<i32>} : memref<104x32xf32, #tpu.memory_space<vmem>>, vector<1x16xf32>,
        %get3A_611 = vector.shape_cast %get3A_610 : vector<1x16xf32> to vector<16xf32>
        %max3A_612 = arith.maximumf %max3A_592, %get3A_611 : vector<16xf32>
        %scan3A_613 = arith.constant 4 : i32
        %scan3A_614 = arith.addi %scan3A_534, %scan3A_613 : i32
        %get3A_615 = arith.constant 0 : i32
        %get3A_616 = arith.constant 0 : i32
        %get3A_617 = tpu.memref_slice %arg6[%scan3A_474, %get3A_615, %get3A_616] : memref<8x104x32xf32, #tpu.memory_space<vmem>> -> memref<1x104x32xf32, #tpu.memory_space<vmem>>
        %get3A_618 = tpu.memref_squeeze %get3A_617 : memref<1x104x32xf32, #tpu.memory_space<vmem>> -> memref<104x32xf32, #tpu.memory_space<vmem>>
        %get3A_619 = arith.index_cast %scan3A_614 : i32 to index
        %get3A_620 = arith.constant 0 : index
        %get3A_621 = tpu.vector_load %get3A_618[%get3A_619, %get3A_620] {strides = array<i32>} : memref<104x32xf32, #tpu.memory_space<vmem>>, vector<1x16xf32>,
        %get3A_622 = vector.shape_cast %get3A_621 : vector<1x16xf32> to vector<16xf32>
        %max3A_623 = arith.maximumf %max3A_603, %get3A_622 : vector<16xf32>
        %get3A_624 = arith.constant 0 : i32
        %get3A_625 = arith.constant 0 : i32
        %get3A_626 = tpu.memref_slice %arg6[%scan3A_474, %get3A_624, %get3A_625] : memref<8x104x32xf32, #tpu.memory_space<vmem>> -> memref<1x104x32xf32, #tpu.memory_space<vmem>>
        %get3A_627 = tpu.memref_squeeze %get3A_626 : memref<1x104x32xf32, #tpu.memory_space<vmem>> -> memref<104x32xf32, #tpu.memory_space<vmem>>
        %get3A_628 = arith.index_cast %scan3A_614 : i32 to index
        %get3A_629 = arith.constant 16 : index
        %get3A_630 = tpu.vector_load %get3A_627[%get3A_628, %get3A_629] {strides = array<i32>} : memref<104x32xf32, #tpu.memory_space<vmem>>, vector<1x16xf32>,
        %get3A_631 = vector.shape_cast %get3A_630 : vector<1x16xf32> to vector<16xf32>
        %max3A_632 = arith.maximumf %max3A_612, %get3A_631 : vector<16xf32>
        %scan3A_633 = arith.constant 5 : i32
        %scan3A_634 = arith.addi %scan3A_534, %scan3A_633 : i32
        %get3A_635 = arith.constant 0 : i32
        %get3A_636 = arith.constant 0 : i32
        %get3A_637 = tpu.memref_slice %arg6[%scan3A_474, %get3A_635, %get3A_636] : memref<8x104x32xf32, #tpu.memory_space<vmem>> -> memref<1x104x32xf32, #tpu.memory_space<vmem>>
        %get3A_638 = tpu.memref_squeeze %get3A_637 : memref<1x104x32xf32, #tpu.memory_space<vmem>> -> memref<104x32xf32, #tpu.memory_space<vmem>>
        %get3A_639 = arith.index_cast %scan3A_634 : i32 to index
        %get3A_640 = arith.constant 0 : index
        %get3A_641 = tpu.vector_load %get3A_638[%get3A_639, %get3A_640] {strides = array<i32>} : memref<104x32xf32, #tpu.memory_space<vmem>>, vector<1x16xf32>,
        %get3A_642 = vector.shape_cast %get3A_641 : vector<1x16xf32> to vector<16xf32>
        %max3A_643 = arith.maximumf %max3A_623, %get3A_642 : vector<16xf32>
        %get3A_644 = arith.constant 0 : i32
        %get3A_645 = arith.constant 0 : i32
        %get3A_646 = tpu.memref_slice %arg6[%scan3A_474, %get3A_644, %get3A_645] : memref<8x104x32xf32, #tpu.memory_space<vmem>> -> memref<1x104x32xf32, #tpu.memory_space<vmem>>
        %get3A_647 = tpu.memref_squeeze %get3A_646 : memref<1x104x32xf32, #tpu.memory_space<vmem>> -> memref<104x32xf32, #tpu.memory_space<vmem>>
        %get3A_648 = arith.index_cast %scan3A_634 : i32 to index
        %get3A_649 = arith.constant 16 : index
        %get3A_650 = tpu.vector_load %get3A_647[%get3A_648, %get3A_649] {strides = array<i32>} : memref<104x32xf32, #tpu.memory_space<vmem>>, vector<1x16xf32>,
        %get3A_651 = vector.shape_cast %get3A_650 : vector<1x16xf32> to vector<16xf32>
        %max3A_652 = arith.maximumf %max3A_632, %get3A_651 : vector<16xf32>
        %scan3A_653 = arith.constant 6 : i32
        %scan3A_654 = arith.addi %scan3A_534, %scan3A_653 : i32
        %get3A_655 = arith.constant 0 : i32
        %get3A_656 = arith.constant 0 : i32
        %get3A_657 = tpu.memref_slice %arg6[%scan3A_474, %get3A_655, %get3A_656] : memref<8x104x32xf32, #tpu.memory_space<vmem>> -> memref<1x104x32xf32, #tpu.memory_space<vmem>>
        %get3A_658 = tpu.memref_squeeze %get3A_657 : memref<1x104x32xf32, #tpu.memory_space<vmem>> -> memref<104x32xf32, #tpu.memory_space<vmem>>
        %get3A_659 = arith.index_cast %scan3A_654 : i32 to index
        %get3A_660 = arith.constant 0 : index
        %get3A_661 = tpu.vector_load %get3A_658[%get3A_659, %get3A_660] {strides = array<i32>} : memref<104x32xf32, #tpu.memory_space<vmem>>, vector<1x16xf32>,
        %get3A_662 = vector.shape_cast %get3A_661 : vector<1x16xf32> to vector<16xf32>
        %max3A_663 = arith.maximumf %max3A_643, %get3A_662 : vector<16xf32>
        %get3A_664 = arith.constant 0 : i32
        %get3A_665 = arith.constant 0 : i32
        %get3A_666 = tpu.memref_slice %arg6[%scan3A_474, %get3A_664, %get3A_665] : memref<8x104x32xf32, #tpu.memory_space<vmem>> -> memref<1x104x32xf32, #tpu.memory_space<vmem>>
        %get3A_667 = tpu.memref_squeeze %get3A_666 : memref<1x104x32xf32, #tpu.memory_space<vmem>> -> memref<104x32xf32, #tpu.memory_space<vmem>>
        %get3A_668 = arith.index_cast %scan3A_654 : i32 to index
        %get3A_669 = arith.constant 16 : index
        %get3A_670 = tpu.vector_load %get3A_667[%get3A_668, %get3A_669] {strides = array<i32>} : memref<104x32xf32, #tpu.memory_space<vmem>>, vector<1x16xf32>,
        %get3A_671 = vector.shape_cast %get3A_670 : vector<1x16xf32> to vector<16xf32>
        %max3A_672 = arith.maximumf %max3A_652, %get3A_671 : vector<16xf32>
        %scan3A_673 = arith.constant 7 : i32
        %scan3A_674 = arith.addi %scan3A_534, %scan3A_673 : i32
        %get3A_675 = arith.constant 0 : i32
        %get3A_676 = arith.constant 0 : i32
        %get3A_677 = tpu.memref_slice %arg6[%scan3A_474, %get3A_675, %get3A_676] : memref<8x104x32xf32, #tpu.memory_space<vmem>> -> memref<1x104x32xf32, #tpu.memory_space<vmem>>
        %get3A_678 = tpu.memref_squeeze %get3A_677 : memref<1x104x32xf32, #tpu.memory_space<vmem>> -> memref<104x32xf32, #tpu.memory_space<vmem>>
        %get3A_679 = arith.index_cast %scan3A_674 : i32 to index
        %get3A_680 = arith.constant 0 : index
        %get3A_681 = tpu.vector_load %get3A_678[%get3A_679, %get3A_680] {strides = array<i32>} : memref<104x32xf32, #tpu.memory_space<vmem>>, vector<1x16xf32>,
        %get3A_682 = vector.shape_cast %get3A_681 : vector<1x16xf32> to vector<16xf32>
        %max3A_683 = arith.maximumf %max3A_663, %get3A_682 : vector<16xf32>
        %get3A_684 = arith.constant 0 : i32
        %get3A_685 = arith.constant 0 : i32
        %get3A_686 = tpu.memref_slice %arg6[%scan3A_474, %get3A_684, %get3A_685] : memref<8x104x32xf32, #tpu.memory_space<vmem>> -> memref<1x104x32xf32, #tpu.memory_space<vmem>>
        %get3A_687 = tpu.memref_squeeze %get3A_686 : memref<1x104x32xf32, #tpu.memory_space<vmem>> -> memref<104x32xf32, #tpu.memory_space<vmem>>
        %get3A_688 = arith.index_cast %scan3A_674 : i32 to index
        %get3A_689 = arith.constant 16 : index
        %get3A_690 = tpu.vector_load %get3A_687[%get3A_688, %get3A_689] {strides = array<i32>} : memref<104x32xf32, #tpu.memory_space<vmem>>, vector<1x16xf32>,
        %get3A_691 = vector.shape_cast %get3A_690 : vector<1x16xf32> to vector<16xf32>
        %max3A_692 = arith.maximumf %max3A_672, %get3A_691 : vector<16xf32>
        scf.yield %max3A_683, %max3A_692 : vector<16xf32>, vector<16xf32>
      }
      %scan3A_480 = arith.constant 104 : i32
      %dma_start3A_481 = arith.constant 0 : i32
      %dma_start3A_482 = arith.constant 6 : i32
      %dma_start3A_483 = arith.constant 0 : i32
      %dma_start3A_484 = arith.constant 0 : i32
      %dma_start3A_485 = tpu.memref_slice %arg6[%dma_start3A_482, %dma_start3A_483, %dma_start3A_484] : memref<8x104x32xf32, #tpu.memory_space<vmem>> -> memref<1x104x32xf32, #tpu.memory_space<vmem>>
      %dma_start3A_486 = tpu.memref_squeeze %dma_start3A_485 : memref<1x104x32xf32, #tpu.memory_space<vmem>> -> memref<104x32xf32, #tpu.memory_space<vmem>>
      %dma_start3A_487 = arith.constant 0 : i32
      %dma_start3A_488 = tpu.memref_slice %arg5[%rem3A_461, %dma_start3A_481, %dma_start3A_487] : memref<128x2x104xi32, #tpu.memory_space<vmem>> -> memref<1x1x104xi32, #tpu.memory_space<vmem>>
      %dma_start3A_489 = tpu.memref_squeeze %dma_start3A_488 : memref<1x1x104xi32, #tpu.memory_space<vmem>> -> memref<104xi32, #tpu.memory_space<vmem>>
      %dma_start3A_490 = arith.constant 0 : i32
      %dma_start3A_491 = arith.constant 0 : i32
      %dma_start3A_492 = tpu.memref_slice %arg3[%dma_start3A_490, %dma_start3A_491] : memref<1015808x32xf32, #tpu.memory_space<hbm>> -> memref<1015808x32xf32, #tpu.memory_space<hbm>>
      tpu.enqueue_indirect_dma source(%dma_start3A_492 : memref<1015808x32xf32, #tpu.memory_space<hbm>>) target(%dma_start3A_486 : memref<104x32xf32, #tpu.memory_space<vmem>>) offsets(%dma_start3A_489 : memref<104xi32, #tpu.memory_space<vmem>>) semaphore(%arg14 : memref<!tpu.dma_semaphore, #tpu.memory_space<semaphore_mem>>)
      %dma_wait3A_493 = arith.constant 1 : i32
      %dma_wait3A_494 = arith.constant 7 : i32
      %dma_wait3A_495 = arith.constant 0 : i32
      %dma_wait3A_496 = arith.constant 0 : i32
      %dma_wait3A_497 = tpu.memref_slice %arg6[%dma_wait3A_494, %dma_wait3A_495, %dma_wait3A_496] : memref<8x104x32xf32, #tpu.memory_space<vmem>> -> memref<1x104x32xf32, #tpu.memory_space<vmem>>
      %dma_wait3A_498 = tpu.memref_squeeze %dma_wait3A_497 : memref<1x104x32xf32, #tpu.memory_space<vmem>> -> memref<104x32xf32, #tpu.memory_space<vmem>>
      %dma_wait3A_499 = arith.constant 0 : i32
      %dma_wait3A_500 = tpu.memref_slice %arg5[%add3A_457, %dma_wait3A_493, %dma_wait3A_499] : memref<128x2x104xi32, #tpu.memory_space<vmem>> -> memref<1x1x104xi32, #tpu.memory_space<vmem>>
      %dma_wait3A_501 = tpu.memref_squeeze %dma_wait3A_500 : memref<1x1x104xi32, #tpu.memory_space<vmem>> -> memref<104xi32, #tpu.memory_space<vmem>>
      %dma_wait3A_502 = arith.constant 0 : i32
      %dma_wait3A_503 = arith.constant 0 : i32
      %dma_wait3A_504 = tpu.memref_slice %arg3[%dma_wait3A_502, %dma_wait3A_503] : memref<1015808x32xf32, #tpu.memory_space<hbm>> -> memref<1015808x32xf32, #tpu.memory_space<hbm>>
      tpu.wait_indirect_dma semaphore(%arg15 : memref<!tpu.dma_semaphore, #tpu.memory_space<semaphore_mem>>) src(%dma_wait3A_504 : memref<1015808x32xf32, #tpu.memory_space<hbm>>) dst(%dma_wait3A_498 : memref<104x32xf32, #tpu.memory_space<vmem>>)
      %scan3A_505 = arith.constant 7 : i32
      %scan3A_506 = arith.constant 0 : i32
      %scan3A_507 = arith.constant 104 : i32
      %scan3A_508 = arith.addi %scan3A_506, %scan3A_507 : i32
      %scan3A_509 = arith.constant 8 : i32
      %scan3A_510:2 = scf.for %scan3A_534 = %scan3A_506 to %scan3A_508 step %scan3A_509 iter_args(%scan3A_535 = %scan3A_479#0, %scan3A_536 = %scan3A_479#1) -> (vector<16xf32>, vector<16xf32>)  : i32 {
        %get3A = arith.constant 0 : i32
        %get3A_537 = arith.constant 0 : i32
        %get3A_538 = tpu.memref_slice %arg6[%scan3A_505, %get3A, %get3A_537] : memref<8x104x32xf32, #tpu.memory_space<vmem>> -> memref<1x104x32xf32, #tpu.memory_space<vmem>>
        %get3A_539 = tpu.memref_squeeze %get3A_538 : memref<1x104x32xf32, #tpu.memory_space<vmem>> -> memref<104x32xf32, #tpu.memory_space<vmem>>
        %get3A_540 = arith.index_cast %scan3A_534 : i32 to index
        %get3A_541 = arith.constant 0 : index
        %get3A_542 = tpu.vector_load %get3A_539[%get3A_540, %get3A_541] {strides = array<i32>} : memref<104x32xf32, #tpu.memory_space<vmem>>, vector<1x16xf32>,
        %get3A_543 = vector.shape_cast %get3A_542 : vector<1x16xf32> to vector<16xf32>
        %max3A = arith.maximumf %scan3A_535, %get3A_543 : vector<16xf32>
        %get3A_544 = arith.constant 0 : i32
        %get3A_545 = arith.constant 0 : i32
        %get3A_546 = tpu.memref_slice %arg6[%scan3A_505, %get3A_544, %get3A_545] : memref<8x104x32xf32, #tpu.memory_space<vmem>> -> memref<1x104x32xf32, #tpu.memory_space<vmem>>
        %get3A_547 = tpu.memref_squeeze %get3A_546 : memref<1x104x32xf32, #tpu.memory_space<vmem>> -> memref<104x32xf32, #tpu.memory_space<vmem>>
        %get3A_548 = arith.index_cast %scan3A_534 : i32 to index
        %get3A_549 = arith.constant 16 : index
        %get3A_550 = tpu.vector_load %get3A_547[%get3A_548, %get3A_549] {strides = array<i32>} : memref<104x32xf32, #tpu.memory_space<vmem>>, vector<1x16xf32>,
        %get3A_551 = vector.shape_cast %get3A_550 : vector<1x16xf32> to vector<16xf32>
        %max3A_552 = arith.maximumf %scan3A_536, %get3A_551 : vector<16xf32>
        %scan3A_553 = arith.constant 1 : i32
        %scan3A_554 = arith.addi %scan3A_534, %scan3A_553 : i32
        %get3A_555 = arith.constant 0 : i32
        %get3A_556 = arith.constant 0 : i32
        %get3A_557 = tpu.memref_slice %arg6[%scan3A_505, %get3A_555, %get3A_556] : memref<8x104x32xf32, #tpu.memory_space<vmem>> -> memref<1x104x32xf32, #tpu.memory_space<vmem>>
        %get3A_558 = tpu.memref_squeeze %get3A_557 : memref<1x104x32xf32, #tpu.memory_space<vmem>> -> memref<104x32xf32, #tpu.memory_space<vmem>>
        %get3A_559 = arith.index_cast %scan3A_554 : i32 to index
        %get3A_560 = arith.constant 0 : index
        %get3A_561 = tpu.vector_load %get3A_558[%get3A_559, %get3A_560] {strides = array<i32>} : memref<104x32xf32, #tpu.memory_space<vmem>>, vector<1x16xf32>,
        %get3A_562 = vector.shape_cast %get3A_561 : vector<1x16xf32> to vector<16xf32>
        %max3A_563 = arith.maximumf %max3A, %get3A_562 : vector<16xf32>
        %get3A_564 = arith.constant 0 : i32
        %get3A_565 = arith.constant 0 : i32
        %get3A_566 = tpu.memref_slice %arg6[%scan3A_505, %get3A_564, %get3A_565] : memref<8x104x32xf32, #tpu.memory_space<vmem>> -> memref<1x104x32xf32, #tpu.memory_space<vmem>>
        %get3A_567 = tpu.memref_squeeze %get3A_566 : memref<1x104x32xf32, #tpu.memory_space<vmem>> -> memref<104x32xf32, #tpu.memory_space<vmem>>
        %get3A_568 = arith.index_cast %scan3A_554 : i32 to index
        %get3A_569 = arith.constant 16 : index
        %get3A_570 = tpu.vector_load %get3A_567[%get3A_568, %get3A_569] {strides = array<i32>} : memref<104x32xf32, #tpu.memory_space<vmem>>, vector<1x16xf32>,
        %get3A_571 = vector.shape_cast %get3A_570 : vector<1x16xf32> to vector<16xf32>
        %max3A_572 = arith.maximumf %max3A_552, %get3A_571 : vector<16xf32>
        %scan3A_573 = arith.constant 2 : i32
        %scan3A_574 = arith.addi %scan3A_534, %scan3A_573 : i32
        %get3A_575 = arith.constant 0 : i32
        %get3A_576 = arith.constant 0 : i32
        %get3A_577 = tpu.memref_slice %arg6[%scan3A_505, %get3A_575, %get3A_576] : memref<8x104x32xf32, #tpu.memory_space<vmem>> -> memref<1x104x32xf32, #tpu.memory_space<vmem>>
        %get3A_578 = tpu.memref_squeeze %get3A_577 : memref<1x104x32xf32, #tpu.memory_space<vmem>> -> memref<104x32xf32, #tpu.memory_space<vmem>>
        %get3A_579 = arith.index_cast %scan3A_574 : i32 to index
        %get3A_580 = arith.constant 0 : index
        %get3A_581 = tpu.vector_load %get3A_578[%get3A_579, %get3A_580] {strides = array<i32>} : memref<104x32xf32, #tpu.memory_space<vmem>>, vector<1x16xf32>,
        %get3A_582 = vector.shape_cast %get3A_581 : vector<1x16xf32> to vector<16xf32>
        %max3A_583 = arith.maximumf %max3A_563, %get3A_582 : vector<16xf32>
        %get3A_584 = arith.constant 0 : i32
        %get3A_585 = arith.constant 0 : i32
        %get3A_586 = tpu.memref_slice %arg6[%scan3A_505, %get3A_584, %get3A_585] : memref<8x104x32xf32, #tpu.memory_space<vmem>> -> memref<1x104x32xf32, #tpu.memory_space<vmem>>
        %get3A_587 = tpu.memref_squeeze %get3A_586 : memref<1x104x32xf32, #tpu.memory_space<vmem>> -> memref<104x32xf32, #tpu.memory_space<vmem>>
        %get3A_588 = arith.index_cast %scan3A_574 : i32 to index
        %get3A_589 = arith.constant 16 : index
        %get3A_590 = tpu.vector_load %get3A_587[%get3A_588, %get3A_589] {strides = array<i32>} : memref<104x32xf32, #tpu.memory_space<vmem>>, vector<1x16xf32>,
        %get3A_591 = vector.shape_cast %get3A_590 : vector<1x16xf32> to vector<16xf32>
        %max3A_592 = arith.maximumf %max3A_572, %get3A_591 : vector<16xf32>
        %scan3A_593 = arith.constant 3 : i32
        %scan3A_594 = arith.addi %scan3A_534, %scan3A_593 : i32
        %get3A_595 = arith.constant 0 : i32
        %get3A_596 = arith.constant 0 : i32
        %get3A_597 = tpu.memref_slice %arg6[%scan3A_505, %get3A_595, %get3A_596] : memref<8x104x32xf32, #tpu.memory_space<vmem>> -> memref<1x104x32xf32, #tpu.memory_space<vmem>>
        %get3A_598 = tpu.memref_squeeze %get3A_597 : memref<1x104x32xf32, #tpu.memory_space<vmem>> -> memref<104x32xf32, #tpu.memory_space<vmem>>
        %get3A_599 = arith.index_cast %scan3A_594 : i32 to index
        %get3A_600 = arith.constant 0 : index
        %get3A_601 = tpu.vector_load %get3A_598[%get3A_599, %get3A_600] {strides = array<i32>} : memref<104x32xf32, #tpu.memory_space<vmem>>, vector<1x16xf32>,
        %get3A_602 = vector.shape_cast %get3A_601 : vector<1x16xf32> to vector<16xf32>
        %max3A_603 = arith.maximumf %max3A_583, %get3A_602 : vector<16xf32>
        %get3A_604 = arith.constant 0 : i32
        %get3A_605 = arith.constant 0 : i32
        %get3A_606 = tpu.memref_slice %arg6[%scan3A_505, %get3A_604, %get3A_605] : memref<8x104x32xf32, #tpu.memory_space<vmem>> -> memref<1x104x32xf32, #tpu.memory_space<vmem>>
        %get3A_607 = tpu.memref_squeeze %get3A_606 : memref<1x104x32xf32, #tpu.memory_space<vmem>> -> memref<104x32xf32, #tpu.memory_space<vmem>>
        %get3A_608 = arith.index_cast %scan3A_594 : i32 to index
        %get3A_609 = arith.constant 16 : index
        %get3A_610 = tpu.vector_load %get3A_607[%get3A_608, %get3A_609] {strides = array<i32>} : memref<104x32xf32, #tpu.memory_space<vmem>>, vector<1x16xf32>,
        %get3A_611 = vector.shape_cast %get3A_610 : vector<1x16xf32> to vector<16xf32>
        %max3A_612 = arith.maximumf %max3A_592, %get3A_611 : vector<16xf32>
        %scan3A_613 = arith.constant 4 : i32
        %scan3A_614 = arith.addi %scan3A_534, %scan3A_613 : i32
        %get3A_615 = arith.constant 0 : i32
        %get3A_616 = arith.constant 0 : i32
        %get3A_617 = tpu.memref_slice %arg6[%scan3A_505, %get3A_615, %get3A_616] : memref<8x104x32xf32, #tpu.memory_space<vmem>> -> memref<1x104x32xf32, #tpu.memory_space<vmem>>
        %get3A_618 = tpu.memref_squeeze %get3A_617 : memref<1x104x32xf32, #tpu.memory_space<vmem>> -> memref<104x32xf32, #tpu.memory_space<vmem>>
        %get3A_619 = arith.index_cast %scan3A_614 : i32 to index
        %get3A_620 = arith.constant 0 : index
        %get3A_621 = tpu.vector_load %get3A_618[%get3A_619, %get3A_620] {strides = array<i32>} : memref<104x32xf32, #tpu.memory_space<vmem>>, vector<1x16xf32>,
        %get3A_622 = vector.shape_cast %get3A_621 : vector<1x16xf32> to vector<16xf32>
        %max3A_623 = arith.maximumf %max3A_603, %get3A_622 : vector<16xf32>
        %get3A_624 = arith.constant 0 : i32
        %get3A_625 = arith.constant 0 : i32
        %get3A_626 = tpu.memref_slice %arg6[%scan3A_505, %get3A_624, %get3A_625] : memref<8x104x32xf32, #tpu.memory_space<vmem>> -> memref<1x104x32xf32, #tpu.memory_space<vmem>>
        %get3A_627 = tpu.memref_squeeze %get3A_626 : memref<1x104x32xf32, #tpu.memory_space<vmem>> -> memref<104x32xf32, #tpu.memory_space<vmem>>
        %get3A_628 = arith.index_cast %scan3A_614 : i32 to index
        %get3A_629 = arith.constant 16 : index
        %get3A_630 = tpu.vector_load %get3A_627[%get3A_628, %get3A_629] {strides = array<i32>} : memref<104x32xf32, #tpu.memory_space<vmem>>, vector<1x16xf32>,
        %get3A_631 = vector.shape_cast %get3A_630 : vector<1x16xf32> to vector<16xf32>
        %max3A_632 = arith.maximumf %max3A_612, %get3A_631 : vector<16xf32>
        %scan3A_633 = arith.constant 5 : i32
        %scan3A_634 = arith.addi %scan3A_534, %scan3A_633 : i32
        %get3A_635 = arith.constant 0 : i32
        %get3A_636 = arith.constant 0 : i32
        %get3A_637 = tpu.memref_slice %arg6[%scan3A_505, %get3A_635, %get3A_636] : memref<8x104x32xf32, #tpu.memory_space<vmem>> -> memref<1x104x32xf32, #tpu.memory_space<vmem>>
        %get3A_638 = tpu.memref_squeeze %get3A_637 : memref<1x104x32xf32, #tpu.memory_space<vmem>> -> memref<104x32xf32, #tpu.memory_space<vmem>>
        %get3A_639 = arith.index_cast %scan3A_634 : i32 to index
        %get3A_640 = arith.constant 0 : index
        %get3A_641 = tpu.vector_load %get3A_638[%get3A_639, %get3A_640] {strides = array<i32>} : memref<104x32xf32, #tpu.memory_space<vmem>>, vector<1x16xf32>,
        %get3A_642 = vector.shape_cast %get3A_641 : vector<1x16xf32> to vector<16xf32>
        %max3A_643 = arith.maximumf %max3A_623, %get3A_642 : vector<16xf32>
        %get3A_644 = arith.constant 0 : i32
        %get3A_645 = arith.constant 0 : i32
        %get3A_646 = tpu.memref_slice %arg6[%scan3A_505, %get3A_644, %get3A_645] : memref<8x104x32xf32, #tpu.memory_space<vmem>> -> memref<1x104x32xf32, #tpu.memory_space<vmem>>
        %get3A_647 = tpu.memref_squeeze %get3A_646 : memref<1x104x32xf32, #tpu.memory_space<vmem>> -> memref<104x32xf32, #tpu.memory_space<vmem>>
        %get3A_648 = arith.index_cast %scan3A_634 : i32 to index
        %get3A_649 = arith.constant 16 : index
        %get3A_650 = tpu.vector_load %get3A_647[%get3A_648, %get3A_649] {strides = array<i32>} : memref<104x32xf32, #tpu.memory_space<vmem>>, vector<1x16xf32>,
        %get3A_651 = vector.shape_cast %get3A_650 : vector<1x16xf32> to vector<16xf32>
        %max3A_652 = arith.maximumf %max3A_632, %get3A_651 : vector<16xf32>
        %scan3A_653 = arith.constant 6 : i32
        %scan3A_654 = arith.addi %scan3A_534, %scan3A_653 : i32
        %get3A_655 = arith.constant 0 : i32
        %get3A_656 = arith.constant 0 : i32
        %get3A_657 = tpu.memref_slice %arg6[%scan3A_505, %get3A_655, %get3A_656] : memref<8x104x32xf32, #tpu.memory_space<vmem>> -> memref<1x104x32xf32, #tpu.memory_space<vmem>>
        %get3A_658 = tpu.memref_squeeze %get3A_657 : memref<1x104x32xf32, #tpu.memory_space<vmem>> -> memref<104x32xf32, #tpu.memory_space<vmem>>
        %get3A_659 = arith.index_cast %scan3A_654 : i32 to index
        %get3A_660 = arith.constant 0 : index
        %get3A_661 = tpu.vector_load %get3A_658[%get3A_659, %get3A_660] {strides = array<i32>} : memref<104x32xf32, #tpu.memory_space<vmem>>, vector<1x16xf32>,
        %get3A_662 = vector.shape_cast %get3A_661 : vector<1x16xf32> to vector<16xf32>
        %max3A_663 = arith.maximumf %max3A_643, %get3A_662 : vector<16xf32>
        %get3A_664 = arith.constant 0 : i32
        %get3A_665 = arith.constant 0 : i32
        %get3A_666 = tpu.memref_slice %arg6[%scan3A_505, %get3A_664, %get3A_665] : memref<8x104x32xf32, #tpu.memory_space<vmem>> -> memref<1x104x32xf32, #tpu.memory_space<vmem>>
        %get3A_667 = tpu.memref_squeeze %get3A_666 : memref<1x104x32xf32, #tpu.memory_space<vmem>> -> memref<104x32xf32, #tpu.memory_space<vmem>>
        %get3A_668 = arith.index_cast %scan3A_654 : i32 to index
        %get3A_669 = arith.constant 16 : index
        %get3A_670 = tpu.vector_load %get3A_667[%get3A_668, %get3A_669] {strides = array<i32>} : memref<104x32xf32, #tpu.memory_space<vmem>>, vector<1x16xf32>,
        %get3A_671 = vector.shape_cast %get3A_670 : vector<1x16xf32> to vector<16xf32>
        %max3A_672 = arith.maximumf %max3A_652, %get3A_671 : vector<16xf32>
        %scan3A_673 = arith.constant 7 : i32
        %scan3A_674 = arith.addi %scan3A_534, %scan3A_673 : i32
        %get3A_675 = arith.constant 0 : i32
        %get3A_676 = arith.constant 0 : i32
        %get3A_677 = tpu.memref_slice %arg6[%scan3A_505, %get3A_675, %get3A_676] : memref<8x104x32xf32, #tpu.memory_space<vmem>> -> memref<1x104x32xf32, #tpu.memory_space<vmem>>
        %get3A_678 = tpu.memref_squeeze %get3A_677 : memref<1x104x32xf32, #tpu.memory_space<vmem>> -> memref<104x32xf32, #tpu.memory_space<vmem>>
        %get3A_679 = arith.index_cast %scan3A_674 : i32 to index
        %get3A_680 = arith.constant 0 : index
        %get3A_681 = tpu.vector_load %get3A_678[%get3A_679, %get3A_680] {strides = array<i32>} : memref<104x32xf32, #tpu.memory_space<vmem>>, vector<1x16xf32>,
        %get3A_682 = vector.shape_cast %get3A_681 : vector<1x16xf32> to vector<16xf32>
        %max3A_683 = arith.maximumf %max3A_663, %get3A_682 : vector<16xf32>
        %get3A_684 = arith.constant 0 : i32
        %get3A_685 = arith.constant 0 : i32
        %get3A_686 = tpu.memref_slice %arg6[%scan3A_505, %get3A_684, %get3A_685] : memref<8x104x32xf32, #tpu.memory_space<vmem>> -> memref<1x104x32xf32, #tpu.memory_space<vmem>>
        %get3A_687 = tpu.memref_squeeze %get3A_686 : memref<1x104x32xf32, #tpu.memory_space<vmem>> -> memref<104x32xf32, #tpu.memory_space<vmem>>
        %get3A_688 = arith.index_cast %scan3A_674 : i32 to index
        %get3A_689 = arith.constant 16 : index
        %get3A_690 = tpu.vector_load %get3A_687[%get3A_688, %get3A_689] {strides = array<i32>} : memref<104x32xf32, #tpu.memory_space<vmem>>, vector<1x16xf32>,
        %get3A_691 = vector.shape_cast %get3A_690 : vector<1x16xf32> to vector<16xf32>
        %max3A_692 = arith.maximumf %max3A_672, %get3A_691 : vector<16xf32>
        scf.yield %max3A_683, %max3A_692 : vector<16xf32>, vector<16xf32>
      }
      %scan3A_511 = arith.constant 104 : i32
      %dma_start3A_512 = arith.constant 1 : i32
      %dma_start3A_513 = arith.constant 7 : i32
      %dma_start3A_514 = arith.constant 0 : i32
      %dma_start3A_515 = arith.constant 0 : i32
      %dma_start3A_516 = tpu.memref_slice %arg6[%dma_start3A_513, %dma_start3A_514, %dma_start3A_515] : memref<8x104x32xf32, #tpu.memory_space<vmem>> -> memref<1x104x32xf32, #tpu.memory_space<vmem>>
      %dma_start3A_517 = tpu.memref_squeeze %dma_start3A_516 : memref<1x104x32xf32, #tpu.memory_space<vmem>> -> memref<104x32xf32, #tpu.memory_space<vmem>>
      %dma_start3A_518 = arith.constant 0 : i32
      %dma_start3A_519 = tpu.memref_slice %arg5[%rem3A_461, %dma_start3A_512, %dma_start3A_518] : memref<128x2x104xi32, #tpu.memory_space<vmem>> -> memref<1x1x104xi32, #tpu.memory_space<vmem>>
      %dma_start3A_520 = tpu.memref_squeeze %dma_start3A_519 : memref<1x1x104xi32, #tpu.memory_space<vmem>> -> memref<104xi32, #tpu.memory_space<vmem>>
      %dma_start3A_521 = arith.constant 0 : i32
      %dma_start3A_522 = arith.constant 0 : i32
      %dma_start3A_523 = tpu.memref_slice %arg3[%dma_start3A_521, %dma_start3A_522] : memref<1015808x32xf32, #tpu.memory_space<hbm>> -> memref<1015808x32xf32, #tpu.memory_space<hbm>>
      tpu.enqueue_indirect_dma source(%dma_start3A_523 : memref<1015808x32xf32, #tpu.memory_space<hbm>>) target(%dma_start3A_517 : memref<104x32xf32, #tpu.memory_space<vmem>>) offsets(%dma_start3A_520 : memref<104xi32, #tpu.memory_space<vmem>>) semaphore(%arg15 : memref<!tpu.dma_semaphore, #tpu.memory_space<semaphore_mem>>)
      %swap3A_524 = arith.index_cast %add3A_457 : i32 to index
      %swap3A_525 = arith.constant 0 : index
      %swap3A_526 = tpu.vector_load %arg7[%swap3A_524, %swap3A_525] {strides = array<i32>} : memref<128x32xf32, #tpu.memory_space<vmem>>, vector<1x16xf32>,
      %swap3A_527 = vector.shape_cast %swap3A_526 : vector<1x16xf32> to vector<16xf32>
      %swap3A_528 = vector.shape_cast %scan3A_510#0 : vector<16xf32> to vector<1x16xf32>
      tpu.vector_store %arg7[%swap3A_524, %swap3A_525], %swap3A_528 {strides = array<i32>} : memref<128x32xf32, #tpu.memory_space<vmem>>, vector<1x16xf32>,
      %swap3A_529 = arith.index_cast %add3A_457 : i32 to index
      %swap3A_530 = arith.constant 16 : index
      %swap3A_531 = tpu.vector_load %arg7[%swap3A_529, %swap3A_530] {strides = array<i32>} : memref<128x32xf32, #tpu.memory_space<vmem>>, vector<1x16xf32>,
      %swap3A_532 = vector.shape_cast %swap3A_531 : vector<1x16xf32> to vector<16xf32>
      %swap3A_533 = vector.shape_cast %scan3A_510#1 : vector<16xf32> to vector<1x16xf32>
      tpu.vector_store %arg7[%swap3A_529, %swap3A_530], %swap3A_533 {strides = array<i32>} : memref<128x32xf32, #tpu.memory_space<vmem>>, vector<1x16xf32>,
    }
    %scan3A_111 = arith.constant 32 : i32
    %dma_wait3A = arith.constant 0 : i32
    %dma_wait3A_112 = arith.constant 0 : i32
    %dma_wait3A_113 = arith.constant 0 : i32
    %dma_wait3A_114 = arith.constant 0 : i32
    %dma_wait3A_115 = arith.constant 0 : i32
    %dma_wait3A_116 = tpu.memref_slice %arg6[%dma_wait3A_113, %dma_wait3A_114, %dma_wait3A_115] : memref<8x104x32xf32, #tpu.memory_space<vmem>> -> memref<1x104x32xf32, #tpu.memory_space<vmem>>
    %dma_wait3A_117 = tpu.memref_squeeze %dma_wait3A_116 : memref<1x104x32xf32, #tpu.memory_space<vmem>> -> memref<104x32xf32, #tpu.memory_space<vmem>>
    %dma_wait3A_118 = arith.constant 0 : i32
    %dma_wait3A_119 = tpu.memref_slice %arg5[%dma_wait3A, %dma_wait3A_112, %dma_wait3A_118] : memref<128x2x104xi32, #tpu.memory_space<vmem>> -> memref<1x1x104xi32, #tpu.memory_space<vmem>>
    %dma_wait3A_120 = tpu.memref_squeeze %dma_wait3A_119 : memref<1x1x104xi32, #tpu.memory_space<vmem>> -> memref<104xi32, #tpu.memory_space<vmem>>
    %dma_wait3A_121 = arith.constant 0 : i32
    %dma_wait3A_122 = arith.constant 0 : i32
    %dma_wait3A_123 = tpu.memref_slice %arg3[%dma_wait3A_121, %dma_wait3A_122] : memref<1015808x32xf32, #tpu.memory_space<hbm>> -> memref<1015808x32xf32, #tpu.memory_space<hbm>>
    tpu.wait_indirect_dma semaphore(%arg8 : memref<!tpu.dma_semaphore, #tpu.memory_space<semaphore_mem>>) src(%dma_wait3A_123 : memref<1015808x32xf32, #tpu.memory_space<hbm>>) dst(%dma_wait3A_117 : memref<104x32xf32, #tpu.memory_space<vmem>>)
    %dma_wait3A_124 = arith.constant 0 : i32
    %dma_wait3A_125 = arith.constant 1 : i32
    %dma_wait3A_126 = arith.constant 1 : i32
    %dma_wait3A_127 = arith.constant 0 : i32
    %dma_wait3A_128 = arith.constant 0 : i32
    %dma_wait3A_129 = tpu.memref_slice %arg6[%dma_wait3A_126, %dma_wait3A_127, %dma_wait3A_128] : memref<8x104x32xf32, #tpu.memory_space<vmem>> -> memref<1x104x32xf32, #tpu.memory_space<vmem>>
    %dma_wait3A_130 = tpu.memref_squeeze %dma_wait3A_129 : memref<1x104x32xf32, #tpu.memory_space<vmem>> -> memref<104x32xf32, #tpu.memory_space<vmem>>
    %dma_wait3A_131 = arith.constant 0 : i32
    %dma_wait3A_132 = tpu.memref_slice %arg5[%dma_wait3A_124, %dma_wait3A_125, %dma_wait3A_131] : memref<128x2x104xi32, #tpu.memory_space<vmem>> -> memref<1x1x104xi32, #tpu.memory_space<vmem>>
    %dma_wait3A_133 = tpu.memref_squeeze %dma_wait3A_132 : memref<1x1x104xi32, #tpu.memory_space<vmem>> -> memref<104xi32, #tpu.memory_space<vmem>>
    %dma_wait3A_134 = arith.constant 0 : i32
    %dma_wait3A_135 = arith.constant 0 : i32
    %dma_wait3A_136 = tpu.memref_slice %arg3[%dma_wait3A_134, %dma_wait3A_135] : memref<1015808x32xf32, #tpu.memory_space<hbm>> -> memref<1015808x32xf32, #tpu.memory_space<hbm>>
    tpu.wait_indirect_dma semaphore(%arg9 : memref<!tpu.dma_semaphore, #tpu.memory_space<semaphore_mem>>) src(%dma_wait3A_136 : memref<1015808x32xf32, #tpu.memory_space<hbm>>) dst(%dma_wait3A_130 : memref<104x32xf32, #tpu.memory_space<vmem>>)
    %dma_wait3A_137 = arith.constant 1 : i32
    %dma_wait3A_138 = arith.constant 0 : i32
    %dma_wait3A_139 = arith.constant 2 : i32
    %dma_wait3A_140 = arith.constant 0 : i32
    %dma_wait3A_141 = arith.constant 0 : i32
    %dma_wait3A_142 = tpu.memref_slice %arg6[%dma_wait3A_139, %dma_wait3A_140, %dma_wait3A_141] : memref<8x104x32xf32, #tpu.memory_space<vmem>> -> memref<1x104x32xf32, #tpu.memory_space<vmem>>
    %dma_wait3A_143 = tpu.memref_squeeze %dma_wait3A_142 : memref<1x104x32xf32, #tpu.memory_space<vmem>> -> memref<104x32xf32, #tpu.memory_space<vmem>>
    %dma_wait3A_144 = arith.constant 0 : i32
    %dma_wait3A_145 = tpu.memref_slice %arg5[%dma_wait3A_137, %dma_wait3A_138, %dma_wait3A_144] : memref<128x2x104xi32, #tpu.memory_space<vmem>> -> memref<1x1x104xi32, #tpu.memory_space<vmem>>
    %dma_wait3A_146 = tpu.memref_squeeze %dma_wait3A_145 : memref<1x1x104xi32, #tpu.memory_space<vmem>> -> memref<104xi32, #tpu.memory_space<vmem>>
    %dma_wait3A_147 = arith.constant 0 : i32
    %dma_wait3A_148 = arith.constant 0 : i32
    %dma_wait3A_149 = tpu.memref_slice %arg3[%dma_wait3A_147, %dma_wait3A_148] : memref<1015808x32xf32, #tpu.memory_space<hbm>> -> memref<1015808x32xf32, #tpu.memory_space<hbm>>
    tpu.wait_indirect_dma semaphore(%arg10 : memref<!tpu.dma_semaphore, #tpu.memory_space<semaphore_mem>>) src(%dma_wait3A_149 : memref<1015808x32xf32, #tpu.memory_space<hbm>>) dst(%dma_wait3A_143 : memref<104x32xf32, #tpu.memory_space<vmem>>)
    %dma_wait3A_150 = arith.constant 1 : i32
    %dma_wait3A_151 = arith.constant 1 : i32
    %dma_wait3A_152 = arith.constant 3 : i32
    %dma_wait3A_153 = arith.constant 0 : i32
    %dma_wait3A_154 = arith.constant 0 : i32
    %dma_wait3A_155 = tpu.memref_slice %arg6[%dma_wait3A_152, %dma_wait3A_153, %dma_wait3A_154] : memref<8x104x32xf32, #tpu.memory_space<vmem>> -> memref<1x104x32xf32, #tpu.memory_space<vmem>>
    %dma_wait3A_156 = tpu.memref_squeeze %dma_wait3A_155 : memref<1x104x32xf32, #tpu.memory_space<vmem>> -> memref<104x32xf32, #tpu.memory_space<vmem>>
    %dma_wait3A_157 = arith.constant 0 : i32
    %dma_wait3A_158 = tpu.memref_slice %arg5[%dma_wait3A_150, %dma_wait3A_151, %dma_wait3A_157] : memref<128x2x104xi32, #tpu.memory_space<vmem>> -> memref<1x1x104xi32, #tpu.memory_space<vmem>>
    %dma_wait3A_159 = tpu.memref_squeeze %dma_wait3A_158 : memref<1x1x104xi32, #tpu.memory_space<vmem>> -> memref<104xi32, #tpu.memory_space<vmem>>
    %dma_wait3A_160 = arith.constant 0 : i32
    %dma_wait3A_161 = arith.constant 0 : i32
    %dma_wait3A_162 = tpu.memref_slice %arg3[%dma_wait3A_160, %dma_wait3A_161] : memref<1015808x32xf32, #tpu.memory_space<hbm>> -> memref<1015808x32xf32, #tpu.memory_space<hbm>>
    tpu.wait_indirect_dma semaphore(%arg11 : memref<!tpu.dma_semaphore, #tpu.memory_space<semaphore_mem>>) src(%dma_wait3A_162 : memref<1015808x32xf32, #tpu.memory_space<hbm>>) dst(%dma_wait3A_156 : memref<104x32xf32, #tpu.memory_space<vmem>>)
    %dma_wait3A_163 = arith.constant 2 : i32
    %dma_wait3A_164 = arith.constant 0 : i32
    %dma_wait3A_165 = arith.constant 4 : i32
    %dma_wait3A_166 = arith.constant 0 : i32
    %dma_wait3A_167 = arith.constant 0 : i32
    %dma_wait3A_168 = tpu.memref_slice %arg6[%dma_wait3A_165, %dma_wait3A_166, %dma_wait3A_167] : memref<8x104x32xf32, #tpu.memory_space<vmem>> -> memref<1x104x32xf32, #tpu.memory_space<vmem>>
    %dma_wait3A_169 = tpu.memref_squeeze %dma_wait3A_168 : memref<1x104x32xf32, #tpu.memory_space<vmem>> -> memref<104x32xf32, #tpu.memory_space<vmem>>
    %dma_wait3A_170 = arith.constant 0 : i32
    %dma_wait3A_171 = tpu.memref_slice %arg5[%dma_wait3A_163, %dma_wait3A_164, %dma_wait3A_170] : memref<128x2x104xi32, #tpu.memory_space<vmem>> -> memref<1x1x104xi32, #tpu.memory_space<vmem>>
    %dma_wait3A_172 = tpu.memref_squeeze %dma_wait3A_171 : memref<1x1x104xi32, #tpu.memory_space<vmem>> -> memref<104xi32, #tpu.memory_space<vmem>>
    %dma_wait3A_173 = arith.constant 0 : i32
    %dma_wait3A_174 = arith.constant 0 : i32
    %dma_wait3A_175 = tpu.memref_slice %arg3[%dma_wait3A_173, %dma_wait3A_174] : memref<1015808x32xf32, #tpu.memory_space<hbm>> -> memref<1015808x32xf32, #tpu.memory_space<hbm>>
    tpu.wait_indirect_dma semaphore(%arg12 : memref<!tpu.dma_semaphore, #tpu.memory_space<semaphore_mem>>) src(%dma_wait3A_175 : memref<1015808x32xf32, #tpu.memory_space<hbm>>) dst(%dma_wait3A_169 : memref<104x32xf32, #tpu.memory_space<vmem>>)
    %dma_wait3A_176 = arith.constant 2 : i32
    %dma_wait3A_177 = arith.constant 1 : i32
    %dma_wait3A_178 = arith.constant 5 : i32
    %dma_wait3A_179 = arith.constant 0 : i32
    %dma_wait3A_180 = arith.constant 0 : i32
    %dma_wait3A_181 = tpu.memref_slice %arg6[%dma_wait3A_178, %dma_wait3A_179, %dma_wait3A_180] : memref<8x104x32xf32, #tpu.memory_space<vmem>> -> memref<1x104x32xf32, #tpu.memory_space<vmem>>
    %dma_wait3A_182 = tpu.memref_squeeze %dma_wait3A_181 : memref<1x104x32xf32, #tpu.memory_space<vmem>> -> memref<104x32xf32, #tpu.memory_space<vmem>>
    %dma_wait3A_183 = arith.constant 0 : i32
    %dma_wait3A_184 = tpu.memref_slice %arg5[%dma_wait3A_176, %dma_wait3A_177, %dma_wait3A_183] : memref<128x2x104xi32, #tpu.memory_space<vmem>> -> memref<1x1x104xi32, #tpu.memory_space<vmem>>
    %dma_wait3A_185 = tpu.memref_squeeze %dma_wait3A_184 : memref<1x1x104xi32, #tpu.memory_space<vmem>> -> memref<104xi32, #tpu.memory_space<vmem>>
    %dma_wait3A_186 = arith.constant 0 : i32
    %dma_wait3A_187 = arith.constant 0 : i32
    %dma_wait3A_188 = tpu.memref_slice %arg3[%dma_wait3A_186, %dma_wait3A_187] : memref<1015808x32xf32, #tpu.memory_space<hbm>> -> memref<1015808x32xf32, #tpu.memory_space<hbm>>
    tpu.wait_indirect_dma semaphore(%arg13 : memref<!tpu.dma_semaphore, #tpu.memory_space<semaphore_mem>>) src(%dma_wait3A_188 : memref<1015808x32xf32, #tpu.memory_space<hbm>>) dst(%dma_wait3A_182 : memref<104x32xf32, #tpu.memory_space<vmem>>)
    %dma_wait3A_189 = arith.constant 3 : i32
    %dma_wait3A_190 = arith.constant 0 : i32
    %dma_wait3A_191 = arith.constant 6 : i32
    %dma_wait3A_192 = arith.constant 0 : i32
    %dma_wait3A_193 = arith.constant 0 : i32
    %dma_wait3A_194 = tpu.memref_slice %arg6[%dma_wait3A_191, %dma_wait3A_192, %dma_wait3A_193] : memref<8x104x32xf32, #tpu.memory_space<vmem>> -> memref<1x104x32xf32, #tpu.memory_space<vmem>>
    %dma_wait3A_195 = tpu.memref_squeeze %dma_wait3A_194 : memref<1x104x32xf32, #tpu.memory_space<vmem>> -> memref<104x32xf32, #tpu.memory_space<vmem>>
    %dma_wait3A_196 = arith.constant 0 : i32
    %dma_wait3A_197 = tpu.memref_slice %arg5[%dma_wait3A_189, %dma_wait3A_190, %dma_wait3A_196] : memref<128x2x104xi32, #tpu.memory_space<vmem>> -> memref<1x1x104xi32, #tpu.memory_space<vmem>>
    %dma_wait3A_198 = tpu.memref_squeeze %dma_wait3A_197 : memref<1x1x104xi32, #tpu.memory_space<vmem>> -> memref<104xi32, #tpu.memory_space<vmem>>
    %dma_wait3A_199 = arith.constant 0 : i32
    %dma_wait3A_200 = arith.constant 0 : i32
    %dma_wait3A_201 = tpu.memref_slice %arg3[%dma_wait3A_199, %dma_wait3A_200] : memref<1015808x32xf32, #tpu.memory_space<hbm>> -> memref<1015808x32xf32, #tpu.memory_space<hbm>>
    tpu.wait_indirect_dma semaphore(%arg14 : memref<!tpu.dma_semaphore, #tpu.memory_space<semaphore_mem>>) src(%dma_wait3A_201 : memref<1015808x32xf32, #tpu.memory_space<hbm>>) dst(%dma_wait3A_195 : memref<104x32xf32, #tpu.memory_space<vmem>>)
    %dma_wait3A_202 = arith.constant 3 : i32
    %dma_wait3A_203 = arith.constant 1 : i32
    %dma_wait3A_204 = arith.constant 7 : i32
    %dma_wait3A_205 = arith.constant 0 : i32
    %dma_wait3A_206 = arith.constant 0 : i32
    %dma_wait3A_207 = tpu.memref_slice %arg6[%dma_wait3A_204, %dma_wait3A_205, %dma_wait3A_206] : memref<8x104x32xf32, #tpu.memory_space<vmem>> -> memref<1x104x32xf32, #tpu.memory_space<vmem>>
    %dma_wait3A_208 = tpu.memref_squeeze %dma_wait3A_207 : memref<1x104x32xf32, #tpu.memory_space<vmem>> -> memref<104x32xf32, #tpu.memory_space<vmem>>
    %dma_wait3A_209 = arith.constant 0 : i32
    %dma_wait3A_210 = tpu.memref_slice %arg5[%dma_wait3A_202, %dma_wait3A_203, %dma_wait3A_209] : memref<128x2x104xi32, #tpu.memory_space<vmem>> -> memref<1x1x104xi32, #tpu.memory_space<vmem>>
    %dma_wait3A_211 = tpu.memref_squeeze %dma_wait3A_210 : memref<1x1x104xi32, #tpu.memory_space<vmem>> -> memref<104xi32, #tpu.memory_space<vmem>>
    %dma_wait3A_212 = arith.constant 0 : i32
    %dma_wait3A_213 = arith.constant 0 : i32
    %dma_wait3A_214 = tpu.memref_slice %arg3[%dma_wait3A_212, %dma_wait3A_213] : memref<1015808x32xf32, #tpu.memory_space<hbm>> -> memref<1015808x32xf32, #tpu.memory_space<hbm>>
    tpu.wait_indirect_dma semaphore(%arg15 : memref<!tpu.dma_semaphore, #tpu.memory_space<semaphore_mem>>) src(%dma_wait3A_214 : memref<1015808x32xf32, #tpu.memory_space<hbm>>) dst(%dma_wait3A_208 : memref<104x32xf32, #tpu.memory_space<vmem>>)
    "tpu.region"() ({
      %run_scoped3A = tpu.sem_alloc : memref<!tpu.dma_semaphore, #tpu.memory_space<semaphore_mem>>
      %dma_start3A_215 = arith.constant 0 : i32
      %dma_start3A_216 = tpu.memref_slice %arg4[%mul3A_2, %dma_start3A_215] : memref<4096x32xf32, #tpu.memory_space<hbm>> -> memref<128x32xf32, #tpu.memory_space<hbm>>
      %dma_start3A_217 = arith.constant 0 : i32
      %dma_start3A_218 = tpu.memref_slice %arg4[%mul3A_2, %dma_start3A_217] : memref<4096x32xf32, #tpu.memory_space<hbm>> -> memref<128x32xf32, #tpu.memory_space<hbm>>
      tpu.enqueue_dma source(%arg7 : memref<128x32xf32, #tpu.memory_space<vmem>>) target(%dma_start3A_218 : memref<128x32xf32, #tpu.memory_space<hbm>>) target_semaphore(%run_scoped3A : memref<!tpu.dma_semaphore, #tpu.memory_space<semaphore_mem>>)
      %dma_wait3A_219 = arith.constant 0 : i32
      %dma_wait3A_220 = tpu.memref_slice %arg4[%mul3A_2, %dma_wait3A_219] : memref<4096x32xf32, #tpu.memory_space<hbm>> -> memref<128x32xf32, #tpu.memory_space<hbm>>
      %dma_wait3A_221 = arith.constant 0 : i32
      %dma_wait3A_222 = tpu.memref_slice %arg4[%mul3A_2, %dma_wait3A_221] : memref<4096x32xf32, #tpu.memory_space<hbm>> -> memref<128x32xf32, #tpu.memory_space<hbm>>
      tpu.wait_dma2 semaphore(%run_scoped3A : memref<!tpu.dma_semaphore, #tpu.memory_space<semaphore_mem>>) src(%arg7 : memref<128x32xf32, #tpu.memory_space<vmem>>) dst(%dma_wait3A_222 : memref<128x32xf32, #tpu.memory_space<hbm>>)
      tpu.yield
    }) : () -> ()
    return
  }
}

module attributes {stable_mosaic.version = 14 : i64} {
  func.func @_detile_body(%arg0: i32, %arg1: memref<32x32768xf32, #tpu.memory_space<vmem>>, %arg2: memref<8192x128xf32, #tpu.memory_space<vmem>>) attributes {dimension_semantics = [#tpu.dimension_semantics<arbitrary>], iteration_bounds = array<i64: 31>, scalar_prefetch = 0 : i64, scratch_operands = 0 : i64, tpu.core_type = #tpu.core_type<tc>, window_params = [{transform_indices = @transform_0, window_bounds = array<i64: 32, 32768>}, {transform_indices = @transform_1, window_bounds = array<i64: 8192, 128>}]} {
    %get3A = arith.constant 0 : index
    %get3A_0 = arith.constant 0 : index
    %get3A_1 = vector.load %arg1[%get3A, %get3A_0] : memref<32x32768xf32, #tpu.memory_space<vmem>>, vector<32x32768xf32>
    %transpose3A = tpu.transpose %get3A_1, [1, 0] : vector<32x32768xf32> -> vector<32768x32xf32>
    %slice3A = vector.extract_strided_slice %transpose3A {offsets = [0, 0], sizes = [8192, 32], strides = [1, 1]} : vector<32768x32xf32> to vector<8192x32xf32>
    %swap3A = arith.constant 0 : index
    %swap3A_2 = arith.constant 0 : index
    %swap3A_3 = vector.load %arg2[%swap3A, %swap3A_2] : memref<8192x128xf32, #tpu.memory_space<vmem>>, vector<8192x32xf32>
    tpu.vector_store %arg2[%swap3A, %swap3A_2], %slice3A {strides = array<i32>} : memref<8192x128xf32, #tpu.memory_space<vmem>>, vector<8192x32xf32>,
    %slice3A_4 = vector.extract_strided_slice %transpose3A {offsets = [8192, 0], sizes = [8192, 32], strides = [1, 1]} : vector<32768x32xf32> to vector<8192x32xf32>
    %swap3A_5 = arith.constant 0 : index
    %swap3A_6 = arith.constant 32 : index
    %swap3A_7 = vector.load %arg2[%swap3A_5, %swap3A_6] : memref<8192x128xf32, #tpu.memory_space<vmem>>, vector<8192x32xf32>
    tpu.vector_store %arg2[%swap3A_5, %swap3A_6], %slice3A_4 {strides = array<i32>} : memref<8192x128xf32, #tpu.memory_space<vmem>>, vector<8192x32xf32>,
    %slice3A_8 = vector.extract_strided_slice %transpose3A {offsets = [16384, 0], sizes = [8192, 32], strides = [1, 1]} : vector<32768x32xf32> to vector<8192x32xf32>
    %swap3A_9 = arith.constant 0 : index
    %swap3A_10 = arith.constant 64 : index
    %swap3A_11 = vector.load %arg2[%swap3A_9, %swap3A_10] : memref<8192x128xf32, #tpu.memory_space<vmem>>, vector<8192x32xf32>
    tpu.vector_store %arg2[%swap3A_9, %swap3A_10], %slice3A_8 {strides = array<i32>} : memref<8192x128xf32, #tpu.memory_space<vmem>>, vector<8192x32xf32>,
    %slice3A_12 = vector.extract_strided_slice %transpose3A {offsets = [24576, 0], sizes = [8192, 32], strides = [1, 1]} : vector<32768x32xf32> to vector<8192x32xf32>
    %swap3A_13 = arith.constant 0 : index
    %swap3A_14 = arith.constant 96 : index
    %swap3A_15 = vector.load %arg2[%swap3A_13, %swap3A_14] : memref<8192x128xf32, #tpu.memory_space<vmem>>, vector<8192x32xf32>
    tpu.vector_store %arg2[%swap3A_13, %swap3A_14], %slice3A_12 {strides = array<i32>} : memref<8192x128xf32, #tpu.memory_space<vmem>>, vector<8192x32xf32>,
    return
  }
  func.func @transform_0(%arg0: i32) -> (i32, i32) {
    %c0_i32 = arith.constant 0 : i32
    %c0_i32_0 = arith.constant 0 : i32
    return %c0_i32, %arg0 : i32, i32
  }
  func.func @transform_1(%arg0: i32) -> (i32, i32) {
    %c0_i32 = arith.constant 0 : i32
    %c0_i32_0 = arith.constant 0 : i32
    return %arg0, %c0_i32 : i32, i32
  }
}

module attributes {stable_mosaic.version = 14 : i64} {
  func.func @_mlp_body(%arg0: memref<4096x32xf32, #tpu.memory_space<vmem>>, %arg1: memref<32x8xf32, #tpu.memory_space<vmem>>, %arg2: memref<1x8xf32, #tpu.memory_space<vmem>>, %arg3: memref<8x1xf32, #tpu.memory_space<vmem>>, %arg4: memref<1x1xf32, #tpu.memory_space<vmem>>, %arg5: memref<4096x1xf32, #tpu.memory_space<vmem>>) attributes {dimension_semantics = [], scalar_prefetch = 0 : i64, scratch_operands = 0 : i64, tpu.core_type = #tpu.core_type<tc>} {
    %get3A = arith.constant 0 : index
    %get3A_0 = arith.constant 0 : index
    %get3A_1 = vector.load %arg0[%get3A, %get3A_0] : memref<4096x32xf32, #tpu.memory_space<vmem>>, vector<4096x32xf32>
    %get3A_2 = arith.constant 0 : index
    %get3A_3 = arith.constant 0 : index
    %get3A_4 = vector.load %arg1[%get3A_2, %get3A_3] : memref<32x8xf32, #tpu.memory_space<vmem>>, vector<32x8xf32>
    %dot_general3A = arith.constant dense<0.000000e+00> : vector<4096x8xf32>
    %dot_general3A_5 = tpu.matmul %get3A_1, %get3A_4, %dot_general3A {dimension_numbers = #tpu.dot_dimension_numbers<[1], [0], [0], [1], [0, 0, 1, 1], [], []>, transpose_lhs_hint = false} : vector<4096x32xf32>, vector<32x8xf32>, vector<4096x8xf32> -> vector<4096x8xf32>
    %get3A_6 = arith.constant 0 : index
    %get3A_7 = arith.constant 0 : index
    %get3A_8 = vector.load %arg2[%get3A_6, %get3A_7] : memref<1x8xf32, #tpu.memory_space<vmem>>, vector<1x8xf32>
    %add3A = vector.broadcast %get3A_8 : vector<1x8xf32> to vector<4096x8xf32>
    %add3A_9 = arith.addf %dot_general3A_5, %add3A : vector<4096x8xf32>
    %max3A = arith.constant 0.000000e+00 : f32
    %max3A_10 = vector.broadcast %max3A : f32 to vector<4096x8xf32>
    %max3A_11 = arith.maximumf %add3A_9, %max3A_10 : vector<4096x8xf32>
    %get3A_12 = arith.constant 0 : index
    %get3A_13 = arith.constant 0 : index
    %get3A_14 = vector.load %arg3[%get3A_12, %get3A_13] : memref<8x1xf32, #tpu.memory_space<vmem>>, vector<8x1xf32>
    %dot_general3A_15 = arith.constant dense<0.000000e+00> : vector<4096x1xf32>
    %dot_general3A_16 = tpu.matmul %max3A_11, %get3A_14, %dot_general3A_15 {dimension_numbers = #tpu.dot_dimension_numbers<[1], [0], [0], [1], [0, 0, 1, 1], [], []>, transpose_lhs_hint = false} : vector<4096x8xf32>, vector<8x1xf32>, vector<4096x1xf32> -> vector<4096x1xf32>
    %get3A_17 = arith.constant 0 : index
    %get3A_18 = arith.constant 0 : index
    %get3A_19 = vector.load %arg4[%get3A_17, %get3A_18] : memref<1x1xf32, #tpu.memory_space<vmem>>, vector<1x1xf32>
    %add3A_20 = vector.broadcast %get3A_19 : vector<1x1xf32> to vector<4096x1xf32>
    %add3A_21 = arith.addf %dot_general3A_16, %add3A_20 : vector<4096x1xf32>
    %neg3A = arith.constant 0.000000e+00 : f32
    %neg3A_22 = vector.broadcast %neg3A : f32 to vector<4096x1xf32>
    %neg3A_23 = arith.subf %neg3A_22, %add3A_21 : vector<4096x1xf32>
    %exp3A = math.exp %neg3A_23 : vector<4096x1xf32>
    %add3A_24 = arith.constant 1.000000e+00 : f32
    %add3A_25 = vector.broadcast %add3A_24 : f32 to vector<4096x1xf32>
    %add3A_26 = arith.addf %add3A_25, %exp3A : vector<4096x1xf32>
    %div3A = arith.constant 1.000000e+00 : f32
    %div3A_27 = vector.broadcast %div3A : f32 to vector<4096x1xf32>
    %div3A_28 = arith.divf %div3A_27, %add3A_26 : vector<4096x1xf32>
    %swap3A = arith.constant 0 : index
    %swap3A_29 = arith.constant 0 : index
    %swap3A_30 = vector.load %arg5[%swap3A, %swap3A_29] : memref<4096x1xf32, #tpu.memory_space<vmem>>, vector<4096x1xf32>
    tpu.vector_store %arg5[%swap3A, %swap3A_29], %div3A_28 {strides = array<i32>} : memref<4096x1xf32, #tpu.memory_space<vmem>>, vector<4096x1xf32>,
    return
  }
}

</mosaic_0001>

<sc_bundles>
// kernel: kernel.5.cloned.1.call-start
scs
__scs_entry_jumppad:
0x0: {  	(pc) =	sbr.rel $0x88, $3  }
0x1: {  	(tag) =	ssettag $0x0;
	lr =	simm.s32 $0x1  }
0x2: {  	[smem:$0x3F9B] =	sst lr;
	_ =	strace $0xD0000000  }
0x3: {  	_ = 	snop  }
0x4: {  	_ = 	snop  }
0x5: {  	_ = 	snop  }
0x6: {  	_ = 	snop  }
0x7: {  	_ = 	snop  }
__scs_overlays_trampoline_lowered:
0x8: {  	[smem:$0x3FAA] =	sst s0  }
0x9: {  	[smem:$0x3FAB] =	sst s1  }
0xa: {  	[smem:$0x3FAC] =	sst s2  }
0xb: {  	[smem:$0x3FAD] =	sst s3  }
0xc: {  	[smem:$0x3FAE] =	sst s4  }
0xd: {  	[smem:$0x3FAF] =	sst s5  }
0xe: {  	[smem:$0x3FB0] =	sst s6  }
0xf: {  	[smem:$0x3FB1] =	sst s7  }
0x10: {  	[smem:$0x3FB2] =	sst s8  }
0x11: {  	[smem:$0x3FB3] =	sst s9;
	s0 =	simm.s32 @!p0 $0x0  }
0x12: {  	s1 =	sld [smem:$0x3F99];
	s0 =	simm.s32 @p0 $0x1  }
0x13: {  	[smem:$0x3FB4] =	sst s0;
	s0 =	simm.s32 @!p1 $0x0  }
0x14: {  	s2 =	sld [smem:$0x3F98];
	s0 =	simm.s32 @p1 $0x1  }
0x15: {  	[smem:$0x3FB5] =	sst s0;
	s0 =	simm.s32 @!p2 $0x0  }
0x16: {  	s3 =	sld [smem:$0x3FDB];
	s0 =	simm.s32 @p2 $0x1  }
0x17: {  	s4 =	simm.s32 $0x1BF5;
	[smem:$0x3FB7] =	sst s0  }
0x18: {  	s0 =	sld [smem:$0x3F9A];
	_ =	swait.ge [sflag:s4], $0x0  }
0x19: {  	s7 =	sld [smem:$0x3F9B]  }
0x1a: {  	s8 =	sadd.s32 $0xFFFFE003, lr  }
0x1b: {  	s9 =	sadd.s32 $0xFFFFFEF7, lr;
	s5 =	simm.s32 $0xFFFFFFFF;
	p2 =	slt.u32 s8, $0xFFFFF086  }
0x1c: {  	p1 =	slt.u32 s9, $0xF7A;
	s5 =	simm.s32 @!p2 $0x0  }
0x1d: {  	s5 =	simm.s32 @p1 $0x1;
	p0 =	seq.s32 s7, s2  }
0x1e: {  	s7 =	smul.u32 @!p0 $0xF7A, s2;
	p2 =	seq.s32 @!p0 s5, $0x0  }
0x1f: {  	s9 =	smul.u32 $0xF7A, s1;
	s8 =	simm.s32 @!p0 $0x1BF5;
	p2 =	por !p2, p0  }
0x20: {  	[sflag:s8] =	ssyncset.s32 @!p0 $0xFFFFF086;
	s6 =	sadd.s32 @!p0 s3, s7;
	s7 =	simm.s32 @!p0 $0x108  }
0x21: {  	s3 =	sadd.s32 s3, s9;
	s6 =	sadd.s32 @!p0 $0x88, s6;
	s7 =	simm.s32 @p2 $0x1082  }
0x22: {  	[simem:s7], [sflag:s8] =	dma.local @!p0 [hbm:s6], $0xF7A  }
0x23: {  	s9 =	sor.u32 $0xD0000000, s2;
	s6 =	simm.s32 $0x108;
	_ =	swait.ge @!p0 [sflag:s8], $0x0  }
0x24: {  	s3 =	sadd.s32 $0x88, s3;
	s6 =	simm.s32 @!p1 $0x1082;
	[sflag:s4] =	ssyncset.s32 $0xFFFFF086  }
0x25: {  	[simem:s6], [sflag:s4] =	dma.local [hbm:s3], $0xF7A  }
0x26: {  	[smem:$0x3F9B] =	sst s1;
	(tag) =	ssettag s2;
	_ =	strace s9  }
0x27: {  	s1 =	sld [smem:$0x3FAB]  }
0x28: {  	s2 =	sld [smem:$0x3FAC]  }
0x29: {  	s4 =	sld [smem:$0x3FAE]  }
0x2a: {  	p0 =	seq.s32 s5, $0x0;
	s5 =	sld [smem:$0x3FAF]  }
0x2b: {  	s6 =	sld [smem:$0x3FB0]  }
0x2c: {  	s7 =	sld [smem:$0x3FB1]  }
0x2d: {  	s3 =	simm.s32 $0x108;
	s8 =	sld [smem:$0x3FB2]  }
0x2e: {  	s3 =	simm.s32 @!p0 $0x1082;
	s9 =	sld [smem:$0x3FB3]  }
0x2f: {  	lr =	sadd.s32 s0, s3;
	s0 =	sld [smem:$0x3FAA]  }
0x30: {  	s3 =	sld [smem:$0x3FAD]  }
0x31: {  	[smem:$0x3FB6] =	sst s10  }
0x32: {  	s10 =	sld [smem:$0x3FB4];
	_ =	sdelay $0x3  }
0x33: {  	p0 =	seq.s32 s10, $0x1;
	s10 =	sld [smem:$0x3FB6];
	_ =	sdelay $0x3  }
0x34: {  	[smem:$0x3FB6] =	sst s10  }
0x35: {  	s10 =	sld [smem:$0x3FB5];
	_ =	sdelay $0x3  }
0x36: {  	p1 =	seq.s32 s10, $0x1;
	s10 =	sld [smem:$0x3FB6];
	_ =	sdelay $0x3  }
0x37: {  	[smem:$0x3FB6] =	sst s10  }
0x38: {  	s10 =	sld [smem:$0x3FB7]  }
0x39: {  	_ = 	snop;
	(pc) =	sbr.ind lr, $3  }
0x3a: {  	_ = 	snop  }
0x3b: {  	_ = 	snop  }
0x3c: {  	p2 =	seq.s32 s10, $0x1;
	s10 =	sld [smem:$0x3FB6]  }
0x3d: {  	_ =	shalt  }
0x3e: {  	_ =	shalt  }
0x3f: {  	_ =	shalt  }
0x40: {  	_ =	shalt  }
0x41: {  	_ =	shalt  }
0x42: {  	_ =	shalt  }
0x43: {  	_ =	shalt  }
0x44: {  	_ =	shalt  }
0x45: {  	_ =	shalt  }
0x46: {  	_ =	shalt  }
0x47: {  	_ =	shalt  }
0x48: {  	_ =	shalt  }
0x49: {  	_ =	shalt  }
0x4a: {  	_ =	shalt  }
0x4b: {  	_ =	shalt  }
0x4c: {  	_ =	shalt  }
0x4d: {  	_ =	shalt  }
0x4e: {  	_ =	shalt  }
0x4f: {  	_ =	shalt  }
0x50: {  	_ =	shalt  }
0x51: {  	_ =	shalt  }
0x52: {  	_ =	shalt  }
0x53: {  	_ =	shalt  }
0x54: {  	_ =	shalt  }
0x55: {  	_ =	shalt  }
0x56: {  	_ =	shalt  }
0x57: {  	_ =	shalt  }
0x58: {  	_ =	shalt  }
0x59: {  	_ =	shalt  }
0x5a: {  	_ =	shalt  }
0x5b: {  	_ =	shalt  }
0x5c: {  	_ =	shalt  }
0x5d: {  	_ =	shalt  }
0x5e: {  	_ =	shalt  }
0x5f: {  	_ =	shalt  }
0x60: {  	_ =	shalt  }
0x61: {  	_ =	shalt  }
0x62: {  	_ =	shalt  }
0x63: {  	_ =	shalt  }
0x64: {  	_ =	shalt  }
0x65: {  	_ =	shalt  }
0x66: {  	_ =	shalt  }
0x67: {  	_ =	shalt  }
0x68: {  	_ =	shalt  }
0x69: {  	_ =	shalt  }
0x6a: {  	_ =	shalt  }
0x6b: {  	_ =	shalt  }
0x6c: {  	_ =	shalt  }
0x6d: {  	_ =	shalt  }
0x6e: {  	_ =	shalt  }
0x6f: {  	_ =	shalt  }
0x70: {  	_ =	shalt  }
0x71: {  	_ =	shalt  }
0x72: {  	_ =	shalt  }
0x73: {  	_ =	shalt  }
0x74: {  	_ =	shalt  }
0x75: {  	_ =	shalt  }
0x76: {  	_ =	shalt  }
0x77: {  	_ =	shalt  }
0x78: {  	_ =	shalt  }
0x79: {  	_ =	shalt  }
0x7a: {  	_ =	shalt  }
0x7b: {  	_ =	shalt  }
0x7c: {  	_ =	shalt  }
0x7d: {  	_ =	shalt  }
0x7e: {  	_ =	shalt  }
0x7f: {  	_ =	shalt  }
0x80: {  	_ =	shalt  }
0x81: {  	_ =	shalt  }
0x82: {  	_ =	shalt  }
0x83: {  	_ =	shalt  }
0x84: {  	_ =	shalt  }
0x85: {  	_ =	shalt  }
0x86: {  	_ =	shalt  }
0x87: {  	_ =	shalt  }
.Lfunc_end0:
.L_simem_size_0:
called_computation_lowered:
.L_overlay_start_0:
0x88: {  	s2 =	sld [smem:$0x3FD9]  }
0x89: {  	s3 =	sld [smem:$0x3FFE];
	_ =	sdelay $0x1  }
0x8a: {  	s1 =	srdreg.scid  }
0x8b: {  	s0 =	sand.u32 $0x1, s1  }
0x8c: {  	s16 =	sshll.u32 s0, $0xA;
	s2 =	sadd.s32 s3, s2  }
0x8d: {  	s2 =	sadd.s32 s2, s16  }
0x8e: {  	[smem:$0x3FC2] =	sst s2  }
0x8f: {  	_ = 	snop  }
0x90: {  	(tm) =	ssettm $0x1  }
0x91: {  	s17 =	sld [smem:$0x3FFB];
	_ =	sdelay $0x3  }
0x92: {  	_ =	strace s17  }
0x93: {  	s2 =	sld [smem:$0x3FFC];
	_ =	sdelay $0x3  }
0x94: {  	_ =	strace s2  }
0x95: {  	s2 =	sld [smem:$0x3FFD];
	_ =	sdelay $0x3  }
0x96: {  	_ =	strace s2  }
0x97: {  	_ =	strace $0x8FFFFFFF  }
0x98: {  	s18 =	sld [smem:$0x3FDB];
	_ =	sdelay $0x1  }
0x99: {  	s19 =	simm.s32 $_scs_section_size  }
0x9a: {  	s4 =	simm.s32 $_size__tile_overlayer_lowered;
	s5 =	simm.s32 $_tile_overlayer_lowered  }
0x9b: {  	s22 =	simm.s32 $0x1BFF;
	s21 =	sshll.u32 s5, $0x1;
	s2 =	sadd.s32 s19, s18  }
0x9c: {  	s6 =	simm.s32 $0x0;
	s20 =	sshll.u32 s4, $0x1;
	s4 =	sadd.s32 s21, s2  }
0x9d: {  	[timem:s6], [sflag:s22] =	dma.local [hbm:s4], s20  }
0x9e: {  	_ =	swait.ge [sflag:s22], s20  }
0x9f: {  	s3 =	ssub.s32 $0x0, s20;
	[sflag:s22] =	ssyncset.done $0x0  }
0xa0: {  	[sflag:s22] =	ssyncadd.s32 s3;
	_ =	sdelay $0x1  }
0xa1: {  	s23 =	simm.s32 $0x1B8B  }
0xa2: {  	_ =	swait.ge [sflag:s23], $0x1  }
0xa3: {  	[sflag:s23] =	ssyncset.done $0x0  }
0xa4: {  	s25 =	simm.s32 $0x1B8E;
	s24 =	sld [smem:$0x3FFE];
	[sflag:s23] =	ssyncadd.s32 $0xFFFFFFFF  }
0xa5: {  	s26 =	simm.s32 $execute0_lowered;
	[smem:$0x3FD2] =	sst s25  }
0xa6: {  	s4 =	sshll.u32 s26, $0x1;
	_ =	strace $0x80000046;
	[dreg:$0x1] =	wrdreg $0xFFFFFFFF  }
0xa7: {  	s28 =	simm.s32 $_size_execute0_lowered;
	s2 =	sadd.s32 s2, s4;
	[dreg:$0x0] =	wrdreg $0x0  }
0xa8: {  	s4 =	sshll.u32 s28, $0x1;
	[dreg:$0x2] =	wrdreg s2  }
0xa9: {  	[dreg:$0x3] =	wrdreg s4  }
0xaa: {  	[dreg:$0x4] =	wrdreg $0xC0  }
0xab: {  	_ =	task [dreg:s6], $0x5FFFF  }
0xac: {  	[dreg:$0x1] =	wrdreg $0xFFFFFFFF  }
0xad: {  	[dreg:$0x0] =	wrdreg $0x60  }
0xae: {  	[dreg:$0x2] =	wrdreg s24  }
0xaf: {  	[dreg:$0x3] =	wrdreg $0x9  }
0xb0: {  	_ =	task.clear_ibuf [dreg:s6], $0x4FFFF;
	_ =	strace $0x90000046  }
0xb1: {  	s29 =	simm.s32 $0x9;
	_ =	strace $0x80000048  }
0xb2: {  	_ =	swait.ge [sflag:s29], $0x1  }
0xb3: {  	[sflag:s29] =	ssyncadd.s32 $0xFFFFFFFF  }
0xb4: {  	_ =	strace $0x90000048  }
0xb5: {  	_ =	sfence  }
0xb6: {  	s30 =	sld [smem:$0x0];
	_ =	sdelay $0x2  }
0xb7: {  	s31 =	sshll.u32 s1, $0xD;
	s1 =	sshrl.u32 s1, $0x2  }
0xb8: {  	s3 =	sand.u32 $0x4000, s31;
	s1 =	sadd.s32 s1, s30  }
0xb9: {  	s0 =	sor.u32 s3, s0;
	s1 =	sshll.u32 s1, $0x11  }
0xba: {  	s0 =	sor.u32 s1, s0  }
0xbb: {  	s0 =	sadd.s32 $0x8F2B, s0  }
0xbc: {  	[sflag:s0] =	ssyncadd.remote.s32 $0x1  }
0xbd: {  	_ =	sfence.sel $0xFFFF  }
0xbe: {  	[dreg:$0x0] =	wrdreg $0xFFFFFFFF;
	(pc) =	sbr.abs _section_cstart, $3  }
0xbf: {  	[dreg:$0x1] =	wrdreg $0xFFFFFFFF  }
0xc0: {  	_ =	task.clear_ibuf [dreg:s6], $0x2FFFF;
	_ =	strace $0x9FFFFFFF  }
0xc1: {  	(tm) =	ssettm $0x7FFFFFFF  }
tec
execute0_lowered:
.L_overlay_start_1:
0x0: {  	(tag) =	ssettag $0x1  }
0x1: {  	s0 =	srdreg.scid;
	s2 =	stileid.u32  }
0x2: {  	s1 =	rddreg [dreg:$0x0];
	s7 =	simm.s32 $0x9;
	s8 =	simm.s32 $0x68  }
0x3: {  	s9 =	simm.s32 $0x6800;
	s10 =	simm.s32 $0x7500;
	s12 =	simm.s32 $0x8200  }
0x4: {  	s14 =	simm.s32 $0x8F00;
	s16 =	simm.s32 $0x9C00;
	s18 =	simm.s32 $0xA900  }
0x5: {  	s20 =	simm.s32 $0xB600;
	s22 =	simm.s32 $0xC300;
	s23 =	simm.s32 $0x1  }
0x6: {  	s24 =	simm.s32 $0x2;
	s25 =	simm.s32 $0x3;
	s28 =	simm.s32 $0x5  }
0x7: {  	s29 =	simm.s32 $0x6;
	s30 =	simm.s32 $0x7;
	s31 =	simm.s32 $0x8  }
0x8: {  	s0 =	sand.u32 $0x1, s0;
	s3 =	sshll.u32 s2, $0x8;
	s2 =	simm.s32 $0x0  }
0x9: {  	s4 =	sshll.u32 s0, $0x7;
	[smem:$0x7FF] =	sst s2;
	s0 =	ssub.s32 $0x2, s0  }
0xa: {  	s3 =	sor.u32 s4, s3;
	_ =	strace $0x80000047;
	s26 =	sshrl.u32 s0, $0x1  }
0xb: {  	s4 =	smul.u32 $0x1A, s3;
	s5 =	sshll.u32 s3, $0x2;
	s0 =	ssub.s32 s0, s26  }
0xc: {  	s3 =	sadd.s32 $0x1AA00, s1;
	s26 =	simm.s32 $0x4;
	s6 =	smax.u32 s0, $0x1  }
0xd: {  	s0 =	simm.s32 $0x0;
	s4 =	sadd.s32 s4, s1;
	s1 =	sadd.s32 s5, s1  }
0xe: {  	s4 =	sadd.s32 $0xA00, s4;
	s5 =	sadd.s32 $0x3FAA00, s1;
	s1 =	simm.s32 $0xD000  }
.LBB2_1:
0xf: {  	[tilespmem:s2], [sflag:$0x9] =	stream.linear.gather [hbm4b:s4+s2], $0x6800, $0x38;
	[tilespmem:$0xE000] =	vst v63  }
0x10: {  	_ =	swait.ge [sflag:s7], $0x6800  }
0x11: {  	[sflag:s7] =	ssyncset.done $0x0  }
0x12: {  	[sflag:s7] =	ssyncadd.s32 $0xFFFF9800  }
0x13: {  	[tilespmem:s9], [sflag:$0x1] =	stream.indirect.gather [hbm4b:s3+s8], $0x20, s2, s8, $0xb8;
	[tilespmem:$0xE000] =	vst v63  }
0x14: {  	_ = 	snop  }
0x15: {  	[tilespmem:s10], [sflag:$0x2] =	stream.indirect.gather [hbm4b:s3+s8], $0x20, s8, s8, $0xb8;
	[tilespmem:$0xE000] =	vst v63  }
0x16: {  	s11 =	simm.s32 $0xD0  }
0x17: {  	[tilespmem:s12], [sflag:$0x3] =	stream.indirect.gather [hbm4b:s3+s8], $0x20, s11, s8, $0xb8;
	[tilespmem:$0xE000] =	vst v63  }
0x18: {  	s13 =	simm.s32 $0x138  }
0x19: {  	[tilespmem:s14], [sflag:$0x4] =	stream.indirect.gather [hbm4b:s3+s8], $0x20, s13, s8, $0xb8;
	[tilespmem:$0xE000] =	vst v63  }
0x1a: {  	s15 =	simm.s32 $0x1A0  }
0x1b: {  	[tilespmem:s16], [sflag:$0x5] =	stream.indirect.gather [hbm4b:s3+s8], $0x20, s15, s8, $0xb8;
	[tilespmem:$0xE000] =	vst v63  }
0x1c: {  	s17 =	simm.s32 $0x208  }
0x1d: {  	[tilespmem:s18], [sflag:$0x6] =	stream.indirect.gather [hbm4b:s3+s8], $0x20, s17, s8, $0xb8;
	[tilespmem:$0xE000] =	vst v63  }
0x1e: {  	s19 =	simm.s32 $0x270  }
0x1f: {  	[tilespmem:s20], [sflag:$0x7] =	stream.indirect.gather [hbm4b:s3+s8], $0x20, s19, s8, $0xb8;
	[tilespmem:$0xE000] =	vst v63  }
0x20: {  	s21 =	simm.s32 $0x2D8;
	s11 =	simm.s32 $0x0  }
0x21: {  	[tilespmem:s22], [sflag:$0x8] =	stream.indirect.gather [hbm4b:s3+s8], $0x20, s21, s8, $0xb8;
	[tilespmem:$0xE000] =	vst v63  }
.LBB2_2:
0x22: {  	_ =	swait.ge [sflag:s23], $0xD00  }
0x23: {  	[sflag:s23] =	ssyncset.done $0x0  }
0x24: {  	s15 =	simm.s32 $0x6880;
	[sflag:s23] =	ssyncadd.s32 $0xFFFFF300  }
0x25: {  	v0 =	vld [tilespmem:s15+$0x60]  }
0x26: {  	v3 =	vld [tilespmem:s15+$0x40]  }
0x27: {  	v1 =	vld [tilespmem:s15+$0x20]  }
0x28: {  	v4 =	vld [tilespmem:s15+$0x0]  }
0x29: {  	v8 =	vld [tilespmem:s15+$0xFFFFFFE0]  }
0x2a: {  	v2 =	vld [tilespmem:s15+$0xFFFFFFC0]  }
0x2b: {  	v5 =	vld [tilespmem:s15+$0xFFFFFFA0]  }
0x2c: {  	v6 =	vld [tilespmem:s15+$0xFFFFFF80]  }
0x2d: {  	v7 =	vld [tilespmem:s15+$0xFFFFFF90]  }
0x2e: {  	v9 =	vld [tilespmem:s15+$0xFFFFFFB0]  }
0x2f: {  	v13 =	vld [tilespmem:s15+$0xFFFFFFD0]  }
0x30: {  	v14 =	vld [tilespmem:s15+$0xFFFFFFF0]  }
0x31: {  	v11 =	vimm.f32 $-Inf;
	v10 =	vld [tilespmem:s15+$0x10]  }
0x32: {  	v6 =	vmax.f32 v11, v6;
	v7 =	vmax.f32 v11, v7;
	v11 =	vld [tilespmem:s15+$0x30]  }
0x33: {  	v12 =	vld [tilespmem:s15+$0x50];
	v5 =	vmax.f32 v6, v5;
	v6 =	vmax.f32 v7, v9  }
0x34: {  	s13 =	simm.s32 $0x0;
	v15 =	vmax.f32 v5, v2;
	v16 =	vmax.f32 v6, v13;
	v13 =	vld [tilespmem:s15+$0x70];
	s15 =	simm.s32 $0x6980  }
.LBB2_3:
0x35: {  	v2 =	vld [tilespmem:s15+$0x60];
	v5 =	vmax.f32 v15, v8;
	v6 =	vmax.f32 v16, v14  }
0x36: {  	v7 =	vld [tilespmem:s15+$0x40];
	v4 =	vmax.f32 v5, v4;
	v5 =	vmax.f32 v6, v10  }
0x37: {  	v6 =	vmax.f32 v4, v1;
	v1 =	vld [tilespmem:s15+$0x20];
	v5 =	vmax.f32 v5, v11  }
0x38: {  	v4 =	vld [tilespmem:s15+$0x0];
	v3 =	vmax.f32 v6, v3;
	v5 =	vmax.f32 v5, v12  }
0x39: {  	v8 =	vld [tilespmem:s15+$0xFFFFFFE0];
	v6 =	vmax.f32 v3, v0;
	v5 =	vmax.f32 v5, v13  }
0x3a: {  	v9 =	vld [tilespmem:s15+$0xFFFFFFC0];
	v0 =	vmov v2  }
0x3b: {  	v2 =	vld [tilespmem:s15+$0xFFFFFFA0];
	v3 =	vmov v7  }
0x3c: {  	v7 =	vld [tilespmem:s15+$0xFFFFFF80]  }
0x3d: {  	s13 =	sadd.s32 $0x8, s13;
	v11 =	vld [tilespmem:s15+$0xFFFFFF90]  }
0x3e: {  	p0 =	slt.u32 s13, $0x60;
	v12 =	vld [tilespmem:s15+$0xFFFFFFB0]  }
0x3f: {  	v13 =	vld [tilespmem:s15+$0xFFFFFFD0]  }
.Ltmp0:
0x40: {  	v14 =	vld [tilespmem:s15+$0xFFFFFFF0];
	(pc) =	sbr.rel @p0 .LBB2_3-.Ltmp0, $4  }
0x41: {  	v10 =	vld [tilespmem:s15+$0x10]  }
0x42: {  	v6 =	vmax.f32 v6, v7;
	v5 =	vmax.f32 v5, v11;
	v11 =	vld [tilespmem:s15+$0x30]  }
0x43: {  	v2 =	vmax.f32 v6, v2;
	v5 =	vmax.f32 v5, v12;
	v12 =	vld [tilespmem:s15+$0x50]  }
0x44: {  	v15 =	vmax.f32 v2, v9;
	v16 =	vmax.f32 v5, v13;
	v13 =	vld [tilespmem:s15+$0x70];
	s15 =	sadd.s32 $0x100, s15  }
0x45: {  	s15 =	sshll.u32 s11, $0x2  }
0x46: {  	s13 =	sadd.s32 $0x4, s15  }
0x47: {  	s13 =	sand.u32 $0x7C, s13  }
0x48: {  	s13 =	smul.u32 $0x340, s13;
	_ =	sdelay $0x1  }
0x49: {  	s13 =	sshrl.u32 s13, $0x2  }
0x4a: {  	[tilespmem:s9], [sflag:$0x1] =	stream.indirect.gather [hbm4b:s3+s8], $0x20, s13, s8, $0xb8;
	[tilespmem:$0xE000] =	vst v63  }
0x4b: {  	_ =	swait.ge [sflag:s24], $0xD00  }
0x4c: {  	[sflag:s24] =	ssyncset.done $0x0  }
0x4d: {  	s19 =	simm.s32 $0x75F0;
	[sflag:s24] =	ssyncadd.s32 $0xFFFFF300  }
0x4e: {  	v2 =	vld [tilespmem:s19+$0xFFFFFFF0]  }
0x4f: {  	v6 =	vld [tilespmem:s19+$0xFFFFFFD0]  }
0x50: {  	v5 =	vld [tilespmem:s19+$0xFFFFFFB0]  }
0x51: {  	v7 =	vld [tilespmem:s19+$0xFFFFFF90]  }
0x52: {  	v9 =	vld [tilespmem:s19+$0xFFFFFF70]  }
0x53: {  	v17 =	vld [tilespmem:s19+$0xFFFFFF50]  }
0x54: {  	v18 =	vld [tilespmem:s19+$0xFFFFFF30]  }
0x55: {  	v19 =	vld [tilespmem:s19+$0xFFFFFF10]  }
0x56: {  	v8 =	vmax.f32 v15, v8;
	v14 =	vmax.f32 v16, v14;
	v62 =	vld [tilespmem:s19+$0xFFFFFF20]  }
0x57: {  	v4 =	vmax.f32 v8, v4;
	v8 =	vmax.f32 v14, v10;
	v10 =	vld [tilespmem:s19+$0xFFFFFF40]  }
0x58: {  	v1 =	vmax.f32 v4, v1;
	v4 =	vmax.f32 v8, v11;
	v11 =	vld [tilespmem:s19+$0xFFFFFF60]  }
0x59: {  	v1 =	vmax.f32 v1, v3;
	v3 =	vmax.f32 v4, v12;
	v8 =	vld [tilespmem:s19+$0xFFFFFF80]  }
0x5a: {  	v1 =	vmax.f32 v1, v0;
	v3 =	vmax.f32 v3, v13;
	v0 =	vld [tilespmem:s19+$0xFFFFFFA0]  }
0x5b: {  	v4 =	vmax.f32 v1, v19;
	v3 =	vmax.f32 v3, v62;
	v1 =	vld [tilespmem:s19+$0xFFFFFFC0]  }
0x5c: {  	v4 =	vmax.f32 v4, v18;
	v63 =	vmax.f32 v3, v10;
	v3 =	vld [tilespmem:s19+$0xFFFFFFE0]  }
0x5d: {  	s17 =	simm.s32 $0x0;
	v10 =	vmax.f32 v4, v17;
	v11 =	vmax.f32 v63, v11;
	v4 =	vld [tilespmem:s19+$0x0];
	s19 =	simm.s32 $0x76F0  }
.LBB2_5:
0x5e: {  	v12 =	vld [tilespmem:s19+$0xFFFFFFF0];
	v9 =	vmax.f32 v10, v9;
	v8 =	vmax.f32 v11, v8  }
0x5f: {  	v10 =	vld [tilespmem:s19+$0xFFFFFFD0];
	v7 =	vmax.f32 v9, v7;
	v0 =	vmax.f32 v8, v0  }
0x60: {  	v8 =	vmax.f32 v7, v5;
	v5 =	vld [tilespmem:s19+$0xFFFFFFB0];
	v0 =	vmax.f32 v0, v1  }
0x61: {  	v7 =	vld [tilespmem:s19+$0xFFFFFF90];
	v1 =	vmax.f32 v8, v6;
	v0 =	vmax.f32 v0, v3  }
0x62: {  	v9 =	vld [tilespmem:s19+$0xFFFFFF70];
	v1 =	vmax.f32 v1, v2;
	v3 =	vmax.f32 v0, v4  }
0x63: {  	v4 =	vld [tilespmem:s19+$0xFFFFFF50];
	v2 =	vmov v12  }
0x64: {  	v11 =	vld [tilespmem:s19+$0xFFFFFF30];
	v6 =	vmov v10  }
0x65: {  	v10 =	vld [tilespmem:s19+$0xFFFFFF10]  }
0x66: {  	s17 =	sadd.s32 $0x8, s17;
	v12 =	vld [tilespmem:s19+$0xFFFFFF20]  }
0x67: {  	p0 =	slt.u32 s17, $0x60;
	v13 =	vld [tilespmem:s19+$0xFFFFFF40]  }
0x68: {  	v14 =	vld [tilespmem:s19+$0xFFFFFF60]  }
.Ltmp1:
0x69: {  	v8 =	vld [tilespmem:s19+$0xFFFFFF80];
	(pc) =	sbr.rel @p0 .LBB2_5-.Ltmp1, $4  }
0x6a: {  	v0 =	vld [tilespmem:s19+$0xFFFFFFA0]  }
0x6b: {  	v10 =	vmax.f32 v1, v10;
	v3 =	vmax.f32 v3, v12;
	v1 =	vld [tilespmem:s19+$0xFFFFFFC0]  }
0x6c: {  	v10 =	vmax.f32 v10, v11;
	v11 =	vmax.f32 v3, v13;
	v3 =	vld [tilespmem:s19+$0xFFFFFFE0]  }
0x6d: {  	v10 =	vmax.f32 v10, v4;
	v11 =	vmax.f32 v11, v14;
	v4 =	vld [tilespmem:s19+$0x0];
	s19 =	sadd.s32 $0x100, s19  }
0x6e: {  	v9 =	vmax.f32 v10, v9  }
0x6f: {  	v8 =	vmax.f32 v11, v8;
	v7 =	vmax.f32 v9, v7  }
0x70: {  	s13 =	sadd.s32 $0x68, s13;
	s21 =	sshll.u32 s11, $0x7;
	v0 =	vmax.f32 v8, v0;
	v5 =	vmax.f32 v7, v5  }
0x71: {  	[tilespmem:s10], [sflag:$0x2] =	stream.indirect.gather [hbm4b:s3+s8], $0x20, s13, s8, $0xb8;
	v0 =	vmax.f32 v0, v1;
	v1 =	vmax.f32 v5, v6;
	[tilespmem:$0xE000] =	vst v63  }
0x72: {  	s13 =	sand.u32 $0x3FFFFF80, s21;
	v0 =	vmax.f32 v0, v3;
	v1 =	vmax.f32 v1, v2  }
0x73: {  	v0 =	vmax.f32 v0, v4;
	[tilespmem:s13+$0xD000] =	vst v1  }
0x74: {  	[tilespmem:s13+$0xD010] =	vst v0  }
0x75: {  	_ =	swait.ge [sflag:s25], $0xD00  }
0x76: {  	[sflag:s25] =	ssyncset.done $0x0  }
0x77: {  	s19 =	simm.s32 $0x82F0;
	[sflag:s25] =	ssyncadd.s32 $0xFFFFF300  }
0x78: {  	v0 =	vld [tilespmem:s19+$0xFFFFFFF0]  }
0x79: {  	v2 =	vld [tilespmem:s19+$0xFFFFFFD0]  }
0x7a: {  	v1 =	vld [tilespmem:s19+$0xFFFFFFB0]  }
0x7b: {  	v4 =	vld [tilespmem:s19+$0xFFFFFF90]  }
0x7c: {  	v8 =	vld [tilespmem:s19+$0xFFFFFF70]  }
0x7d: {  	v3 =	vld [tilespmem:s19+$0xFFFFFF50]  }
0x7e: {  	v5 =	vld [tilespmem:s19+$0xFFFFFF30]  }
0x7f: {  	v6 =	vld [tilespmem:s19+$0xFFFFFF10]  }
0x80: {  	v7 =	vld [tilespmem:s19+$0xFFFFFF20]  }
0x81: {  	v9 =	vld [tilespmem:s19+$0xFFFFFF40]  }
0x82: {  	v13 =	vld [tilespmem:s19+$0xFFFFFF60]  }
0x83: {  	v14 =	vld [tilespmem:s19+$0xFFFFFF80]  }
0x84: {  	v11 =	vimm.f32 $-Inf;
	v10 =	vld [tilespmem:s19+$0xFFFFFFA0]  }
0x85: {  	v6 =	vmax.f32 v11, v6;
	v7 =	vmax.f32 v11, v7;
	v11 =	vld [tilespmem:s19+$0xFFFFFFC0]  }
0x86: {  	v12 =	vld [tilespmem:s19+$0xFFFFFFE0];
	v5 =	vmax.f32 v6, v5;
	v6 =	vmax.f32 v7, v9  }
0x87: {  	s17 =	simm.s32 $0x0;
	v15 =	vmax.f32 v5, v3;
	v16 =	vmax.f32 v6, v13;
	v13 =	vld [tilespmem:s19+$0x0];
	s19 =	simm.s32 $0x83F0  }
.LBB2_7:
0x88: {  	v3 =	vld [tilespmem:s19+$0xFFFFFFF0];
	v5 =	vmax.f32 v15, v8;
	v6 =	vmax.f32 v16, v14  }
0x89: {  	v7 =	vld [tilespmem:s19+$0xFFFFFFD0];
	v4 =	vmax.f32 v5, v4;
	v5 =	vmax.f32 v6, v10  }
0x8a: {  	v6 =	vmax.f32 v4, v1;
	v1 =	vld [tilespmem:s19+$0xFFFFFFB0];
	v5 =	vmax.f32 v5, v11  }
0x8b: {  	v4 =	vld [tilespmem:s19+$0xFFFFFF90];
	v2 =	vmax.f32 v6, v2;
	v5 =	vmax.f32 v5, v12  }
0x8c: {  	v8 =	vld [tilespmem:s19+$0xFFFFFF70];
	v6 =	vmax.f32 v2, v0;
	v5 =	vmax.f32 v5, v13  }
0x8d: {  	v9 =	vld [tilespmem:s19+$0xFFFFFF50];
	v0 =	vmov v3  }
0x8e: {  	v3 =	vld [tilespmem:s19+$0xFFFFFF30];
	v2 =	vmov v7  }
0x8f: {  	v7 =	vld [tilespmem:s19+$0xFFFFFF10]  }
0x90: {  	s17 =	sadd.s32 $0x8, s17;
	v11 =	vld [tilespmem:s19+$0xFFFFFF20]  }
0x91: {  	p0 =	slt.u32 s17, $0x60;
	v12 =	vld [tilespmem:s19+$0xFFFFFF40]  }
0x92: {  	v13 =	vld [tilespmem:s19+$0xFFFFFF60]  }
.Ltmp2:
0x93: {  	v14 =	vld [tilespmem:s19+$0xFFFFFF80];
	(pc) =	sbr.rel @p0 .LBB2_7-.Ltmp2, $4  }
0x94: {  	v10 =	vld [tilespmem:s19+$0xFFFFFFA0]  }
0x95: {  	v6 =	vmax.f32 v6, v7;
	v5 =	vmax.f32 v5, v11;
	v11 =	vld [tilespmem:s19+$0xFFFFFFC0]  }
0x96: {  	v3 =	vmax.f32 v6, v3;
	v5 =	vmax.f32 v5, v12;
	v12 =	vld [tilespmem:s19+$0xFFFFFFE0]  }
0x97: {  	v15 =	vmax.f32 v3, v9;
	v16 =	vmax.f32 v5, v13;
	v13 =	vld [tilespmem:s19+$0x0];
	s19 =	sadd.s32 $0x100, s19  }
0x98: {  	s17 =	sadd.s32 $0x5, s15  }
0x99: {  	s17 =	sand.u32 $0x7D, s17  }
0x9a: {  	s17 =	smul.u32 $0x340, s17;
	_ =	sdelay $0x1  }
0x9b: {  	s17 =	sshrl.u32 s17, $0x2  }
0x9c: {  	[tilespmem:s12], [sflag:$0x3] =	stream.indirect.gather [hbm4b:s3+s8], $0x20, s17, s8, $0xb8;
	[tilespmem:$0xE000] =	vst v63  }
0x9d: {  	_ =	swait.ge [sflag:s26], $0xD00  }
0x9e: {  	[sflag:s26] =	ssyncset.done $0x0  }
0x9f: {  	s21 =	simm.s32 $0x8FF0;
	[sflag:s26] =	ssyncadd.s32 $0xFFFFF300  }
0xa0: {  	v3 =	vld [tilespmem:s21+$0xFFFFFFF0]  }
0xa1: {  	v6 =	vld [tilespmem:s21+$0xFFFFFFD0]  }
0xa2: {  	v5 =	vld [tilespmem:s21+$0xFFFFFFB0]  }
0xa3: {  	v7 =	vld [tilespmem:s21+$0xFFFFFF90]  }
0xa4: {  	v9 =	vld [tilespmem:s21+$0xFFFFFF70]  }
0xa5: {  	v17 =	vld [tilespmem:s21+$0xFFFFFF50]  }
0xa6: {  	v18 =	vld [tilespmem:s21+$0xFFFFFF30]  }
0xa7: {  	v19 =	vld [tilespmem:s21+$0xFFFFFF10]  }
0xa8: {  	v8 =	vmax.f32 v15, v8;
	v14 =	vmax.f32 v16, v14;
	v62 =	vld [tilespmem:s21+$0xFFFFFF20]  }
0xa9: {  	v4 =	vmax.f32 v8, v4;
	v8 =	vmax.f32 v14, v10;
	v10 =	vld [tilespmem:s21+$0xFFFFFF40]  }
0xaa: {  	v1 =	vmax.f32 v4, v1;
	v4 =	vmax.f32 v8, v11;
	v8 =	vld [tilespmem:s21+$0xFFFFFF60]  }
0xab: {  	v2 =	vmax.f32 v1, v2;
	v4 =	vmax.f32 v4, v12;
	v1 =	vld [tilespmem:s21+$0xFFFFFF80]  }
0xac: {  	v2 =	vmax.f32 v2, v0;
	v4 =	vmax.f32 v4, v13;
	v0 =	vld [tilespmem:s21+$0xFFFFFFA0]  }
0xad: {  	v11 =	vmax.f32 v2, v19;
	v4 =	vmax.f32 v4, v62;
	v2 =	vld [tilespmem:s21+$0xFFFFFFC0]  }
0xae: {  	v11 =	vmax.f32 v11, v18;
	v63 =	vmax.f32 v4, v10;
	v4 =	vld [tilespmem:s21+$0xFFFFFFE0]  }
0xaf: {  	s19 =	simm.s32 $0x0;
	v10 =	vmax.f32 v11, v17;
	v11 =	vmax.f32 v63, v8;
	v8 =	vld [tilespmem:s21+$0x0];
	s21 =	simm.s32 $0x90F0  }
.LBB2_9:
0xb0: {  	v12 =	vld [tilespmem:s21+$0xFFFFFFF0];
	v9 =	vmax.f32 v10, v9;
	v1 =	vmax.f32 v11, v1  }
0xb1: {  	v10 =	vld [tilespmem:s21+$0xFFFFFFD0];
	v7 =	vmax.f32 v9, v7;
	v0 =	vmax.f32 v1, v0  }
0xb2: {  	v1 =	vmax.f32 v7, v5;
	v5 =	vld [tilespmem:s21+$0xFFFFFFB0];
	v0 =	vmax.f32 v0, v2  }
0xb3: {  	v7 =	vld [tilespmem:s21+$0xFFFFFF90];
	v1 =	vmax.f32 v1, v6;
	v0 =	vmax.f32 v0, v4  }
0xb4: {  	v9 =	vld [tilespmem:s21+$0xFFFFFF70];
	v2 =	vmax.f32 v1, v3;
	v4 =	vmax.f32 v0, v8  }
0xb5: {  	v8 =	vld [tilespmem:s21+$0xFFFFFF50];
	v3 =	vmov v12  }
0xb6: {  	v11 =	vld [tilespmem:s21+$0xFFFFFF30];
	v6 =	vmov v10  }
0xb7: {  	v10 =	vld [tilespmem:s21+$0xFFFFFF10]  }
0xb8: {  	s19 =	sadd.s32 $0x8, s19;
	v12 =	vld [tilespmem:s21+$0xFFFFFF20]  }
0xb9: {  	p0 =	slt.u32 s19, $0x60;
	v13 =	vld [tilespmem:s21+$0xFFFFFF40]  }
0xba: {  	v14 =	vld [tilespmem:s21+$0xFFFFFF60]  }
.Ltmp3:
0xbb: {  	v1 =	vld [tilespmem:s21+$0xFFFFFF80];
	(pc) =	sbr.rel @p0 .LBB2_9-.Ltmp3, $4  }
0xbc: {  	v0 =	vld [tilespmem:s21+$0xFFFFFFA0]  }
0xbd: {  	v10 =	vmax.f32 v2, v10;
	v4 =	vmax.f32 v4, v12;
	v2 =	vld [tilespmem:s21+$0xFFFFFFC0]  }
0xbe: {  	v10 =	vmax.f32 v10, v11;
	v11 =	vmax.f32 v4, v13;
	v4 =	vld [tilespmem:s21+$0xFFFFFFE0]  }
0xbf: {  	v10 =	vmax.f32 v10, v8;
	v11 =	vmax.f32 v11, v14;
	v8 =	vld [tilespmem:s21+$0x0];
	s21 =	sadd.s32 $0x100, s21  }
0xc0: {  	v9 =	vmax.f32 v10, v9  }
0xc1: {  	v1 =	vmax.f32 v11, v1;
	v7 =	vmax.f32 v9, v7  }
0xc2: {  	v0 =	vmax.f32 v1, v0;
	v1 =	vmax.f32 v7, v5  }
0xc3: {  	s17 =	sadd.s32 $0x68, s17;
	v0 =	vmax.f32 v0, v2;
	v1 =	vmax.f32 v1, v6  }
0xc4: {  	[tilespmem:s14], [sflag:$0x4] =	stream.indirect.gather [hbm4b:s3+s8], $0x20, s17, s8, $0xb8;
	v0 =	vmax.f32 v0, v4;
	v1 =	vmax.f32 v1, v3;
	[tilespmem:$0xE000] =	vst v63  }
0xc5: {  	v0 =	vmax.f32 v0, v8;
	[tilespmem:s13+$0xD020] =	vst v1  }
0xc6: {  	[tilespmem:s13+$0xD030] =	vst v0  }
0xc7: {  	_ =	swait.ge [sflag:s28], $0xD00  }
0xc8: {  	[sflag:s28] =	ssyncset.done $0x0  }
0xc9: {  	s19 =	simm.s32 $0x9CF0;
	[sflag:s28] =	ssyncadd.s32 $0xFFFFF300  }
0xca: {  	v0 =	vld [tilespmem:s19+$0xFFFFFFF0]  }
0xcb: {  	v2 =	vld [tilespmem:s19+$0xFFFFFFD0]  }
0xcc: {  	v1 =	vld [tilespmem:s19+$0xFFFFFFB0]  }
0xcd: {  	v4 =	vld [tilespmem:s19+$0xFFFFFF90]  }
0xce: {  	v8 =	vld [tilespmem:s19+$0xFFFFFF70]  }
0xcf: {  	v3 =	vld [tilespmem:s19+$0xFFFFFF50]  }
0xd0: {  	v5 =	vld [tilespmem:s19+$0xFFFFFF30]  }
0xd1: {  	v6 =	vld [tilespmem:s19+$0xFFFFFF10]  }
0xd2: {  	v7 =	vld [tilespmem:s19+$0xFFFFFF20]  }
0xd3: {  	v9 =	vld [tilespmem:s19+$0xFFFFFF40]  }
0xd4: {  	v13 =	vld [tilespmem:s19+$0xFFFFFF60]  }
0xd5: {  	v14 =	vld [tilespmem:s19+$0xFFFFFF80]  }
0xd6: {  	v11 =	vimm.f32 $-Inf;
	v10 =	vld [tilespmem:s19+$0xFFFFFFA0]  }
0xd7: {  	v6 =	vmax.f32 v11, v6;
	v7 =	vmax.f32 v11, v7;
	v11 =	vld [tilespmem:s19+$0xFFFFFFC0]  }
0xd8: {  	v12 =	vld [tilespmem:s19+$0xFFFFFFE0];
	v5 =	vmax.f32 v6, v5;
	v6 =	vmax.f32 v7, v9  }
0xd9: {  	s17 =	simm.s32 $0x0;
	v15 =	vmax.f32 v5, v3;
	v16 =	vmax.f32 v6, v13;
	v13 =	vld [tilespmem:s19+$0x0];
	s19 =	simm.s32 $0x9DF0  }
.LBB2_11:
0xda: {  	v3 =	vld [tilespmem:s19+$0xFFFFFFF0];
	v5 =	vmax.f32 v15, v8;
	v6 =	vmax.f32 v16, v14  }
0xdb: {  	v7 =	vld [tilespmem:s19+$0xFFFFFFD0];
	v4 =	vmax.f32 v5, v4;
	v5 =	vmax.f32 v6, v10  }
0xdc: {  	v6 =	vmax.f32 v4, v1;
	v1 =	vld [tilespmem:s19+$0xFFFFFFB0];
	v5 =	vmax.f32 v5, v11  }
0xdd: {  	v4 =	vld [tilespmem:s19+$0xFFFFFF90];
	v2 =	vmax.f32 v6, v2;
	v5 =	vmax.f32 v5, v12  }
0xde: {  	v8 =	vld [tilespmem:s19+$0xFFFFFF70];
	v6 =	vmax.f32 v2, v0;
	v5 =	vmax.f32 v5, v13  }
0xdf: {  	v9 =	vld [tilespmem:s19+$0xFFFFFF50];
	v0 =	vmov v3  }
0xe0: {  	v3 =	vld [tilespmem:s19+$0xFFFFFF30];
	v2 =	vmov v7  }
0xe1: {  	v7 =	vld [tilespmem:s19+$0xFFFFFF10]  }
0xe2: {  	s17 =	sadd.s32 $0x8, s17;
	v11 =	vld [tilespmem:s19+$0xFFFFFF20]  }
0xe3: {  	p0 =	slt.u32 s17, $0x60;
	v12 =	vld [tilespmem:s19+$0xFFFFFF40]  }
0xe4: {  	v13 =	vld [tilespmem:s19+$0xFFFFFF60]  }
.Ltmp4:
0xe5: {  	v14 =	vld [tilespmem:s19+$0xFFFFFF80];
	(pc) =	sbr.rel @p0 .LBB2_11-.Ltmp4, $4  }
0xe6: {  	v10 =	vld [tilespmem:s19+$0xFFFFFFA0]  }
0xe7: {  	v6 =	vmax.f32 v6, v7;
	v5 =	vmax.f32 v5, v11;
	v11 =	vld [tilespmem:s19+$0xFFFFFFC0]  }
0xe8: {  	v3 =	vmax.f32 v6, v3;
	v5 =	vmax.f32 v5, v12;
	v12 =	vld [tilespmem:s19+$0xFFFFFFE0]  }
0xe9: {  	v15 =	vmax.f32 v3, v9;
	v16 =	vmax.f32 v5, v13;
	v13 =	vld [tilespmem:s19+$0x0];
	s19 =	sadd.s32 $0x100, s19  }
0xea: {  	s17 =	sadd.s32 $0x6, s15  }
0xeb: {  	s17 =	sand.u32 $0x7E, s17  }
0xec: {  	s17 =	smul.u32 $0x340, s17;
	_ =	sdelay $0x1  }
0xed: {  	s17 =	sshrl.u32 s17, $0x2  }
0xee: {  	[tilespmem:s16], [sflag:$0x5] =	stream.indirect.gather [hbm4b:s3+s8], $0x20, s17, s8, $0xb8;
	[tilespmem:$0xE000] =	vst v63  }
0xef: {  	_ =	swait.ge [sflag:s29], $0xD00  }
0xf0: {  	[sflag:s29] =	ssyncset.done $0x0  }
0xf1: {  	s21 =	simm.s32 $0xA900;
	[sflag:s29] =	ssyncadd.s32 $0xFFFFF300  }
0xf2: {  	v3 =	vld [tilespmem:s21+$0xE0]  }
0xf3: {  	v6 =	vld [tilespmem:s21+$0xC0]  }
0xf4: {  	v5 =	vld [tilespmem:s21+$0xA0]  }
0xf5: {  	v7 =	vld [tilespmem:s21+$0x80]  }
0xf6: {  	v9 =	vld [tilespmem:s21+$0x60]  }
0xf7: {  	v17 =	vld [tilespmem:s21+$0x40]  }
0xf8: {  	v18 =	vld [tilespmem:s21+$0x20]  }
0xf9: {  	v19 =	vld [tilespmem:s21+$0x0]  }
0xfa: {  	v8 =	vmax.f32 v15, v8;
	v14 =	vmax.f32 v16, v14;
	v62 =	vld [tilespmem:s21+$0x10]  }
0xfb: {  	v4 =	vmax.f32 v8, v4;
	v8 =	vmax.f32 v14, v10;
	v10 =	vld [tilespmem:s21+$0x30]  }
0xfc: {  	v1 =	vmax.f32 v4, v1;
	v4 =	vmax.f32 v8, v11;
	v8 =	vld [tilespmem:s21+$0x50]  }
0xfd: {  	v2 =	vmax.f32 v1, v2;
	v4 =	vmax.f32 v4, v12;
	v1 =	vld [tilespmem:s21+$0x70]  }
0xfe: {  	v2 =	vmax.f32 v2, v0;
	v4 =	vmax.f32 v4, v13;
	v0 =	vld [tilespmem:s21+$0x90]  }
0xff: {  	v11 =	vmax.f32 v2, v19;
	v4 =	vmax.f32 v4, v62;
	v2 =	vld [tilespmem:s21+$0xB0]  }
0x100: {  	v11 =	vmax.f32 v11, v18;
	v63 =	vmax.f32 v4, v10;
	v4 =	vld [tilespmem:s21+$0xD0]  }
0x101: {  	s19 =	simm.s32 $0x0;
	v10 =	vmax.f32 v11, v17;
	v11 =	vmax.f32 v63, v8;
	v8 =	vld [tilespmem:s21+$0xF0];
	s21 =	simm.s32 $0xAA00  }
.LBB2_13:
0x102: {  	v12 =	vld [tilespmem:s21+$0xE0];
	v9 =	vmax.f32 v10, v9;
	v1 =	vmax.f32 v11, v1  }
0x103: {  	v10 =	vld [tilespmem:s21+$0xC0];
	v7 =	vmax.f32 v9, v7;
	v0 =	vmax.f32 v1, v0  }
0x104: {  	v1 =	vmax.f32 v7, v5;
	v5 =	vld [tilespmem:s21+$0xA0];
	v0 =	vmax.f32 v0, v2  }
0x105: {  	v7 =	vld [tilespmem:s21+$0x80];
	v1 =	vmax.f32 v1, v6;
	v0 =	vmax.f32 v0, v4  }
0x106: {  	v9 =	vld [tilespmem:s21+$0x60];
	v2 =	vmax.f32 v1, v3;
	v4 =	vmax.f32 v0, v8  }
0x107: {  	v8 =	vld [tilespmem:s21+$0x40];
	v3 =	vmov v12  }
0x108: {  	v11 =	vld [tilespmem:s21+$0x20];
	v6 =	vmov v10  }
0x109: {  	v10 =	vld [tilespmem:s21+$0x0]  }
0x10a: {  	s19 =	sadd.s32 $0x8, s19;
	v12 =	vld [tilespmem:s21+$0x10]  }
0x10b: {  	p0 =	slt.u32 s19, $0x60;
	v13 =	vld [tilespmem:s21+$0x30]  }
0x10c: {  	v14 =	vld [tilespmem:s21+$0x50]  }
.Ltmp5:
0x10d: {  	v1 =	vld [tilespmem:s21+$0x70];
	(pc) =	sbr.rel @p0 .LBB2_13-.Ltmp5, $4  }
0x10e: {  	v0 =	vld [tilespmem:s21+$0x90]  }
0x10f: {  	v10 =	vmax.f32 v2, v10;
	v4 =	vmax.f32 v4, v12;
	v2 =	vld [tilespmem:s21+$0xB0]  }
0x110: {  	v10 =	vmax.f32 v10, v11;
	v11 =	vmax.f32 v4, v13;
	v4 =	vld [tilespmem:s21+$0xD0]  }
0x111: {  	v10 =	vmax.f32 v10, v8;
	v11 =	vmax.f32 v11, v14;
	v8 =	vld [tilespmem:s21+$0xF0];
	s21 =	sadd.s32 $0x100, s21  }
0x112: {  	v9 =	vmax.f32 v10, v9  }
0x113: {  	v1 =	vmax.f32 v11, v1;
	v7 =	vmax.f32 v9, v7  }
0x114: {  	v0 =	vmax.f32 v1, v0;
	v1 =	vmax.f32 v7, v5  }
0x115: {  	s17 =	sadd.s32 $0x68, s17;
	v0 =	vmax.f32 v0, v2;
	v1 =	vmax.f32 v1, v6  }
0x116: {  	[tilespmem:s18], [sflag:$0x6] =	stream.indirect.gather [hbm4b:s3+s8], $0x20, s17, s8, $0xb8;
	v0 =	vmax.f32 v0, v4;
	v1 =	vmax.f32 v1, v3;
	[tilespmem:$0xE000] =	vst v63  }
0x117: {  	v0 =	vmax.f32 v0, v8;
	[tilespmem:s13+$0xD040] =	vst v1  }
0x118: {  	[tilespmem:s13+$0xD050] =	vst v0  }
0x119: {  	_ =	swait.ge [sflag:s30], $0xD00  }
0x11a: {  	[sflag:s30] =	ssyncset.done $0x0  }
0x11b: {  	s19 =	simm.s32 $0xB600;
	[sflag:s30] =	ssyncadd.s32 $0xFFFFF300  }
0x11c: {  	v0 =	vld [tilespmem:s19+$0xE0]  }
0x11d: {  	v3 =	vld [tilespmem:s19+$0xC0]  }
0x11e: {  	v1 =	vld [tilespmem:s19+$0xA0]  }
0x11f: {  	v4 =	vld [tilespmem:s19+$0x80]  }
0x120: {  	v8 =	vld [tilespmem:s19+$0x60]  }
0x121: {  	v2 =	vld [tilespmem:s19+$0x40]  }
0x122: {  	v5 =	vld [tilespmem:s19+$0x20]  }
0x123: {  	v6 =	vld [tilespmem:s19+$0x0]  }
0x124: {  	v7 =	vld [tilespmem:s19+$0x10]  }
0x125: {  	v9 =	vld [tilespmem:s19+$0x30]  }
0x126: {  	v13 =	vld [tilespmem:s19+$0x50]  }
0x127: {  	v14 =	vld [tilespmem:s19+$0x70]  }
0x128: {  	v11 =	vimm.f32 $-Inf;
	v10 =	vld [tilespmem:s19+$0x90]  }
0x129: {  	v6 =	vmax.f32 v11, v6;
	v7 =	vmax.f32 v11, v7;
	v11 =	vld [tilespmem:s19+$0xB0]  }
0x12a: {  	v12 =	vld [tilespmem:s19+$0xD0];
	v5 =	vmax.f32 v6, v5;
	v6 =	vmax.f32 v7, v9  }
0x12b: {  	s17 =	simm.s32 $0x0;
	v15 =	vmax.f32 v5, v2;
	v16 =	vmax.f32 v6, v13;
	v13 =	vld [tilespmem:s19+$0xF0];
	s19 =	simm.s32 $0xB700  }
.LBB2_15:
0x12c: {  	v2 =	vld [tilespmem:s19+$0xE0];
	v5 =	vmax.f32 v15, v8;
	v6 =	vmax.f32 v16, v14  }
0x12d: {  	v7 =	vld [tilespmem:s19+$0xC0];
	v4 =	vmax.f32 v5, v4;
	v5 =	vmax.f32 v6, v10  }
0x12e: {  	v6 =	vmax.f32 v4, v1;
	v1 =	vld [tilespmem:s19+$0xA0];
	v5 =	vmax.f32 v5, v11  }
0x12f: {  	v4 =	vld [tilespmem:s19+$0x80];
	v3 =	vmax.f32 v6, v3;
	v5 =	vmax.f32 v5, v12  }
0x130: {  	v8 =	vld [tilespmem:s19+$0x60];
	v6 =	vmax.f32 v3, v0;
	v5 =	vmax.f32 v5, v13  }
0x131: {  	v9 =	vld [tilespmem:s19+$0x40];
	v0 =	vmov v2  }
0x132: {  	v2 =	vld [tilespmem:s19+$0x20];
	v3 =	vmov v7  }
0x133: {  	v7 =	vld [tilespmem:s19+$0x0]  }
0x134: {  	s17 =	sadd.s32 $0x8, s17;
	v11 =	vld [tilespmem:s19+$0x10]  }
0x135: {  	p0 =	slt.u32 s17, $0x60;
	v12 =	vld [tilespmem:s19+$0x30]  }
0x136: {  	v13 =	vld [tilespmem:s19+$0x50]  }
.Ltmp6:
0x137: {  	v14 =	vld [tilespmem:s19+$0x70];
	(pc) =	sbr.rel @p0 .LBB2_15-.Ltmp6, $4  }
0x138: {  	v10 =	vld [tilespmem:s19+$0x90]  }
0x139: {  	v6 =	vmax.f32 v6, v7;
	v5 =	vmax.f32 v5, v11;
	v11 =	vld [tilespmem:s19+$0xB0]  }
0x13a: {  	v2 =	vmax.f32 v6, v2;
	v5 =	vmax.f32 v5, v12;
	v12 =	vld [tilespmem:s19+$0xD0]  }
0x13b: {  	v15 =	vmax.f32 v2, v9;
	v16 =	vmax.f32 v5, v13;
	v13 =	vld [tilespmem:s19+$0xF0];
	s19 =	sadd.s32 $0x100, s19  }
0x13c: {  	s15 =	sadd.s32 $0x7, s15  }
0x13d: {  	s15 =	sand.u32 $0x7F, s15  }
0x13e: {  	s15 =	smul.u32 $0x340, s15;
	_ =	sdelay $0x1  }
0x13f: {  	s15 =	sshrl.u32 s15, $0x2  }
0x140: {  	[tilespmem:s20], [sflag:$0x7] =	stream.indirect.gather [hbm4b:s3+s8], $0x20, s15, s8, $0xb8;
	[tilespmem:$0xE000] =	vst v63  }
0x141: {  	_ =	swait.ge [sflag:s31], $0xD00  }
0x142: {  	[sflag:s31] =	ssyncset.done $0x0  }
0x143: {  	s19 =	simm.s32 $0xC300;
	[sflag:s31] =	ssyncadd.s32 $0xFFFFF300  }
0x144: {  	v2 =	vld [tilespmem:s19+$0xE0]  }
0x145: {  	v6 =	vld [tilespmem:s19+$0xC0]  }
0x146: {  	v5 =	vld [tilespmem:s19+$0xA0]  }
0x147: {  	v7 =	vld [tilespmem:s19+$0x80]  }
0x148: {  	v9 =	vld [tilespmem:s19+$0x60]  }
0x149: {  	v17 =	vld [tilespmem:s19+$0x40]  }
0x14a: {  	v18 =	vld [tilespmem:s19+$0x20]  }
0x14b: {  	v19 =	vld [tilespmem:s19+$0x0]  }
0x14c: {  	v8 =	vmax.f32 v15, v8;
	v14 =	vmax.f32 v16, v14;
	v62 =	vld [tilespmem:s19+$0x10]  }
0x14d: {  	v4 =	vmax.f32 v8, v4;
	v8 =	vmax.f32 v14, v10;
	v10 =	vld [tilespmem:s19+$0x30]  }
0x14e: {  	v1 =	vmax.f32 v4, v1;
	v4 =	vmax.f32 v8, v11;
	v8 =	vld [tilespmem:s19+$0x50]  }
0x14f: {  	v1 =	vmax.f32 v1, v3;
	v3 =	vmax.f32 v4, v12;
	v4 =	vld [tilespmem:s19+$0x70]  }
0x150: {  	v1 =	vmax.f32 v1, v0;
	v3 =	vmax.f32 v3, v13;
	v0 =	vld [tilespmem:s19+$0x90]  }
0x151: {  	v11 =	vmax.f32 v1, v19;
	v3 =	vmax.f32 v3, v62;
	v1 =	vld [tilespmem:s19+$0xB0]  }
0x152: {  	v11 =	vmax.f32 v11, v18;
	v63 =	vmax.f32 v3, v10;
	v3 =	vld [tilespmem:s19+$0xD0]  }
0x153: {  	s17 =	simm.s32 $0x0;
	v10 =	vmax.f32 v11, v17;
	v11 =	vmax.f32 v63, v8;
	v8 =	vld [tilespmem:s19+$0xF0];
	s19 =	simm.s32 $0xC400  }
.LBB2_17:
0x154: {  	v12 =	vld [tilespmem:s19+$0xE0];
	v9 =	vmax.f32 v10, v9;
	v4 =	vmax.f32 v11, v4  }
0x155: {  	v10 =	vld [tilespmem:s19+$0xC0];
	v7 =	vmax.f32 v9, v7;
	v0 =	vmax.f32 v4, v0  }
0x156: {  	v4 =	vmax.f32 v7, v5;
	v5 =	vld [tilespmem:s19+$0xA0];
	v0 =	vmax.f32 v0, v1  }
0x157: {  	v7 =	vld [tilespmem:s19+$0x80];
	v1 =	vmax.f32 v4, v6;
	v0 =	vmax.f32 v0, v3  }
0x158: {  	v9 =	vld [tilespmem:s19+$0x60];
	v1 =	vmax.f32 v1, v2;
	v3 =	vmax.f32 v0, v8  }
0x159: {  	v8 =	vld [tilespmem:s19+$0x40];
	v2 =	vmov v12  }
0x15a: {  	v11 =	vld [tilespmem:s19+$0x20];
	v6 =	vmov v10  }
0x15b: {  	v10 =	vld [tilespmem:s19+$0x0]  }
0x15c: {  	s17 =	sadd.s32 $0x8, s17;
	v12 =	vld [tilespmem:s19+$0x10]  }
0x15d: {  	p0 =	slt.u32 s17, $0x60;
	v13 =	vld [tilespmem:s19+$0x30]  }
0x15e: {  	v14 =	vld [tilespmem:s19+$0x50]  }
.Ltmp7:
0x15f: {  	v4 =	vld [tilespmem:s19+$0x70];
	(pc) =	sbr.rel @p0 .LBB2_17-.Ltmp7, $4  }
0x160: {  	v0 =	vld [tilespmem:s19+$0x90]  }
0x161: {  	v10 =	vmax.f32 v1, v10;
	v3 =	vmax.f32 v3, v12;
	v1 =	vld [tilespmem:s19+$0xB0]  }
0x162: {  	v10 =	vmax.f32 v10, v11;
	v11 =	vmax.f32 v3, v13;
	v3 =	vld [tilespmem:s19+$0xD0]  }
0x163: {  	v10 =	vmax.f32 v10, v8;
	v11 =	vmax.f32 v11, v14;
	v8 =	vld [tilespmem:s19+$0xF0];
	s19 =	sadd.s32 $0x100, s19  }
0x164: {  	v9 =	vmax.f32 v10, v9;
	s11 =	sadd.s32 $0x1, s11  }
0x165: {  	v4 =	vmax.f32 v11, v4;
	v7 =	vmax.f32 v9, v7;
	p0 =	sne.s32 s11, $0x20  }
.Ltmp8:
0x166: {  	v0 =	vmax.f32 v4, v0;
	v62 =	vmax.f32 v7, v5;
	(pc) =	sbr.rel @p0 .LBB2_2-.Ltmp8, $4  }
0x167: {  	s15 =	sadd.s32 $0x68, s15;
	v0 =	vmax.f32 v0, v1;
	v63 =	vmax.f32 v62, v6  }
0x168: {  	[tilespmem:s22], [sflag:$0x8] =	stream.indirect.gather [hbm4b:s3+s8], $0x20, s15, s8, $0xb8;
	v0 =	vmax.f32 v0, v3;
	v1 =	vmax.f32 v63, v2;
	[tilespmem:$0xE000] =	vst v63  }
0x169: {  	v0 =	vmax.f32 v0, v8;
	[tilespmem:s13+$0xD060] =	vst v1  }
0x16a: {  	[tilespmem:s13+$0xD070] =	vst v0  }
0x16b: {  	_ =	swait.ge [sflag:s23], $0xD00  }
0x16c: {  	[sflag:s23] =	ssyncset.done $0x0  }
0x16d: {  	[sflag:s23] =	ssyncadd.s32 $0xFFFFF300  }
0x16e: {  	_ =	swait.ge [sflag:s24], $0xD00  }
0x16f: {  	[sflag:s24] =	ssyncset.done $0x0  }
0x170: {  	[sflag:s24] =	ssyncadd.s32 $0xFFFFF300  }
0x171: {  	_ =	swait.ge [sflag:s25], $0xD00  }
0x172: {  	[sflag:s25] =	ssyncset.done $0x0  }
0x173: {  	[sflag:s25] =	ssyncadd.s32 $0xFFFFF300  }
0x174: {  	_ =	swait.ge [sflag:s26], $0xD00  }
0x175: {  	[sflag:s26] =	ssyncset.done $0x0  }
0x176: {  	[sflag:s26] =	ssyncadd.s32 $0xFFFFF300  }
0x177: {  	_ =	swait.ge [sflag:s28], $0xD00  }
0x178: {  	[sflag:s28] =	ssyncset.done $0x0  }
0x179: {  	[sflag:s28] =	ssyncadd.s32 $0xFFFFF300  }
0x17a: {  	_ =	swait.ge [sflag:s29], $0xD00  }
0x17b: {  	[sflag:s29] =	ssyncset.done $0x0  }
0x17c: {  	[sflag:s29] =	ssyncadd.s32 $0xFFFFF300  }
0x17d: {  	_ =	swait.ge [sflag:s30], $0xD00  }
0x17e: {  	[sflag:s30] =	ssyncset.done $0x0  }
0x17f: {  	[sflag:s30] =	ssyncadd.s32 $0xFFFFF300  }
0x180: {  	s0 =	sadd.s32 $0x1, s0;
	_ =	swait.ge [sflag:s31], $0xD00  }
0x181: {  	p0 =	sne.s32 s0, s6;
	[sflag:s31] =	ssyncset.done $0x0  }
.Ltmp9:
0x182: {  	[sflag:s31] =	ssyncadd.s32 $0xFFFFF300;
	(pc) =	sbr.rel @p0 .LBB2_1-.Ltmp9, $4  }
0x183: {  	[hbm4b:s5+s2] =	stream.linear.scatter [tilespmem:s1], [sflag:$0x9], $0x1000, $0x38;
	[tilespmem:$0xE000] =	vst v63  }
0x184: {  	_ =	swait.ge [sflag:s7], $0x1000  }
0x185: {  	[sflag:s7] =	ssyncset.done $0x0  }
0x186: {  	[sflag:s7] =	ssyncadd.s32 $0xFFFFF000  }
0x187: {  	_ =	sfence.sel $0x180000  }
0x188: {  	[bflag:$0x0] =	sbarrier.arrive $0xFFFF  }
0x189: {  	_ =	strace $0x90000047  }
0x18a: {  	s0 =	stileid.u32;
	[bflag:$0x2] =	sbarrier.arrive $0xFFFF  }
0x18b: {  	p0 =	sne.s32 s0, $0x0;
	s0 =	rddreg [dreg:$0x1]  }
0x18c: {  	s0 =	sadd.s32 @!p0 $0x100000, s0  }
0x18d: {  	[sflag:s0] =	ssyncadd.tile.s32 @!p0 $0x1;
	_ =	shalt  }
.Lfunc_end2:
_tile_overlayer_lowered:
.L_overlay_start_2:
0x18e: {  	(tag) =	ssettag $0x2  }
0x18f: {  	s0 =	rddreg [dreg:$0x0];
	s2 =	stileid.u32  }
0x190: {  	s1 =	rddreg [dreg:$0x1];
	p0 =	sne.s32 s2, $0x0  }
0x191: {  	s3 =	rddreg [dreg:$0x2];
	[bflag:$0x3] =	sbarrier.arrive $0xFFFF;
	s2 =	simm.s32 @!p0 $0x1C09  }
0x192: {  	[timem:s3], [sflag:s2] =	dma.local @!p0 [hbm:s0], s1  }
0x193: {  	s0 =	simm.s32 @!p0 $0x9  }
0x194: {  	_ =	swait.ge @!p0 [sflag:s0], s1  }
0x195: {  	s1 =	ssub.s32 @!p0 $0x0, s1;
	[sflag:s0] =	ssyncset.done @!p0 $0x0  }
0x196: {  	[sflag:s0] =	ssyncadd.s32 @!p0 s1  }
0x197: {  	[bflag:$0x3] =	sbarrier.arrive $0xFFFF  }
0x198: {  	_ =	shalt  }

</sc_bundles>
